<compile_context>
chip_gen: v7x
topology: tpu7x:2x2x1
jax: 0.10.2.dev20260603
libtpu: 0.0.44.dev20260713+nightly
codegen_flags: <defaults>
</compile_context>

<pallas_src>
import functools

import jax
import jax.numpy as jnp
from jax import lax
from jax.experimental import pallas as pl
from jax.experimental.pallas import tpu as pltpu
from jax.experimental.pallas import tpu_sc as plsc

NE = 512
ED = 256
K = 5
B = 8192
BLK = 1024
NBLK = B // BLK


def _bf(v):
    return v.astype(jnp.bfloat16).astype(jnp.float32)


def _twosum(a, b):
    s = a + b
    bp = s - a
    ap = s - bp
    return s, (a - ap) + (b - bp)


def _wide_trunc_sum(terms):
    s = terms[0]
    e = jnp.zeros_like(s)
    for t in terms[1:]:
        s, err = _twosum(s, t)
        e = e + err
    down = lax.bitcast_convert_type(
        lax.bitcast_convert_type(s, jnp.int32) - 1, jnp.float32)
    return jnp.where(s * e < 0, down, s)


def _argmax_first(a, iota):
    m = jnp.max(a, axis=1, keepdims=True)
    return jnp.min(jnp.where(a == m, iota, NE), axis=1, keepdims=True)


def _phase1_body(zt_ref, dn_ref, hb_ref, idx_ref, hbsel_ref, g_ref):
    dnb = dn_ref[...].astype(jnp.bfloat16)

    @pl.when(pl.program_id(0) == 0)
    def _():
        g_ref[...] = lax.dot_general(dnb, dnb, (((0,), (0,)), ((), ())),
                                     preferred_element_type=jnp.float32)

    hb = lax.dot_general(zt_ref[...].astype(jnp.bfloat16), dnb,
                         (((1,), (0,)), ((), ())),
                         preferred_element_type=jnp.float32)
    hb_ref[...] = hb
    iota = lax.broadcasted_iota(jnp.int32, (BLK, NE), 1)
    idx = _argmax_first(jnp.abs(hb), iota)
    e = (iota == idx).astype(jnp.float32)
    idx_ref[...] = idx
    hbsel_ref[...] = jnp.sum(hb * e, axis=1, keepdims=True)


def _make_phase_body(k):
    def body(*refs):
        hb_ref = refs[0]
        grow_refs = refs[1:1 + k]
        xs_ref = refs[1 + k]
        idx_refs = refs[2 + k:2 + 2 * k]
        idx_ref, hbsel_ref, gstack_ref = refs[2 + 2 * k:]

        hb = hb_ref[...]
        grows = [r[...] for r in grow_refs]
        if k == 1:
            beta = xs_ref[:, 0:1] * grows[0]
        else:
            terms = [_bf(xs_ref[:, j:j + 1]) * _bf(grows[j]) for j in range(k)]
            beta = _wide_trunc_sum(terms)
        h = hb - beta

        iota = lax.broadcasted_iota(jnp.int32, (BLK, NE), 1)
        a = jnp.abs(h)
        for r in idx_refs:
            a = jnp.where(iota == r[...], 0.0, a)
        idx = _argmax_first(a, iota)
        e = (iota == idx).astype(jnp.float32)
        idx_ref[...] = idx
        hbsel_ref[...] = jnp.sum(hb * e, axis=1, keepdims=True)
        gstack_ref[...] = jnp.concatenate(
            [jnp.sum(grows[j] * e, axis=1, keepdims=True) for j in range(k)],
            axis=1)
    return body


def _final_body(zt_ref, dn_ref, xs_ref, i0, i1, i2, i3, i4,
                x_ref, zst_ref, loss_ref):
    iota = lax.broadcasted_iota(jnp.int32, (BLK, NE), 1)
    idx_refs = (i0, i1, i2, i3, i4)
    x = jnp.zeros((BLK, NE), jnp.float32)
    for j in range(K):
        x = x + xs_ref[:, j:j + 1] * (iota == idx_refs[j][...]).astype(
            jnp.float32)
    x_ref[...] = x
    z = zt_ref[...]
    zdl = lax.dot_general(x.astype(jnp.bfloat16),
                          dn_ref[...].astype(jnp.bfloat16),
                          (((1,), (1,)), ((), ())),
                          preferred_element_type=jnp.float32)
    zst_ref[...] = z + (zdl - z)
    diff = zdl - z
    loss_ref[...] = jnp.full((1, 1, 128), jnp.sum(diff * diff), jnp.float32)


def _phase_call(k, hb, grows, xs, idxs):
    body = _make_phase_body(k)
    in_specs =([pl.BlockSpec((BLK, NE), lambda b: (b, 0))] * (1 + k)
                + [pl.BlockSpec((BLK, k), lambda b: (b, 0))]
                + [pl.BlockSpec((BLK, 1), lambda b: (b, 0))] * k)
    out_specs = (pl.BlockSpec((BLK, 1), lambda b: (b, 0)),
                 pl.BlockSpec((BLK, 1), lambda b: (b, 0)),
                 pl.BlockSpec((BLK, k), lambda b: (b, 0)))
    out_shape = (jax.ShapeDtypeStruct((B, 1), jnp.int32),
                 jax.ShapeDtypeStruct((B, 1), jnp.float32),
                 jax.ShapeDtypeStruct((B, k), jnp.float32))
    return pl.pallas_call(body, grid=(NBLK,), in_specs=in_specs,
                          out_specs=out_specs, out_shape=out_shape)(
        hb, *grows, xs, *idxs)



_SC_CHUNK = 128


def _sc_gather(table, idx):
    info = plsc.get_sparse_core_info()
    nc, ns = info.num_cores, info.num_subcores
    nw = nc * ns
    b_per_w = B // nw
    nch = b_per_w // _SC_CHUNK
    mesh = plsc.VectorSubcoreMesh(core_axis_name="c", subcore_axis_name="s")

    @functools.partial(
        pl.kernel, mesh=mesh,
        out_type=jax.ShapeDtypeStruct((B, NE), jnp.float32),
        scratch_types=[
            pltpu.VMEM((_SC_CHUNK,), jnp.int32),
            pltpu.VMEM((_SC_CHUNK, NE), jnp.float32),
            pltpu.SemaphoreType.DMA,
        ],
    )
    def k(table_hbm, idx_hbm, out_hbm, idx_v, rows_v, sem):
        wid = lax.axis_index("s") * nc + lax.axis_index("c")
        for c in range(nch):
            base = wid * b_per_w + c * _SC_CHUNK
            pltpu.sync_copy(idx_hbm.at[pl.ds(base, _SC_CHUNK)], idx_v)
            pltpu.async_copy(table_hbm.at[idx_v], rows_v, sem).wait()
            pltpu.sync_copy(rows_v, out_hbm.at[pl.ds(base, _SC_CHUNK)])

    return k(table, idx)


def _solve(L, hbsels):
    h_stack = jnp.concatenate(hbsels, axis=1)[..., None]
    y = jax.scipy.linalg.solve_triangular(L, h_stack, lower=True)
    x_stack = jax.scipy.linalg.solve_triangular(
        jnp.transpose(L, (0, 2, 1)), y, lower=False)
    return x_stack[..., 0]


@jax.jit
def kernel(z_e, dictionary):
    dn = dictionary / jnp.linalg.norm(dictionary, axis=0, keepdims=True)
    zt = jnp.transpose(z_e, (0, 2, 3, 1)).reshape(ED, B).T

    hb, idx1, hbsel1, g = pl.pallas_call(
        _phase1_body,
        grid=(NBLK,),
        in_specs=[pl.BlockSpec((BLK, ED), lambda b: (b, 0)),
                  pl.BlockSpec((ED, NE), lambda b: (0, 0))],
        out_specs=(pl.BlockSpec((BLK, NE), lambda b: (b, 0)),
                   pl.BlockSpec((BLK, 1), lambda b: (b, 0)),
                   pl.BlockSpec((BLK, 1), lambda b: (b, 0)),
                   pl.BlockSpec((NE, NE), lambda b: (0, 0))),
        out_shape=(jax.ShapeDtypeStruct((B, NE), jnp.float32),
                   jax.ShapeDtypeStruct((B, 1), jnp.int32),
                   jax.ShapeDtypeStruct((B, 1), jnp.float32),
                   jax.ShapeDtypeStruct((NE, NE), jnp.float32)))(zt, dn)

    idxs, hbsels, grows = [idx1], [hbsel1], []
    L = jnp.ones((B, 1, 1), jnp.float32)
    xs = _solve(L, hbsels)
    grows.append(_sc_gather(g, idx1[:, 0]))

    for k in range(1, K):
        idx_k, hbsel_k, gstack = _phase_call(k, hb, grows, xs, idxs)
        if k < K - 1:
            grows.append(_sc_gather(g, idx_k[:, 0]))
        G_stack = gstack.reshape(B, k, 1)
        w = jax.scipy.linalg.solve_triangular(
            L, G_stack, lower=True).reshape(B, 1, k)
        w_corner = jnp.sqrt(jnp.clip(
            1.0 - jnp.sum(w ** 2, axis=2, keepdims=True), 0.0, None))
        k_zeros = jnp.zeros((B, k, 1), jnp.float32)
        L = jnp.concatenate([jnp.concatenate([L, k_zeros], axis=2),
                             jnp.concatenate([w, w_corner], axis=2)], axis=1)
        idxs.append(idx_k)
        hbsels.append(hbsel_k)
        xs = _solve(L, hbsels)

    x, zst, losses = pl.pallas_call(
        _final_body,
        grid=(NBLK,),
        in_specs=([pl.BlockSpec((BLK, ED), lambda b: (b, 0)),
                   pl.BlockSpec((ED, NE), lambda b: (0, 0)),
                   pl.BlockSpec((BLK, K), lambda b: (b, 0))]
                  + [pl.BlockSpec((BLK, 1), lambda b: (b, 0))] * K),
        out_specs=(pl.BlockSpec((BLK, NE), lambda b: (b, 0)),
                   pl.BlockSpec((BLK, ED), lambda b: (b, 0)),
                   pl.BlockSpec((1, 1, 128), lambda b: (b, 0, 0))),
        out_shape=(jax.ShapeDtypeStruct((B, NE), jnp.float32),
                   jax.ShapeDtypeStruct((B, ED), jnp.float32),
                   jax.ShapeDtypeStruct((NBLK, 1, 128), jnp.float32)))(
        zt, dn, xs, *idxs)

    coefficients = x.T
    z_st = jnp.transpose(zst.T.reshape(8, 32, 32, ED), (0, 3, 1, 2))
    loss = jnp.sum(losses[:, 0, 0]) * (1.0 + 0.25) / (8 * 32 * 32 * ED)
    return z_st, loss, coefficients

# --- scband reference (transcript-rebuilt; emitter-appended) ---
"""Pipeline reference for scband-dictionary-learning-12824772346354 (READ-ONLY COPY).

The authoritative reference and input builder live on the scoring server;
editing this copy changes nothing except your own understanding.
"""

import jax, jax.numpy as jnp
import numpy as np

NUM_EMBEDDINGS = 512
EMBEDDING_DIM = 256
SPARSITY_LEVEL = 5
COMMITMENT_COST = 0.25

def setup_inputs(seed: int = 0):
    key = jax.random.key(seed)
    k1, k2 = jax.random.split(key)
    z_e = jax.random.normal(k1, (8, EMBEDDING_DIM, 32, 32), dtype=jnp.float32)
    dictionary = jax.random.normal(k2, (EMBEDDING_DIM, NUM_EMBEDDINGS), dtype=jnp.float32)
    dictionary = dictionary / jnp.linalg.norm(dictionary, axis=0, keepdims=True)
    return {"z_e": z_e, "dictionary": dictionary}

def _batch_omp(data, dictionary, max_nonzero):
    vector_dim, batch_size = data.shape
    Dt = dictionary.T
    G = Dt @ dictionary
    eps = jnp.linalg.norm(data, axis=0)
    h_bar = (Dt @ data).T
    h = h_bar
    x = jnp.zeros_like(h_bar)
    L = jnp.ones((batch_size, 1, 1), dtype=data.dtype)
    I = jnp.zeros((batch_size, 0), dtype=jnp.int32)
    I_logic = jnp.zeros(h_bar.shape, dtype=bool)
    delta = jnp.zeros((batch_size,), dtype=data.dtype)
    batch_idx = jnp.arange(batch_size)
    for k in range(1, max_nonzero + 1):
        index = jnp.argmax(jnp.abs(h * (~I_logic).astype(h.dtype)), axis=1)
        I_logic = I_logic.at[batch_idx, index].set(True)
        if k > 1:
            G_stack = G[I, index[:, None]].reshape(batch_size, k - 1, 1)
            w = jax.scipy.linalg.solve_triangular(L, G_stack, lower=True).reshape(batch_size, 1, k - 1)
            w_corner = jnp.sqrt(jnp.clip(1.0 - jnp.sum(w ** 2, axis=2, keepdims=True), 0.0, None))
        k_zeros = jnp.zeros((batch_size, k - 1, 1), dtype=data.dtype)
        if k > 1:
            L = jnp.concatenate([jnp.concatenate([L, k_zeros], axis=2),
                                 jnp.concatenate([w, w_corner], axis=2)], axis=1)
        I = jnp.concatenate([I, index[:, None].astype(jnp.int32)], axis=1)
        h_stack = h_bar[batch_idx[:, None], I].reshape(batch_size, k, 1)
        y_stack = jax.scipy.linalg.solve_triangular(L, h_stack, lower=True)
        x_stack = jax.scipy.linalg.solve_triangular(jnp.transpose(L, (0, 2, 1)), y_stack, lower=False)
        x = x.at[batch_idx[:, None], I].set(x_stack[..., 0])
        xi = x[batch_idx[:, None], I]
        beta = jnp.einsum('bk,bkn->bn', xi, G[I])
        h = h_bar - beta
        new_delta = jnp.sum(x * beta, axis=1)
        eps = eps + delta - new_delta
        delta = new_delta
    return x.T

def reference(z_e, dictionary):
    z = jnp.transpose(z_e, (0, 2, 3, 1))
    input_shape = z.shape
    ze_flat = z.reshape(EMBEDDING_DIM, -1)
    D = dictionary / jnp.linalg.norm(dictionary, axis=0, keepdims=True)
    coefficients = _batch_omp(ze_flat, D, SPARSITY_LEVEL)
    z_dl = (D @ coefficients).reshape(input_shape)
    e_latent_loss = jnp.mean((jax.lax.stop_gradient(z_dl) - z) ** 2)
    dl_latent_loss = jnp.mean((z_dl - jax.lax.stop_gradient(z)) ** 2)
    loss = COMMITMENT_COST * e_latent_loss + dl_latent_loss
    z_st = z + jax.lax.stop_gradient(z_dl - z)
    return jnp.transpose(z_st, (0, 3, 1, 2)), loss, coefficients

if __name__ == "__main__":
    import jax
    _d = setup_inputs()
    print(jax.jit(kernel)(*tuple(_d.values())))

</pallas_src>

<mosaic_0001>
#map = affine_map<(d0, d1) -> (0, 0)>
#map1 = affine_map<(d0, d1) -> (0)>
module attributes {stable_mosaic.version = 14 : i64} {
  func.func @k(%arg0: i32, %arg1: i32, %arg2: memref<512x512xf32, #tpu.memory_space<hbm>>, %arg3: memref<8192xi32, #tpu.memory_space<hbm>>, %arg4: memref<8192x512xf32, #tpu.memory_space<hbm>>, %arg5: memref<128xi32, #tpu.memory_space<vmem>>, %arg6: memref<128x512xf32, #tpu.memory_space<vmem>>, %arg7: memref<!tpu.dma_semaphore, #tpu.memory_space<semaphore_mem>>) attributes {dimension_semantics = [#tpu.dimension_semantics<core_parallel>, #tpu.dimension_semantics<subcore_parallel>], iteration_bounds = array<i64: 2, 16>, scalar_prefetch = 0 : i64, scratch_operands = 3 : i64, tpu.core_type = #tpu.core_type<sc_vector_subcore>, window_params = [{transform_indices = #map}, {transform_indices = #map1}, {transform_indices = #map}]} {
    %mul3A = arith.constant 2 : i32
    %mul3A_0 = arith.muli %arg1, %mul3A : i32
    %add3A = arith.addi %mul3A_0, %arg0 : i32
    %mul3A_1 = arith.constant 256 : i32
    %mul3A_2 = arith.muli %add3A, %mul3A_1 : i32
    %add3A_3 = arith.constant 0 : i32
    %add3A_4 = arith.addi %mul3A_2, %add3A_3 : i32
    "tpu.region"() ({
      %run_scoped3A = tpu.sem_alloc : memref<!tpu.dma_semaphore, #tpu.memory_space<semaphore_mem>>
      %dma_start3A_19 = tpu.memref_slice %arg3[%add3A_4] : memref<8192xi32, #tpu.memory_space<hbm>> -> memref<128xi32, #tpu.memory_space<hbm>>
      %dma_start3A_20 = tpu.memref_slice %arg3[%add3A_4] : memref<8192xi32, #tpu.memory_space<hbm>> -> memref<128xi32, #tpu.memory_space<hbm>>
      tpu.enqueue_dma source(%dma_start3A_20 : memref<128xi32, #tpu.memory_space<hbm>>) target(%arg5 : memref<128xi32, #tpu.memory_space<vmem>>) target_semaphore(%run_scoped3A : memref<!tpu.dma_semaphore, #tpu.memory_space<semaphore_mem>>)
      %dma_wait3A_21 = tpu.memref_slice %arg3[%add3A_4] : memref<8192xi32, #tpu.memory_space<hbm>> -> memref<128xi32, #tpu.memory_space<hbm>>
      %dma_wait3A_22 = tpu.memref_slice %arg3[%add3A_4] : memref<8192xi32, #tpu.memory_space<hbm>> -> memref<128xi32, #tpu.memory_space<hbm>>
      tpu.wait_dma2 semaphore(%run_scoped3A : memref<!tpu.dma_semaphore, #tpu.memory_space<semaphore_mem>>) src(%dma_wait3A_22 : memref<128xi32, #tpu.memory_space<hbm>>) dst(%arg5 : memref<128xi32, #tpu.memory_space<vmem>>)
      tpu.yield
    }) : () -> ()
    %dma_start3A = arith.constant 0 : i32
    %dma_start3A_5 = arith.constant 0 : i32
    %dma_start3A_6 = tpu.memref_slice %arg2[%dma_start3A, %dma_start3A_5] : memref<512x512xf32, #tpu.memory_space<hbm>> -> memref<512x512xf32, #tpu.memory_space<hbm>>
    tpu.enqueue_indirect_dma source(%dma_start3A_6 : memref<512x512xf32, #tpu.memory_space<hbm>>) target(%arg6 : memref<128x512xf32, #tpu.memory_space<vmem>>) offsets(%arg5 : memref<128xi32, #tpu.memory_space<vmem>>) semaphore(%arg7 : memref<!tpu.dma_semaphore, #tpu.memory_space<semaphore_mem>>)
    %dma_wait3A = arith.constant 0 : i32
    %dma_wait3A_7 = arith.constant 0 : i32
    %dma_wait3A_8 = tpu.memref_slice %arg2[%dma_wait3A, %dma_wait3A_7] : memref<512x512xf32, #tpu.memory_space<hbm>> -> memref<512x512xf32, #tpu.memory_space<hbm>>
    tpu.wait_indirect_dma semaphore(%arg7 : memref<!tpu.dma_semaphore, #tpu.memory_space<semaphore_mem>>) src(%dma_wait3A_8 : memref<512x512xf32, #tpu.memory_space<hbm>>) dst(%arg6 : memref<128x512xf32, #tpu.memory_space<vmem>>)
    "tpu.region"() ({
      %run_scoped3A = tpu.sem_alloc : memref<!tpu.dma_semaphore, #tpu.memory_space<semaphore_mem>>
      %dma_start3A_19 = arith.constant 0 : i32
      %dma_start3A_20 = tpu.memref_slice %arg4[%add3A_4, %dma_start3A_19] : memref<8192x512xf32, #tpu.memory_space<hbm>> -> memref<128x512xf32, #tpu.memory_space<hbm>>
      %dma_start3A_21 = arith.constant 0 : i32
      %dma_start3A_22 = tpu.memref_slice %arg4[%add3A_4, %dma_start3A_21] : memref<8192x512xf32, #tpu.memory_space<hbm>> -> memref<128x512xf32, #tpu.memory_space<hbm>>
      tpu.enqueue_dma source(%arg6 : memref<128x512xf32, #tpu.memory_space<vmem>>) target(%dma_start3A_22 : memref<128x512xf32, #tpu.memory_space<hbm>>) target_semaphore(%run_scoped3A : memref<!tpu.dma_semaphore, #tpu.memory_space<semaphore_mem>>)
      %dma_wait3A_23 = arith.constant 0 : i32
      %dma_wait3A_24 = tpu.memref_slice %arg4[%add3A_4, %dma_wait3A_23] : memref<8192x512xf32, #tpu.memory_space<hbm>> -> memref<128x512xf32, #tpu.memory_space<hbm>>
      %dma_wait3A_25 = arith.constant 0 : i32
      %dma_wait3A_26 = tpu.memref_slice %arg4[%add3A_4, %dma_wait3A_25] : memref<8192x512xf32, #tpu.memory_space<hbm>> -> memref<128x512xf32, #tpu.memory_space<hbm>>
      tpu.wait_dma2 semaphore(%run_scoped3A : memref<!tpu.dma_semaphore, #tpu.memory_space<semaphore_mem>>) src(%arg6 : memref<128x512xf32, #tpu.memory_space<vmem>>) dst(%dma_wait3A_26 : memref<128x512xf32, #tpu.memory_space<hbm>>)
      tpu.yield
    }) : () -> ()
    %mul3A_9 = arith.constant 256 : i32
    %mul3A_10 = arith.muli %add3A, %mul3A_9 : i32
    %add3A_11 = arith.constant 128 : i32
    %add3A_12 = arith.addi %mul3A_10, %add3A_11 : i32
    "tpu.region"() ({
      %run_scoped3A = tpu.sem_alloc : memref<!tpu.dma_semaphore, #tpu.memory_space<semaphore_mem>>
      %dma_start3A_19 = tpu.memref_slice %arg3[%add3A_12] : memref<8192xi32, #tpu.memory_space<hbm>> -> memref<128xi32, #tpu.memory_space<hbm>>
      %dma_start3A_20 = tpu.memref_slice %arg3[%add3A_12] : memref<8192xi32, #tpu.memory_space<hbm>> -> memref<128xi32, #tpu.memory_space<hbm>>
      tpu.enqueue_dma source(%dma_start3A_20 : memref<128xi32, #tpu.memory_space<hbm>>) target(%arg5 : memref<128xi32, #tpu.memory_space<vmem>>) target_semaphore(%run_scoped3A : memref<!tpu.dma_semaphore, #tpu.memory_space<semaphore_mem>>)
      %dma_wait3A_21 = tpu.memref_slice %arg3[%add3A_12] : memref<8192xi32, #tpu.memory_space<hbm>> -> memref<128xi32, #tpu.memory_space<hbm>>
      %dma_wait3A_22 = tpu.memref_slice %arg3[%add3A_12] : memref<8192xi32, #tpu.memory_space<hbm>> -> memref<128xi32, #tpu.memory_space<hbm>>
      tpu.wait_dma2 semaphore(%run_scoped3A : memref<!tpu.dma_semaphore, #tpu.memory_space<semaphore_mem>>) src(%dma_wait3A_22 : memref<128xi32, #tpu.memory_space<hbm>>) dst(%arg5 : memref<128xi32, #tpu.memory_space<vmem>>)
      tpu.yield
    }) : () -> ()
    %dma_start3A_13 = arith.constant 0 : i32
    %dma_start3A_14 = arith.constant 0 : i32
    %dma_start3A_15 = tpu.memref_slice %arg2[%dma_start3A_13, %dma_start3A_14] : memref<512x512xf32, #tpu.memory_space<hbm>> -> memref<512x512xf32, #tpu.memory_space<hbm>>
    tpu.enqueue_indirect_dma source(%dma_start3A_15 : memref<512x512xf32, #tpu.memory_space<hbm>>) target(%arg6 : memref<128x512xf32, #tpu.memory_space<vmem>>) offsets(%arg5 : memref<128xi32, #tpu.memory_space<vmem>>) semaphore(%arg7 : memref<!tpu.dma_semaphore, #tpu.memory_space<semaphore_mem>>)
    %dma_wait3A_16 = arith.constant 0 : i32
    %dma_wait3A_17 = arith.constant 0 : i32
    %dma_wait3A_18 = tpu.memref_slice %arg2[%dma_wait3A_16, %dma_wait3A_17] : memref<512x512xf32, #tpu.memory_space<hbm>> -> memref<512x512xf32, #tpu.memory_space<hbm>>
    tpu.wait_indirect_dma semaphore(%arg7 : memref<!tpu.dma_semaphore, #tpu.memory_space<semaphore_mem>>) src(%dma_wait3A_18 : memref<512x512xf32, #tpu.memory_space<hbm>>) dst(%arg6 : memref<128x512xf32, #tpu.memory_space<vmem>>)
    "tpu.region"() ({
      %run_scoped3A = tpu.sem_alloc : memref<!tpu.dma_semaphore, #tpu.memory_space<semaphore_mem>>
      %dma_start3A_19 = arith.constant 0 : i32
      %dma_start3A_20 = tpu.memref_slice %arg4[%add3A_12, %dma_start3A_19] : memref<8192x512xf32, #tpu.memory_space<hbm>> -> memref<128x512xf32, #tpu.memory_space<hbm>>
      %dma_start3A_21 = arith.constant 0 : i32
      %dma_start3A_22 = tpu.memref_slice %arg4[%add3A_12, %dma_start3A_21] : memref<8192x512xf32, #tpu.memory_space<hbm>> -> memref<128x512xf32, #tpu.memory_space<hbm>>
      tpu.enqueue_dma source(%arg6 : memref<128x512xf32, #tpu.memory_space<vmem>>) target(%dma_start3A_22 : memref<128x512xf32, #tpu.memory_space<hbm>>) target_semaphore(%run_scoped3A : memref<!tpu.dma_semaphore, #tpu.memory_space<semaphore_mem>>)
      %dma_wait3A_23 = arith.constant 0 : i32
      %dma_wait3A_24 = tpu.memref_slice %arg4[%add3A_12, %dma_wait3A_23] : memref<8192x512xf32, #tpu.memory_space<hbm>> -> memref<128x512xf32, #tpu.memory_space<hbm>>
      %dma_wait3A_25 = arith.constant 0 : i32
      %dma_wait3A_26 = tpu.memref_slice %arg4[%add3A_12, %dma_wait3A_25] : memref<8192x512xf32, #tpu.memory_space<hbm>> -> memref<128x512xf32, #tpu.memory_space<hbm>>
      tpu.wait_dma2 semaphore(%run_scoped3A : memref<!tpu.dma_semaphore, #tpu.memory_space<semaphore_mem>>) src(%arg6 : memref<128x512xf32, #tpu.memory_space<vmem>>) dst(%dma_wait3A_26 : memref<128x512xf32, #tpu.memory_space<hbm>>)
      tpu.yield
    }) : () -> ()
    return
  }
}

#map = affine_map<(d0, d1) -> (0, 0)>
#map1 = affine_map<(d0, d1) -> (0)>
module attributes {stable_mosaic.version = 14 : i64} {
  func.func @k(%arg0: i32, %arg1: i32, %arg2: memref<512x512xf32, #tpu.memory_space<hbm>>, %arg3: memref<8192xi32, #tpu.memory_space<hbm>>, %arg4: memref<8192x512xf32, #tpu.memory_space<hbm>>, %arg5: memref<128xi32, #tpu.memory_space<vmem>>, %arg6: memref<128x512xf32, #tpu.memory_space<vmem>>, %arg7: memref<!tpu.dma_semaphore, #tpu.memory_space<semaphore_mem>>) attributes {dimension_semantics = [#tpu.dimension_semantics<core_parallel>, #tpu.dimension_semantics<subcore_parallel>], iteration_bounds = array<i64: 2, 16>, scalar_prefetch = 0 : i64, scratch_operands = 3 : i64, tpu.core_type = #tpu.core_type<sc_vector_subcore>, window_params = [{transform_indices = #map}, {transform_indices = #map1}, {transform_indices = #map}]} {
    %mul3A = arith.constant 2 : i32
    %mul3A_0 = arith.muli %arg1, %mul3A : i32
    %add3A = arith.addi %mul3A_0, %arg0 : i32
    %mul3A_1 = arith.constant 256 : i32
    %mul3A_2 = arith.muli %add3A, %mul3A_1 : i32
    %add3A_3 = arith.constant 0 : i32
    %add3A_4 = arith.addi %mul3A_2, %add3A_3 : i32
    "tpu.region"() ({
      %run_scoped3A = tpu.sem_alloc : memref<!tpu.dma_semaphore, #tpu.memory_space<semaphore_mem>>
      %dma_start3A_19 = tpu.memref_slice %arg3[%add3A_4] : memref<8192xi32, #tpu.memory_space<hbm>> -> memref<128xi32, #tpu.memory_space<hbm>>
      %dma_start3A_20 = tpu.memref_slice %arg3[%add3A_4] : memref<8192xi32, #tpu.memory_space<hbm>> -> memref<128xi32, #tpu.memory_space<hbm>>
      tpu.enqueue_dma source(%dma_start3A_20 : memref<128xi32, #tpu.memory_space<hbm>>) target(%arg5 : memref<128xi32, #tpu.memory_space<vmem>>) target_semaphore(%run_scoped3A : memref<!tpu.dma_semaphore, #tpu.memory_space<semaphore_mem>>)
      %dma_wait3A_21 = tpu.memref_slice %arg3[%add3A_4] : memref<8192xi32, #tpu.memory_space<hbm>> -> memref<128xi32, #tpu.memory_space<hbm>>
      %dma_wait3A_22 = tpu.memref_slice %arg3[%add3A_4] : memref<8192xi32, #tpu.memory_space<hbm>> -> memref<128xi32, #tpu.memory_space<hbm>>
      tpu.wait_dma2 semaphore(%run_scoped3A : memref<!tpu.dma_semaphore, #tpu.memory_space<semaphore_mem>>) src(%dma_wait3A_22 : memref<128xi32, #tpu.memory_space<hbm>>) dst(%arg5 : memref<128xi32, #tpu.memory_space<vmem>>)
      tpu.yield
    }) : () -> ()
    %dma_start3A = arith.constant 0 : i32
    %dma_start3A_5 = arith.constant 0 : i32
    %dma_start3A_6 = tpu.memref_slice %arg2[%dma_start3A, %dma_start3A_5] : memref<512x512xf32, #tpu.memory_space<hbm>> -> memref<512x512xf32, #tpu.memory_space<hbm>>
    tpu.enqueue_indirect_dma source(%dma_start3A_6 : memref<512x512xf32, #tpu.memory_space<hbm>>) target(%arg6 : memref<128x512xf32, #tpu.memory_space<vmem>>) offsets(%arg5 : memref<128xi32, #tpu.memory_space<vmem>>) semaphore(%arg7 : memref<!tpu.dma_semaphore, #tpu.memory_space<semaphore_mem>>)
    %dma_wait3A = arith.constant 0 : i32
    %dma_wait3A_7 = arith.constant 0 : i32
    %dma_wait3A_8 = tpu.memref_slice %arg2[%dma_wait3A, %dma_wait3A_7] : memref<512x512xf32, #tpu.memory_space<hbm>> -> memref<512x512xf32, #tpu.memory_space<hbm>>
    tpu.wait_indirect_dma semaphore(%arg7 : memref<!tpu.dma_semaphore, #tpu.memory_space<semaphore_mem>>) src(%dma_wait3A_8 : memref<512x512xf32, #tpu.memory_space<hbm>>) dst(%arg6 : memref<128x512xf32, #tpu.memory_space<vmem>>)
    "tpu.region"() ({
      %run_scoped3A = tpu.sem_alloc : memref<!tpu.dma_semaphore, #tpu.memory_space<semaphore_mem>>
      %dma_start3A_19 = arith.constant 0 : i32
      %dma_start3A_20 = tpu.memref_slice %arg4[%add3A_4, %dma_start3A_19] : memref<8192x512xf32, #tpu.memory_space<hbm>> -> memref<128x512xf32, #tpu.memory_space<hbm>>
      %dma_start3A_21 = arith.constant 0 : i32
      %dma_start3A_22 = tpu.memref_slice %arg4[%add3A_4, %dma_start3A_21] : memref<8192x512xf32, #tpu.memory_space<hbm>> -> memref<128x512xf32, #tpu.memory_space<hbm>>
      tpu.enqueue_dma source(%arg6 : memref<128x512xf32, #tpu.memory_space<vmem>>) target(%dma_start3A_22 : memref<128x512xf32, #tpu.memory_space<hbm>>) target_semaphore(%run_scoped3A : memref<!tpu.dma_semaphore, #tpu.memory_space<semaphore_mem>>)
      %dma_wait3A_23 = arith.constant 0 : i32
      %dma_wait3A_24 = tpu.memref_slice %arg4[%add3A_4, %dma_wait3A_23] : memref<8192x512xf32, #tpu.memory_space<hbm>> -> memref<128x512xf32, #tpu.memory_space<hbm>>
      %dma_wait3A_25 = arith.constant 0 : i32
      %dma_wait3A_26 = tpu.memref_slice %arg4[%add3A_4, %dma_wait3A_25] : memref<8192x512xf32, #tpu.memory_space<hbm>> -> memref<128x512xf32, #tpu.memory_space<hbm>>
      tpu.wait_dma2 semaphore(%run_scoped3A : memref<!tpu.dma_semaphore, #tpu.memory_space<semaphore_mem>>) src(%arg6 : memref<128x512xf32, #tpu.memory_space<vmem>>) dst(%dma_wait3A_26 : memref<128x512xf32, #tpu.memory_space<hbm>>)
      tpu.yield
    }) : () -> ()
    %mul3A_9 = arith.constant 256 : i32
    %mul3A_10 = arith.muli %add3A, %mul3A_9 : i32
    %add3A_11 = arith.constant 128 : i32
    %add3A_12 = arith.addi %mul3A_10, %add3A_11 : i32
    "tpu.region"() ({
      %run_scoped3A = tpu.sem_alloc : memref<!tpu.dma_semaphore, #tpu.memory_space<semaphore_mem>>
      %dma_start3A_19 = tpu.memref_slice %arg3[%add3A_12] : memref<8192xi32, #tpu.memory_space<hbm>> -> memref<128xi32, #tpu.memory_space<hbm>>
      %dma_start3A_20 = tpu.memref_slice %arg3[%add3A_12] : memref<8192xi32, #tpu.memory_space<hbm>> -> memref<128xi32, #tpu.memory_space<hbm>>
      tpu.enqueue_dma source(%dma_start3A_20 : memref<128xi32, #tpu.memory_space<hbm>>) target(%arg5 : memref<128xi32, #tpu.memory_space<vmem>>) target_semaphore(%run_scoped3A : memref<!tpu.dma_semaphore, #tpu.memory_space<semaphore_mem>>)
      %dma_wait3A_21 = tpu.memref_slice %arg3[%add3A_12] : memref<8192xi32, #tpu.memory_space<hbm>> -> memref<128xi32, #tpu.memory_space<hbm>>
      %dma_wait3A_22 = tpu.memref_slice %arg3[%add3A_12] : memref<8192xi32, #tpu.memory_space<hbm>> -> memref<128xi32, #tpu.memory_space<hbm>>
      tpu.wait_dma2 semaphore(%run_scoped3A : memref<!tpu.dma_semaphore, #tpu.memory_space<semaphore_mem>>) src(%dma_wait3A_22 : memref<128xi32, #tpu.memory_space<hbm>>) dst(%arg5 : memref<128xi32, #tpu.memory_space<vmem>>)
      tpu.yield
    }) : () -> ()
    %dma_start3A_13 = arith.constant 0 : i32
    %dma_start3A_14 = arith.constant 0 : i32
    %dma_start3A_15 = tpu.memref_slice %arg2[%dma_start3A_13, %dma_start3A_14] : memref<512x512xf32, #tpu.memory_space<hbm>> -> memref<512x512xf32, #tpu.memory_space<hbm>>
    tpu.enqueue_indirect_dma source(%dma_start3A_15 : memref<512x512xf32, #tpu.memory_space<hbm>>) target(%arg6 : memref<128x512xf32, #tpu.memory_space<vmem>>) offsets(%arg5 : memref<128xi32, #tpu.memory_space<vmem>>) semaphore(%arg7 : memref<!tpu.dma_semaphore, #tpu.memory_space<semaphore_mem>>)
    %dma_wait3A_16 = arith.constant 0 : i32
    %dma_wait3A_17 = arith.constant 0 : i32
    %dma_wait3A_18 = tpu.memref_slice %arg2[%dma_wait3A_16, %dma_wait3A_17] : memref<512x512xf32, #tpu.memory_space<hbm>> -> memref<512x512xf32, #tpu.memory_space<hbm>>
    tpu.wait_indirect_dma semaphore(%arg7 : memref<!tpu.dma_semaphore, #tpu.memory_space<semaphore_mem>>) src(%dma_wait3A_18 : memref<512x512xf32, #tpu.memory_space<hbm>>) dst(%arg6 : memref<128x512xf32, #tpu.memory_space<vmem>>)
    "tpu.region"() ({
      %run_scoped3A = tpu.sem_alloc : memref<!tpu.dma_semaphore, #tpu.memory_space<semaphore_mem>>
      %dma_start3A_19 = arith.constant 0 : i32
      %dma_start3A_20 = tpu.memref_slice %arg4[%add3A_12, %dma_start3A_19] : memref<8192x512xf32, #tpu.memory_space<hbm>> -> memref<128x512xf32, #tpu.memory_space<hbm>>
      %dma_start3A_21 = arith.constant 0 : i32
      %dma_start3A_22 = tpu.memref_slice %arg4[%add3A_12, %dma_start3A_21] : memref<8192x512xf32, #tpu.memory_space<hbm>> -> memref<128x512xf32, #tpu.memory_space<hbm>>
      tpu.enqueue_dma source(%arg6 : memref<128x512xf32, #tpu.memory_space<vmem>>) target(%dma_start3A_22 : memref<128x512xf32, #tpu.memory_space<hbm>>) target_semaphore(%run_scoped3A : memref<!tpu.dma_semaphore, #tpu.memory_space<semaphore_mem>>)
      %dma_wait3A_23 = arith.constant 0 : i32
      %dma_wait3A_24 = tpu.memref_slice %arg4[%add3A_12, %dma_wait3A_23] : memref<8192x512xf32, #tpu.memory_space<hbm>> -> memref<128x512xf32, #tpu.memory_space<hbm>>
      %dma_wait3A_25 = arith.constant 0 : i32
      %dma_wait3A_26 = tpu.memref_slice %arg4[%add3A_12, %dma_wait3A_25] : memref<8192x512xf32, #tpu.memory_space<hbm>> -> memref<128x512xf32, #tpu.memory_space<hbm>>
      tpu.wait_dma2 semaphore(%run_scoped3A : memref<!tpu.dma_semaphore, #tpu.memory_space<semaphore_mem>>) src(%arg6 : memref<128x512xf32, #tpu.memory_space<vmem>>) dst(%dma_wait3A_26 : memref<128x512xf32, #tpu.memory_space<hbm>>)
      tpu.yield
    }) : () -> ()
    return
  }
}

#map = affine_map<(d0, d1) -> (0, 0)>
#map1 = affine_map<(d0, d1) -> (0)>
module attributes {stable_mosaic.version = 14 : i64} {
  func.func @k(%arg0: i32, %arg1: i32, %arg2: memref<512x512xf32, #tpu.memory_space<hbm>>, %arg3: memref<8192xi32, #tpu.memory_space<hbm>>, %arg4: memref<8192x512xf32, #tpu.memory_space<hbm>>, %arg5: memref<128xi32, #tpu.memory_space<vmem>>, %arg6: memref<128x512xf32, #tpu.memory_space<vmem>>, %arg7: memref<!tpu.dma_semaphore, #tpu.memory_space<semaphore_mem>>) attributes {dimension_semantics = [#tpu.dimension_semantics<core_parallel>, #tpu.dimension_semantics<subcore_parallel>], iteration_bounds = array<i64: 2, 16>, scalar_prefetch = 0 : i64, scratch_operands = 3 : i64, tpu.core_type = #tpu.core_type<sc_vector_subcore>, window_params = [{transform_indices = #map}, {transform_indices = #map1}, {transform_indices = #map}]} {
    %mul3A = arith.constant 2 : i32
    %mul3A_0 = arith.muli %arg1, %mul3A : i32
    %add3A = arith.addi %mul3A_0, %arg0 : i32
    %mul3A_1 = arith.constant 256 : i32
    %mul3A_2 = arith.muli %add3A, %mul3A_1 : i32
    %add3A_3 = arith.constant 0 : i32
    %add3A_4 = arith.addi %mul3A_2, %add3A_3 : i32
    "tpu.region"() ({
      %run_scoped3A = tpu.sem_alloc : memref<!tpu.dma_semaphore, #tpu.memory_space<semaphore_mem>>
      %dma_start3A_19 = tpu.memref_slice %arg3[%add3A_4] : memref<8192xi32, #tpu.memory_space<hbm>> -> memref<128xi32, #tpu.memory_space<hbm>>
      %dma_start3A_20 = tpu.memref_slice %arg3[%add3A_4] : memref<8192xi32, #tpu.memory_space<hbm>> -> memref<128xi32, #tpu.memory_space<hbm>>
      tpu.enqueue_dma source(%dma_start3A_20 : memref<128xi32, #tpu.memory_space<hbm>>) target(%arg5 : memref<128xi32, #tpu.memory_space<vmem>>) target_semaphore(%run_scoped3A : memref<!tpu.dma_semaphore, #tpu.memory_space<semaphore_mem>>)
      %dma_wait3A_21 = tpu.memref_slice %arg3[%add3A_4] : memref<8192xi32, #tpu.memory_space<hbm>> -> memref<128xi32, #tpu.memory_space<hbm>>
      %dma_wait3A_22 = tpu.memref_slice %arg3[%add3A_4] : memref<8192xi32, #tpu.memory_space<hbm>> -> memref<128xi32, #tpu.memory_space<hbm>>
      tpu.wait_dma2 semaphore(%run_scoped3A : memref<!tpu.dma_semaphore, #tpu.memory_space<semaphore_mem>>) src(%dma_wait3A_22 : memref<128xi32, #tpu.memory_space<hbm>>) dst(%arg5 : memref<128xi32, #tpu.memory_space<vmem>>)
      tpu.yield
    }) : () -> ()
    %dma_start3A = arith.constant 0 : i32
    %dma_start3A_5 = arith.constant 0 : i32
    %dma_start3A_6 = tpu.memref_slice %arg2[%dma_start3A, %dma_start3A_5] : memref<512x512xf32, #tpu.memory_space<hbm>> -> memref<512x512xf32, #tpu.memory_space<hbm>>
    tpu.enqueue_indirect_dma source(%dma_start3A_6 : memref<512x512xf32, #tpu.memory_space<hbm>>) target(%arg6 : memref<128x512xf32, #tpu.memory_space<vmem>>) offsets(%arg5 : memref<128xi32, #tpu.memory_space<vmem>>) semaphore(%arg7 : memref<!tpu.dma_semaphore, #tpu.memory_space<semaphore_mem>>)
    %dma_wait3A = arith.constant 0 : i32
    %dma_wait3A_7 = arith.constant 0 : i32
    %dma_wait3A_8 = tpu.memref_slice %arg2[%dma_wait3A, %dma_wait3A_7] : memref<512x512xf32, #tpu.memory_space<hbm>> -> memref<512x512xf32, #tpu.memory_space<hbm>>
    tpu.wait_indirect_dma semaphore(%arg7 : memref<!tpu.dma_semaphore, #tpu.memory_space<semaphore_mem>>) src(%dma_wait3A_8 : memref<512x512xf32, #tpu.memory_space<hbm>>) dst(%arg6 : memref<128x512xf32, #tpu.memory_space<vmem>>)
    "tpu.region"() ({
      %run_scoped3A = tpu.sem_alloc : memref<!tpu.dma_semaphore, #tpu.memory_space<semaphore_mem>>
      %dma_start3A_19 = arith.constant 0 : i32
      %dma_start3A_20 = tpu.memref_slice %arg4[%add3A_4, %dma_start3A_19] : memref<8192x512xf32, #tpu.memory_space<hbm>> -> memref<128x512xf32, #tpu.memory_space<hbm>>
      %dma_start3A_21 = arith.constant 0 : i32
      %dma_start3A_22 = tpu.memref_slice %arg4[%add3A_4, %dma_start3A_21] : memref<8192x512xf32, #tpu.memory_space<hbm>> -> memref<128x512xf32, #tpu.memory_space<hbm>>
      tpu.enqueue_dma source(%arg6 : memref<128x512xf32, #tpu.memory_space<vmem>>) target(%dma_start3A_22 : memref<128x512xf32, #tpu.memory_space<hbm>>) target_semaphore(%run_scoped3A : memref<!tpu.dma_semaphore, #tpu.memory_space<semaphore_mem>>)
      %dma_wait3A_23 = arith.constant 0 : i32
      %dma_wait3A_24 = tpu.memref_slice %arg4[%add3A_4, %dma_wait3A_23] : memref<8192x512xf32, #tpu.memory_space<hbm>> -> memref<128x512xf32, #tpu.memory_space<hbm>>
      %dma_wait3A_25 = arith.constant 0 : i32
      %dma_wait3A_26 = tpu.memref_slice %arg4[%add3A_4, %dma_wait3A_25] : memref<8192x512xf32, #tpu.memory_space<hbm>> -> memref<128x512xf32, #tpu.memory_space<hbm>>
      tpu.wait_dma2 semaphore(%run_scoped3A : memref<!tpu.dma_semaphore, #tpu.memory_space<semaphore_mem>>) src(%arg6 : memref<128x512xf32, #tpu.memory_space<vmem>>) dst(%dma_wait3A_26 : memref<128x512xf32, #tpu.memory_space<hbm>>)
      tpu.yield
    }) : () -> ()
    %mul3A_9 = arith.constant 256 : i32
    %mul3A_10 = arith.muli %add3A, %mul3A_9 : i32
    %add3A_11 = arith.constant 128 : i32
    %add3A_12 = arith.addi %mul3A_10, %add3A_11 : i32
    "tpu.region"() ({
      %run_scoped3A = tpu.sem_alloc : memref<!tpu.dma_semaphore, #tpu.memory_space<semaphore_mem>>
      %dma_start3A_19 = tpu.memref_slice %arg3[%add3A_12] : memref<8192xi32, #tpu.memory_space<hbm>> -> memref<128xi32, #tpu.memory_space<hbm>>
      %dma_start3A_20 = tpu.memref_slice %arg3[%add3A_12] : memref<8192xi32, #tpu.memory_space<hbm>> -> memref<128xi32, #tpu.memory_space<hbm>>
      tpu.enqueue_dma source(%dma_start3A_20 : memref<128xi32, #tpu.memory_space<hbm>>) target(%arg5 : memref<128xi32, #tpu.memory_space<vmem>>) target_semaphore(%run_scoped3A : memref<!tpu.dma_semaphore, #tpu.memory_space<semaphore_mem>>)
      %dma_wait3A_21 = tpu.memref_slice %arg3[%add3A_12] : memref<8192xi32, #tpu.memory_space<hbm>> -> memref<128xi32, #tpu.memory_space<hbm>>
      %dma_wait3A_22 = tpu.memref_slice %arg3[%add3A_12] : memref<8192xi32, #tpu.memory_space<hbm>> -> memref<128xi32, #tpu.memory_space<hbm>>
      tpu.wait_dma2 semaphore(%run_scoped3A : memref<!tpu.dma_semaphore, #tpu.memory_space<semaphore_mem>>) src(%dma_wait3A_22 : memref<128xi32, #tpu.memory_space<hbm>>) dst(%arg5 : memref<128xi32, #tpu.memory_space<vmem>>)
      tpu.yield
    }) : () -> ()
    %dma_start3A_13 = arith.constant 0 : i32
    %dma_start3A_14 = arith.constant 0 : i32
    %dma_start3A_15 = tpu.memref_slice %arg2[%dma_start3A_13, %dma_start3A_14] : memref<512x512xf32, #tpu.memory_space<hbm>> -> memref<512x512xf32, #tpu.memory_space<hbm>>
    tpu.enqueue_indirect_dma source(%dma_start3A_15 : memref<512x512xf32, #tpu.memory_space<hbm>>) target(%arg6 : memref<128x512xf32, #tpu.memory_space<vmem>>) offsets(%arg5 : memref<128xi32, #tpu.memory_space<vmem>>) semaphore(%arg7 : memref<!tpu.dma_semaphore, #tpu.memory_space<semaphore_mem>>)
    %dma_wait3A_16 = arith.constant 0 : i32
    %dma_wait3A_17 = arith.constant 0 : i32
    %dma_wait3A_18 = tpu.memref_slice %arg2[%dma_wait3A_16, %dma_wait3A_17] : memref<512x512xf32, #tpu.memory_space<hbm>> -> memref<512x512xf32, #tpu.memory_space<hbm>>
    tpu.wait_indirect_dma semaphore(%arg7 : memref<!tpu.dma_semaphore, #tpu.memory_space<semaphore_mem>>) src(%dma_wait3A_18 : memref<512x512xf32, #tpu.memory_space<hbm>>) dst(%arg6 : memref<128x512xf32, #tpu.memory_space<vmem>>)
    "tpu.region"() ({
      %run_scoped3A = tpu.sem_alloc : memref<!tpu.dma_semaphore, #tpu.memory_space<semaphore_mem>>
      %dma_start3A_19 = arith.constant 0 : i32
      %dma_start3A_20 = tpu.memref_slice %arg4[%add3A_12, %dma_start3A_19] : memref<8192x512xf32, #tpu.memory_space<hbm>> -> memref<128x512xf32, #tpu.memory_space<hbm>>
      %dma_start3A_21 = arith.constant 0 : i32
      %dma_start3A_22 = tpu.memref_slice %arg4[%add3A_12, %dma_start3A_21] : memref<8192x512xf32, #tpu.memory_space<hbm>> -> memref<128x512xf32, #tpu.memory_space<hbm>>
      tpu.enqueue_dma source(%arg6 : memref<128x512xf32, #tpu.memory_space<vmem>>) target(%dma_start3A_22 : memref<128x512xf32, #tpu.memory_space<hbm>>) target_semaphore(%run_scoped3A : memref<!tpu.dma_semaphore, #tpu.memory_space<semaphore_mem>>)
      %dma_wait3A_23 = arith.constant 0 : i32
      %dma_wait3A_24 = tpu.memref_slice %arg4[%add3A_12, %dma_wait3A_23] : memref<8192x512xf32, #tpu.memory_space<hbm>> -> memref<128x512xf32, #tpu.memory_space<hbm>>
      %dma_wait3A_25 = arith.constant 0 : i32
      %dma_wait3A_26 = tpu.memref_slice %arg4[%add3A_12, %dma_wait3A_25] : memref<8192x512xf32, #tpu.memory_space<hbm>> -> memref<128x512xf32, #tpu.memory_space<hbm>>
      tpu.wait_dma2 semaphore(%run_scoped3A : memref<!tpu.dma_semaphore, #tpu.memory_space<semaphore_mem>>) src(%arg6 : memref<128x512xf32, #tpu.memory_space<vmem>>) dst(%dma_wait3A_26 : memref<128x512xf32, #tpu.memory_space<hbm>>)
      tpu.yield
    }) : () -> ()
    return
  }
}

#map = affine_map<(d0, d1) -> (0, 0)>
#map1 = affine_map<(d0, d1) -> (0)>
module attributes {stable_mosaic.version = 14 : i64} {
  func.func @k(%arg0: i32, %arg1: i32, %arg2: memref<512x512xf32, #tpu.memory_space<hbm>>, %arg3: memref<8192xi32, #tpu.memory_space<hbm>>, %arg4: memref<8192x512xf32, #tpu.memory_space<hbm>>, %arg5: memref<128xi32, #tpu.memory_space<vmem>>, %arg6: memref<128x512xf32, #tpu.memory_space<vmem>>, %arg7: memref<!tpu.dma_semaphore, #tpu.memory_space<semaphore_mem>>) attributes {dimension_semantics = [#tpu.dimension_semantics<core_parallel>, #tpu.dimension_semantics<subcore_parallel>], iteration_bounds = array<i64: 2, 16>, scalar_prefetch = 0 : i64, scratch_operands = 3 : i64, tpu.core_type = #tpu.core_type<sc_vector_subcore>, window_params = [{transform_indices = #map}, {transform_indices = #map1}, {transform_indices = #map}]} {
    %mul3A = arith.constant 2 : i32
    %mul3A_0 = arith.muli %arg1, %mul3A : i32
    %add3A = arith.addi %mul3A_0, %arg0 : i32
    %mul3A_1 = arith.constant 256 : i32
    %mul3A_2 = arith.muli %add3A, %mul3A_1 : i32
    %add3A_3 = arith.constant 0 : i32
    %add3A_4 = arith.addi %mul3A_2, %add3A_3 : i32
    "tpu.region"() ({
      %run_scoped3A = tpu.sem_alloc : memref<!tpu.dma_semaphore, #tpu.memory_space<semaphore_mem>>
      %dma_start3A_19 = tpu.memref_slice %arg3[%add3A_4] : memref<8192xi32, #tpu.memory_space<hbm>> -> memref<128xi32, #tpu.memory_space<hbm>>
      %dma_start3A_20 = tpu.memref_slice %arg3[%add3A_4] : memref<8192xi32, #tpu.memory_space<hbm>> -> memref<128xi32, #tpu.memory_space<hbm>>
      tpu.enqueue_dma source(%dma_start3A_20 : memref<128xi32, #tpu.memory_space<hbm>>) target(%arg5 : memref<128xi32, #tpu.memory_space<vmem>>) target_semaphore(%run_scoped3A : memref<!tpu.dma_semaphore, #tpu.memory_space<semaphore_mem>>)
      %dma_wait3A_21 = tpu.memref_slice %arg3[%add3A_4] : memref<8192xi32, #tpu.memory_space<hbm>> -> memref<128xi32, #tpu.memory_space<hbm>>
      %dma_wait3A_22 = tpu.memref_slice %arg3[%add3A_4] : memref<8192xi32, #tpu.memory_space<hbm>> -> memref<128xi32, #tpu.memory_space<hbm>>
      tpu.wait_dma2 semaphore(%run_scoped3A : memref<!tpu.dma_semaphore, #tpu.memory_space<semaphore_mem>>) src(%dma_wait3A_22 : memref<128xi32, #tpu.memory_space<hbm>>) dst(%arg5 : memref<128xi32, #tpu.memory_space<vmem>>)
      tpu.yield
    }) : () -> ()
    %dma_start3A = arith.constant 0 : i32
    %dma_start3A_5 = arith.constant 0 : i32
    %dma_start3A_6 = tpu.memref_slice %arg2[%dma_start3A, %dma_start3A_5] : memref<512x512xf32, #tpu.memory_space<hbm>> -> memref<512x512xf32, #tpu.memory_space<hbm>>
    tpu.enqueue_indirect_dma source(%dma_start3A_6 : memref<512x512xf32, #tpu.memory_space<hbm>>) target(%arg6 : memref<128x512xf32, #tpu.memory_space<vmem>>) offsets(%arg5 : memref<128xi32, #tpu.memory_space<vmem>>) semaphore(%arg7 : memref<!tpu.dma_semaphore, #tpu.memory_space<semaphore_mem>>)
    %dma_wait3A = arith.constant 0 : i32
    %dma_wait3A_7 = arith.constant 0 : i32
    %dma_wait3A_8 = tpu.memref_slice %arg2[%dma_wait3A, %dma_wait3A_7] : memref<512x512xf32, #tpu.memory_space<hbm>> -> memref<512x512xf32, #tpu.memory_space<hbm>>
    tpu.wait_indirect_dma semaphore(%arg7 : memref<!tpu.dma_semaphore, #tpu.memory_space<semaphore_mem>>) src(%dma_wait3A_8 : memref<512x512xf32, #tpu.memory_space<hbm>>) dst(%arg6 : memref<128x512xf32, #tpu.memory_space<vmem>>)
    "tpu.region"() ({
      %run_scoped3A = tpu.sem_alloc : memref<!tpu.dma_semaphore, #tpu.memory_space<semaphore_mem>>
      %dma_start3A_19 = arith.constant 0 : i32
      %dma_start3A_20 = tpu.memref_slice %arg4[%add3A_4, %dma_start3A_19] : memref<8192x512xf32, #tpu.memory_space<hbm>> -> memref<128x512xf32, #tpu.memory_space<hbm>>
      %dma_start3A_21 = arith.constant 0 : i32
      %dma_start3A_22 = tpu.memref_slice %arg4[%add3A_4, %dma_start3A_21] : memref<8192x512xf32, #tpu.memory_space<hbm>> -> memref<128x512xf32, #tpu.memory_space<hbm>>
      tpu.enqueue_dma source(%arg6 : memref<128x512xf32, #tpu.memory_space<vmem>>) target(%dma_start3A_22 : memref<128x512xf32, #tpu.memory_space<hbm>>) target_semaphore(%run_scoped3A : memref<!tpu.dma_semaphore, #tpu.memory_space<semaphore_mem>>)
      %dma_wait3A_23 = arith.constant 0 : i32
      %dma_wait3A_24 = tpu.memref_slice %arg4[%add3A_4, %dma_wait3A_23] : memref<8192x512xf32, #tpu.memory_space<hbm>> -> memref<128x512xf32, #tpu.memory_space<hbm>>
      %dma_wait3A_25 = arith.constant 0 : i32
      %dma_wait3A_26 = tpu.memref_slice %arg4[%add3A_4, %dma_wait3A_25] : memref<8192x512xf32, #tpu.memory_space<hbm>> -> memref<128x512xf32, #tpu.memory_space<hbm>>
      tpu.wait_dma2 semaphore(%run_scoped3A : memref<!tpu.dma_semaphore, #tpu.memory_space<semaphore_mem>>) src(%arg6 : memref<128x512xf32, #tpu.memory_space<vmem>>) dst(%dma_wait3A_26 : memref<128x512xf32, #tpu.memory_space<hbm>>)
      tpu.yield
    }) : () -> ()
    %mul3A_9 = arith.constant 256 : i32
    %mul3A_10 = arith.muli %add3A, %mul3A_9 : i32
    %add3A_11 = arith.constant 128 : i32
    %add3A_12 = arith.addi %mul3A_10, %add3A_11 : i32
    "tpu.region"() ({
      %run_scoped3A = tpu.sem_alloc : memref<!tpu.dma_semaphore, #tpu.memory_space<semaphore_mem>>
      %dma_start3A_19 = tpu.memref_slice %arg3[%add3A_12] : memref<8192xi32, #tpu.memory_space<hbm>> -> memref<128xi32, #tpu.memory_space<hbm>>
      %dma_start3A_20 = tpu.memref_slice %arg3[%add3A_12] : memref<8192xi32, #tpu.memory_space<hbm>> -> memref<128xi32, #tpu.memory_space<hbm>>
      tpu.enqueue_dma source(%dma_start3A_20 : memref<128xi32, #tpu.memory_space<hbm>>) target(%arg5 : memref<128xi32, #tpu.memory_space<vmem>>) target_semaphore(%run_scoped3A : memref<!tpu.dma_semaphore, #tpu.memory_space<semaphore_mem>>)
      %dma_wait3A_21 = tpu.memref_slice %arg3[%add3A_12] : memref<8192xi32, #tpu.memory_space<hbm>> -> memref<128xi32, #tpu.memory_space<hbm>>
      %dma_wait3A_22 = tpu.memref_slice %arg3[%add3A_12] : memref<8192xi32, #tpu.memory_space<hbm>> -> memref<128xi32, #tpu.memory_space<hbm>>
      tpu.wait_dma2 semaphore(%run_scoped3A : memref<!tpu.dma_semaphore, #tpu.memory_space<semaphore_mem>>) src(%dma_wait3A_22 : memref<128xi32, #tpu.memory_space<hbm>>) dst(%arg5 : memref<128xi32, #tpu.memory_space<vmem>>)
      tpu.yield
    }) : () -> ()
    %dma_start3A_13 = arith.constant 0 : i32
    %dma_start3A_14 = arith.constant 0 : i32
    %dma_start3A_15 = tpu.memref_slice %arg2[%dma_start3A_13, %dma_start3A_14] : memref<512x512xf32, #tpu.memory_space<hbm>> -> memref<512x512xf32, #tpu.memory_space<hbm>>
    tpu.enqueue_indirect_dma source(%dma_start3A_15 : memref<512x512xf32, #tpu.memory_space<hbm>>) target(%arg6 : memref<128x512xf32, #tpu.memory_space<vmem>>) offsets(%arg5 : memref<128xi32, #tpu.memory_space<vmem>>) semaphore(%arg7 : memref<!tpu.dma_semaphore, #tpu.memory_space<semaphore_mem>>)
    %dma_wait3A_16 = arith.constant 0 : i32
    %dma_wait3A_17 = arith.constant 0 : i32
    %dma_wait3A_18 = tpu.memref_slice %arg2[%dma_wait3A_16, %dma_wait3A_17] : memref<512x512xf32, #tpu.memory_space<hbm>> -> memref<512x512xf32, #tpu.memory_space<hbm>>
    tpu.wait_indirect_dma semaphore(%arg7 : memref<!tpu.dma_semaphore, #tpu.memory_space<semaphore_mem>>) src(%dma_wait3A_18 : memref<512x512xf32, #tpu.memory_space<hbm>>) dst(%arg6 : memref<128x512xf32, #tpu.memory_space<vmem>>)
    "tpu.region"() ({
      %run_scoped3A = tpu.sem_alloc : memref<!tpu.dma_semaphore, #tpu.memory_space<semaphore_mem>>
      %dma_start3A_19 = arith.constant 0 : i32
      %dma_start3A_20 = tpu.memref_slice %arg4[%add3A_12, %dma_start3A_19] : memref<8192x512xf32, #tpu.memory_space<hbm>> -> memref<128x512xf32, #tpu.memory_space<hbm>>
      %dma_start3A_21 = arith.constant 0 : i32
      %dma_start3A_22 = tpu.memref_slice %arg4[%add3A_12, %dma_start3A_21] : memref<8192x512xf32, #tpu.memory_space<hbm>> -> memref<128x512xf32, #tpu.memory_space<hbm>>
      tpu.enqueue_dma source(%arg6 : memref<128x512xf32, #tpu.memory_space<vmem>>) target(%dma_start3A_22 : memref<128x512xf32, #tpu.memory_space<hbm>>) target_semaphore(%run_scoped3A : memref<!tpu.dma_semaphore, #tpu.memory_space<semaphore_mem>>)
      %dma_wait3A_23 = arith.constant 0 : i32
      %dma_wait3A_24 = tpu.memref_slice %arg4[%add3A_12, %dma_wait3A_23] : memref<8192x512xf32, #tpu.memory_space<hbm>> -> memref<128x512xf32, #tpu.memory_space<hbm>>
      %dma_wait3A_25 = arith.constant 0 : i32
      %dma_wait3A_26 = tpu.memref_slice %arg4[%add3A_12, %dma_wait3A_25] : memref<8192x512xf32, #tpu.memory_space<hbm>> -> memref<128x512xf32, #tpu.memory_space<hbm>>
      tpu.wait_dma2 semaphore(%run_scoped3A : memref<!tpu.dma_semaphore, #tpu.memory_space<semaphore_mem>>) src(%arg6 : memref<128x512xf32, #tpu.memory_space<vmem>>) dst(%dma_wait3A_26 : memref<128x512xf32, #tpu.memory_space<hbm>>)
      tpu.yield
    }) : () -> ()
    return
  }
}

module attributes {stable_mosaic.version = 14 : i64} {
  func.func @_phase1_body(%arg0: i32, %arg1: memref<1024x256xf32, #tpu.memory_space<vmem>>, %arg2: memref<256x512xf32, #tpu.memory_space<vmem>>, %arg3: memref<1024x512xf32, #tpu.memory_space<vmem>>, %arg4: memref<1024x1xi32, #tpu.memory_space<vmem>>, %arg5: memref<1024x1xf32, #tpu.memory_space<vmem>>, %arg6: memref<512x512xf32, #tpu.memory_space<vmem>>) attributes {dimension_semantics = [#tpu.dimension_semantics<arbitrary>], iteration_bounds = array<i64: 8>, scalar_prefetch = 0 : i64, scratch_operands = 0 : i64, tpu.core_type = #tpu.core_type<tc>, window_params = [{transform_indices = @transform_0, window_bounds = array<i64: 1024, 256>}, {pipeline_mode = #tpu.pipeline_mode<synchronous>, transform_indices = @transform_1, window_bounds = array<i64: 256, 512>}, {transform_indices = @transform_2, window_bounds = array<i64: 1024, 512>}, {transform_indices = @transform_3, window_bounds = array<i64: 1024, 1>}, {transform_indices = @transform_4, window_bounds = array<i64: 1024, 1>}, {pipeline_mode = #tpu.pipeline_mode<synchronous>, transform_indices = @transform_5, window_bounds = array<i64: 512, 512>}]} {
    %get3A = arith.constant 0 : index
    %get3A_0 = arith.constant 0 : index
    %get3A_1 = vector.load %arg2[%get3A, %get3A_0] : memref<256x512xf32, #tpu.memory_space<vmem>>, vector<256x512xf32>
    %convert_element_type3A = arith.truncf %get3A_1 : vector<256x512xf32> to vector<256x512xbf16>
    %eq3A = arith.constant 0 : i32
    %eq3A_2 = arith.cmpi eq, %arg0, %eq3A : i32
    %convert_element_type3A_3 = arith.extui %eq3A_2 : i1 to i32
    %cond3A = arith.constant 0 : i32
    %cond3A_4 = arith.cmpi ne, %convert_element_type3A_3, %cond3A : i32
    scf.if %cond3A_4 {
      %dot_general3A_30 = arith.constant dense<0.000000e+00> : vector<512x512xf32>
      %dot_general3A_31 = tpu.matmul %convert_element_type3A, %convert_element_type3A, %dot_general3A_30 {dimension_numbers = #tpu.dot_dimension_numbers<[0], [0], [1], [1], [0, 1, 1, 1], [], []>, transpose_lhs_hint = false} : vector<256x512xbf16>, vector<256x512xbf16>, vector<512x512xf32> -> vector<512x512xf32>
      %swap3A_32 = arith.constant 0 : index
      %swap3A_33 = arith.constant 0 : index
      %swap3A_34 = vector.load %arg6[%swap3A_32, %swap3A_33] : memref<512x512xf32, #tpu.memory_space<vmem>>, vector<512x512xf32>
      tpu.vector_store %arg6[%swap3A_32, %swap3A_33], %dot_general3A_31 {strides = array<i32>} : memref<512x512xf32, #tpu.memory_space<vmem>>, vector<512x512xf32>,
    } else {
    }
    %get3A_5 = arith.constant 0 : index
    %get3A_6 = arith.constant 0 : index
    %get3A_7 = vector.load %arg1[%get3A_5, %get3A_6] : memref<1024x256xf32, #tpu.memory_space<vmem>>, vector<1024x256xf32>
    %convert_element_type3A_8 = arith.truncf %get3A_7 : vector<1024x256xf32> to vector<1024x256xbf16>
    %dot_general3A = arith.constant dense<0.000000e+00> : vector<1024x512xf32>
    %dot_general3A_9 = tpu.matmul %convert_element_type3A_8, %convert_element_type3A, %dot_general3A {dimension_numbers = #tpu.dot_dimension_numbers<[1], [0], [0], [1], [0, 0, 1, 1], [], []>, transpose_lhs_hint = false} : vector<1024x256xbf16>, vector<256x512xbf16>, vector<1024x512xf32> -> vector<1024x512xf32>
    %swap3A = arith.constant 0 : index
    %swap3A_10 = arith.constant 0 : index
    %swap3A_11 = vector.load %arg3[%swap3A, %swap3A_10] : memref<1024x512xf32, #tpu.memory_space<vmem>>, vector<1024x512xf32>
    tpu.vector_store %arg3[%swap3A, %swap3A_10], %dot_general3A_9 {strides = array<i32>} : memref<1024x512xf32, #tpu.memory_space<vmem>>, vector<1024x512xf32>,
    %iota3A = tpu.iota {dimensions = array<i32: 1>} : vector<1024x512xi32>
    %abs3A = math.absf %dot_general3A_9 : vector<1024x512xf32>
    %reduce_max3A = arith.constant dense<0xFF800000> : vector<1024xf32>
    %reduce_max3A_12 = vector.multi_reduction <maximumf>, %abs3A, %reduce_max3A [1] : vector<1024x512xf32> to vector<1024xf32>
    %broadcast_in_dim3A = vector.shape_cast %reduce_max3A_12 : vector<1024xf32> to vector<1024x1xf32>
    %eq3A_13 = vector.broadcast %broadcast_in_dim3A : vector<1024x1xf32> to vector<1024x512xf32>
    %eq3A_14 = arith.cmpf oeq, %abs3A, %eq3A_13 : vector<1024x512xf32>
    %jit3A = arith.constant 512 : i32
    %broadcast_in_dim3A_15 = vector.broadcast %jit3A : i32 to vector<1024x512xi32>
    %select_n3A = arith.select %eq3A_14, %iota3A, %broadcast_in_dim3A_15 : vector<1024x512xi1>, vector<1024x512xi32>
    %reduce_min3A = arith.constant dense<2147483647> : vector<1024xi32>
    %reduce_min3A_16 = vector.multi_reduction <minsi>, %select_n3A, %reduce_min3A [1] : vector<1024x512xi32> to vector<1024xi32>
    %broadcast_in_dim3A_17 = vector.shape_cast %reduce_min3A_16 : vector<1024xi32> to vector<1024x1xi32>
    %eq3A_18 = vector.broadcast %broadcast_in_dim3A_17 : vector<1024x1xi32> to vector<1024x512xi32>
    %eq3A_19 = arith.cmpi eq, %iota3A, %eq3A_18 : vector<1024x512xi32>
    %convert_element_type3A_20 = arith.extui %eq3A_19 : vector<1024x512xi1> to vector<1024x512xi32>
    %convert_element_type3A_21 = arith.sitofp %convert_element_type3A_20 : vector<1024x512xi32> to vector<1024x512xf32>
    %swap3A_22 = arith.constant 0 : index
    %swap3A_23 = arith.constant 0 : index
    %swap3A_24 = vector.load %arg4[%swap3A_22, %swap3A_23] : memref<1024x1xi32, #tpu.memory_space<vmem>>, vector<1024x1xi32>
    tpu.vector_store %arg4[%swap3A_22, %swap3A_23], %broadcast_in_dim3A_17 {strides = array<i32>} : memref<1024x1xi32, #tpu.memory_space<vmem>>, vector<1024x1xi32>,
    %mul3A = arith.mulf %dot_general3A_9, %convert_element_type3A_21 : vector<1024x512xf32>
    %reduce_sum3A = arith.constant dense<0.000000e+00> : vector<1024xf32>
    %reduce_sum3A_25 = vector.multi_reduction <add>, %mul3A, %reduce_sum3A [1] : vector<1024x512xf32> to vector<1024xf32>
    %broadcast_in_dim3A_26 = vector.shape_cast %reduce_sum3A_25 : vector<1024xf32> to vector<1024x1xf32>
    %swap3A_27 = arith.constant 0 : index
    %swap3A_28 = arith.constant 0 : index
    %swap3A_29 = vector.load %arg5[%swap3A_27, %swap3A_28] : memref<1024x1xf32, #tpu.memory_space<vmem>>, vector<1024x1xf32>
    tpu.vector_store %arg5[%swap3A_27, %swap3A_28], %broadcast_in_dim3A_26 {strides = array<i32>} : memref<1024x1xf32, #tpu.memory_space<vmem>>, vector<1024x1xf32>,
    return
  }
  func.func @transform_0(%arg0: i32) -> (i32, i32) {
    %c0_i32 = arith.constant 0 : i32
    %c0_i32_0 = arith.constant 0 : i32
    return %arg0, %c0_i32 : i32, i32
  }
  func.func @transform_1(%arg0: i32) -> (i32, i32) {
    %c0_i32 = arith.constant 0 : i32
    %c0_i32_0 = arith.constant 0 : i32
    %c0_i32_1 = arith.constant 0 : i32
    return %c0_i32, %c0_i32_0 : i32, i32
  }
  func.func @transform_2(%arg0: i32) -> (i32, i32) {
    %c0_i32 = arith.constant 0 : i32
    %c0_i32_0 = arith.constant 0 : i32
    return %arg0, %c0_i32 : i32, i32
  }
  func.func @transform_3(%arg0: i32) -> (i32, i32) {
    %c0_i32 = arith.constant 0 : i32
    %c0_i32_0 = arith.constant 0 : i32
    return %arg0, %c0_i32 : i32, i32
  }
  func.func @transform_4(%arg0: i32) -> (i32, i32) {
    %c0_i32 = arith.constant 0 : i32
    %c0_i32_0 = arith.constant 0 : i32
    return %arg0, %c0_i32 : i32, i32
  }
  func.func @transform_5(%arg0: i32) -> (i32, i32) {
    %c0_i32 = arith.constant 0 : i32
    %c0_i32_0 = arith.constant 0 : i32
    %c0_i32_1 = arith.constant 0 : i32
    return %c0_i32, %c0_i32_0 : i32, i32
  }
}

module attributes {stable_mosaic.version = 14 : i64} {
  func.func @body(%arg0: i32, %arg1: memref<1024x512xf32, #tpu.memory_space<vmem>>, %arg2: memref<1024x512xf32, #tpu.memory_space<vmem>>, %arg3: memref<1024x1xf32, #tpu.memory_space<vmem>>, %arg4: memref<1024x1xi32, #tpu.memory_space<vmem>>, %arg5: memref<1024x1xi32, #tpu.memory_space<vmem>>, %arg6: memref<1024x1xf32, #tpu.memory_space<vmem>>, %arg7: memref<1024x1xf32, #tpu.memory_space<vmem>>) attributes {dimension_semantics = [#tpu.dimension_semantics<arbitrary>], iteration_bounds = array<i64: 8>, scalar_prefetch = 0 : i64, scratch_operands = 0 : i64, tpu.core_type = #tpu.core_type<tc>, window_params = [{transform_indices = @transform_0, window_bounds = array<i64: 1024, 512>}, {transform_indices = @transform_1, window_bounds = array<i64: 1024, 512>}, {transform_indices = @transform_2, window_bounds = array<i64: 1024, 1>}, {transform_indices = @transform_3, window_bounds = array<i64: 1024, 1>}, {transform_indices = @transform_4, window_bounds = array<i64: 1024, 1>}, {transform_indices = @transform_5, window_bounds = array<i64: 1024, 1>}, {transform_indices = @transform_6, window_bounds = array<i64: 1024, 1>}]} {
    %get3A = arith.constant 0 : index
    %get3A_0 = arith.constant 0 : index
    %get3A_1 = vector.load %arg1[%get3A, %get3A_0] : memref<1024x512xf32, #tpu.memory_space<vmem>>, vector<1024x512xf32>
    %get3A_2 = arith.constant 0 : index
    %get3A_3 = arith.constant 0 : index
    %get3A_4 = vector.load %arg2[%get3A_2, %get3A_3] : memref<1024x512xf32, #tpu.memory_space<vmem>>, vector<1024x512xf32>
    %get3A_5 = arith.constant 0 : index
    %get3A_6 = arith.constant 0 : index
    %get3A_7 = vector.load %arg3[%get3A_5, %get3A_6] : memref<1024x1xf32, #tpu.memory_space<vmem>>, vector<1024x1xf32>
    %mul3A = vector.broadcast %get3A_7 : vector<1024x1xf32> to vector<1024x512xf32>
    %mul3A_8 = arith.mulf %mul3A, %get3A_4 : vector<1024x512xf32>
    %sub3A = arith.subf %get3A_1, %mul3A_8 : vector<1024x512xf32>
    %iota3A = tpu.iota {dimensions = array<i32: 1>} : vector<1024x512xi32>
    %abs3A = math.absf %sub3A : vector<1024x512xf32>
    %get3A_9 = arith.constant 0 : index
    %get3A_10 = arith.constant 0 : index
    %get3A_11 = vector.load %arg4[%get3A_9, %get3A_10] : memref<1024x1xi32, #tpu.memory_space<vmem>>, vector<1024x1xi32>
    %eq3A = vector.broadcast %get3A_11 : vector<1024x1xi32> to vector<1024x512xi32>
    %eq3A_12 = arith.cmpi eq, %iota3A, %eq3A : vector<1024x512xi32>
    %jit3A = arith.constant 0.000000e+00 : f32
    %broadcast_in_dim3A = vector.broadcast %jit3A : f32 to vector<1024x512xf32>
    %select_n3A = arith.select %eq3A_12, %broadcast_in_dim3A, %abs3A : vector<1024x512xi1>, vector<1024x512xf32>
    %reduce_max3A = arith.constant dense<0xFF800000> : vector<1024xf32>
    %reduce_max3A_13 = vector.multi_reduction <maximumf>, %select_n3A, %reduce_max3A [1] : vector<1024x512xf32> to vector<1024xf32>
    %broadcast_in_dim3A_14 = vector.shape_cast %reduce_max3A_13 : vector<1024xf32> to vector<1024x1xf32>
    %eq3A_15 = vector.broadcast %broadcast_in_dim3A_14 : vector<1024x1xf32> to vector<1024x512xf32>
    %eq3A_16 = arith.cmpf oeq, %select_n3A, %eq3A_15 : vector<1024x512xf32>
    %jit3A_17 = arith.constant 512 : i32
    %broadcast_in_dim3A_18 = vector.broadcast %jit3A_17 : i32 to vector<1024x512xi32>
    %select_n3A_19 = arith.select %eq3A_16, %iota3A, %broadcast_in_dim3A_18 : vector<1024x512xi1>, vector<1024x512xi32>
    %reduce_min3A = arith.constant dense<2147483647> : vector<1024xi32>
    %reduce_min3A_20 = vector.multi_reduction <minsi>, %select_n3A_19, %reduce_min3A [1] : vector<1024x512xi32> to vector<1024xi32>
    %broadcast_in_dim3A_21 = vector.shape_cast %reduce_min3A_20 : vector<1024xi32> to vector<1024x1xi32>
    %eq3A_22 = vector.broadcast %broadcast_in_dim3A_21 : vector<1024x1xi32> to vector<1024x512xi32>
    %eq3A_23 = arith.cmpi eq, %iota3A, %eq3A_22 : vector<1024x512xi32>
    %convert_element_type3A = arith.extui %eq3A_23 : vector<1024x512xi1> to vector<1024x512xi32>
    %convert_element_type3A_24 = arith.sitofp %convert_element_type3A : vector<1024x512xi32> to vector<1024x512xf32>
    %swap3A = arith.constant 0 : index
    %swap3A_25 = arith.constant 0 : index
    %swap3A_26 = vector.load %arg5[%swap3A, %swap3A_25] : memref<1024x1xi32, #tpu.memory_space<vmem>>, vector<1024x1xi32>
    tpu.vector_store %arg5[%swap3A, %swap3A_25], %broadcast_in_dim3A_21 {strides = array<i32>} : memref<1024x1xi32, #tpu.memory_space<vmem>>, vector<1024x1xi32>,
    %mul3A_27 = arith.mulf %get3A_1, %convert_element_type3A_24 : vector<1024x512xf32>
    %reduce_sum3A = arith.constant dense<0.000000e+00> : vector<1024xf32>
    %reduce_sum3A_28 = vector.multi_reduction <add>, %mul3A_27, %reduce_sum3A [1] : vector<1024x512xf32> to vector<1024xf32>
    %broadcast_in_dim3A_29 = vector.shape_cast %reduce_sum3A_28 : vector<1024xf32> to vector<1024x1xf32>
    %swap3A_30 = arith.constant 0 : index
    %swap3A_31 = arith.constant 0 : index
    %swap3A_32 = vector.load %arg6[%swap3A_30, %swap3A_31] : memref<1024x1xf32, #tpu.memory_space<vmem>>, vector<1024x1xf32>
    tpu.vector_store %arg6[%swap3A_30, %swap3A_31], %broadcast_in_dim3A_29 {strides = array<i32>} : memref<1024x1xf32, #tpu.memory_space<vmem>>, vector<1024x1xf32>,
    %mul3A_33 = arith.mulf %get3A_4, %convert_element_type3A_24 : vector<1024x512xf32>
    %reduce_sum3A_34 = arith.constant dense<0.000000e+00> : vector<1024xf32>
    %reduce_sum3A_35 = vector.multi_reduction <add>, %mul3A_33, %reduce_sum3A_34 [1] : vector<1024x512xf32> to vector<1024xf32>
    %broadcast_in_dim3A_36 = vector.shape_cast %reduce_sum3A_35 : vector<1024xf32> to vector<1024x1xf32>
    %swap3A_37 = arith.constant 0 : index
    %swap3A_38 = arith.constant 0 : index
    %swap3A_39 = vector.load %arg7[%swap3A_37, %swap3A_38] : memref<1024x1xf32, #tpu.memory_space<vmem>>, vector<1024x1xf32>
    tpu.vector_store %arg7[%swap3A_37, %swap3A_38], %broadcast_in_dim3A_36 {strides = array<i32>} : memref<1024x1xf32, #tpu.memory_space<vmem>>, vector<1024x1xf32>,
    return
  }
  func.func @transform_0(%arg0: i32) -> (i32, i32) {
    %c0_i32 = arith.constant 0 : i32
    %c0_i32_0 = arith.constant 0 : i32
    return %arg0, %c0_i32 : i32, i32
  }
  func.func @transform_1(%arg0: i32) -> (i32, i32) {
    %c0_i32 = arith.constant 0 : i32
    %c0_i32_0 = arith.constant 0 : i32
    return %arg0, %c0_i32 : i32, i32
  }
  func.func @transform_2(%arg0: i32) -> (i32, i32) {
    %c0_i32 = arith.constant 0 : i32
    %c0_i32_0 = arith.constant 0 : i32
    return %arg0, %c0_i32 : i32, i32
  }
  func.func @transform_3(%arg0: i32) -> (i32, i32) {
    %c0_i32 = arith.constant 0 : i32
    %c0_i32_0 = arith.constant 0 : i32
    return %arg0, %c0_i32 : i32, i32
  }
  func.func @transform_4(%arg0: i32) -> (i32, i32) {
    %c0_i32 = arith.constant 0 : i32
    %c0_i32_0 = arith.constant 0 : i32
    return %arg0, %c0_i32 : i32, i32
  }
  func.func @transform_5(%arg0: i32) -> (i32, i32) {
    %c0_i32 = arith.constant 0 : i32
    %c0_i32_0 = arith.constant 0 : i32
    return %arg0, %c0_i32 : i32, i32
  }
  func.func @transform_6(%arg0: i32) -> (i32, i32) {
    %c0_i32 = arith.constant 0 : i32
    %c0_i32_0 = arith.constant 0 : i32
    return %arg0, %c0_i32 : i32, i32
  }
}

module attributes {stable_mosaic.version = 14 : i64} {
  func.func @body(%arg0: i32, %arg1: memref<1024x512xf32, #tpu.memory_space<vmem>>, %arg2: memref<1024x512xf32, #tpu.memory_space<vmem>>, %arg3: memref<1024x512xf32, #tpu.memory_space<vmem>>, %arg4: memref<1024x2xf32, #tpu.memory_space<vmem>>, %arg5: memref<1024x1xi32, #tpu.memory_space<vmem>>, %arg6: memref<1024x1xi32, #tpu.memory_space<vmem>>, %arg7: memref<1024x1xi32, #tpu.memory_space<vmem>>, %arg8: memref<1024x1xf32, #tpu.memory_space<vmem>>, %arg9: memref<1024x2xf32, #tpu.memory_space<vmem>>) attributes {dimension_semantics = [#tpu.dimension_semantics<arbitrary>], iteration_bounds = array<i64: 8>, scalar_prefetch = 0 : i64, scratch_operands = 0 : i64, tpu.core_type = #tpu.core_type<tc>, window_params = [{transform_indices = @transform_0, window_bounds = array<i64: 1024, 512>}, {transform_indices = @transform_1, window_bounds = array<i64: 1024, 512>}, {transform_indices = @transform_2, window_bounds = array<i64: 1024, 512>}, {transform_indices = @transform_3, window_bounds = array<i64: 1024, 2>}, {transform_indices = @transform_4, window_bounds = array<i64: 1024, 1>}, {transform_indices = @transform_5, window_bounds = array<i64: 1024, 1>}, {transform_indices = @transform_6, window_bounds = array<i64: 1024, 1>}, {transform_indices = @transform_7, window_bounds = array<i64: 1024, 1>}, {transform_indices = @transform_8, window_bounds = array<i64: 1024, 2>}]} {
    %get3A = arith.constant 0 : index
    %get3A_0 = arith.constant 0 : index
    %get3A_1 = vector.load %arg1[%get3A, %get3A_0] : memref<1024x512xf32, #tpu.memory_space<vmem>>, vector<1024x512xf32>
    %get3A_2 = arith.constant 0 : index
    %get3A_3 = arith.constant 0 : index
    %get3A_4 = vector.load %arg2[%get3A_2, %get3A_3] : memref<1024x512xf32, #tpu.memory_space<vmem>>, vector<1024x512xf32>
    %get3A_5 = arith.constant 0 : index
    %get3A_6 = arith.constant 0 : index
    %get3A_7 = vector.load %arg3[%get3A_5, %get3A_6] : memref<1024x512xf32, #tpu.memory_space<vmem>>, vector<1024x512xf32>
    %get3A_8 = arith.constant 0 : index
    %get3A_9 = arith.constant 0 : index
    %get3A_10 = vector.load %arg4[%get3A_8, %get3A_9] : memref<1024x2xf32, #tpu.memory_space<vmem>>, vector<1024x1xf32>
    %convert_element_type3A = arith.truncf %get3A_10 : vector<1024x1xf32> to vector<1024x1xbf16>
    %convert_element_type3A_11 = arith.extf %convert_element_type3A : vector<1024x1xbf16> to vector<1024x1xf32>
    %convert_element_type3A_12 = arith.truncf %get3A_4 : vector<1024x512xf32> to vector<1024x512xbf16>
    %convert_element_type3A_13 = arith.extf %convert_element_type3A_12 : vector<1024x512xbf16> to vector<1024x512xf32>
    %mul3A = vector.broadcast %convert_element_type3A_11 : vector<1024x1xf32> to vector<1024x512xf32>
    %mul3A_14 = arith.mulf %mul3A, %convert_element_type3A_13 : vector<1024x512xf32>
    %get3A_15 = arith.constant 0 : index
    %get3A_16 = arith.constant 1 : index
    %get3A_17 = vector.load %arg4[%get3A_15, %get3A_16] : memref<1024x2xf32, #tpu.memory_space<vmem>>, vector<1024x1xf32>
    %convert_element_type3A_18 = arith.truncf %get3A_17 : vector<1024x1xf32> to vector<1024x1xbf16>
    %convert_element_type3A_19 = arith.extf %convert_element_type3A_18 : vector<1024x1xbf16> to vector<1024x1xf32>
    %convert_element_type3A_20 = arith.truncf %get3A_7 : vector<1024x512xf32> to vector<1024x512xbf16>
    %convert_element_type3A_21 = arith.extf %convert_element_type3A_20 : vector<1024x512xbf16> to vector<1024x512xf32>
    %mul3A_22 = vector.broadcast %convert_element_type3A_19 : vector<1024x1xf32> to vector<1024x512xf32>
    %mul3A_23 = arith.mulf %mul3A_22, %convert_element_type3A_21 : vector<1024x512xf32>
    %broadcast_in_dim3A = arith.constant 0.000000e+00 : f32
    %broadcast_in_dim3A_24 = vector.broadcast %broadcast_in_dim3A : f32 to vector<1024x512xf32>
    %add3A = arith.addf %mul3A_14, %mul3A_23 : vector<1024x512xf32>
    %sub3A = arith.subf %add3A, %mul3A_14 : vector<1024x512xf32>
    %sub3A_25 = arith.subf %add3A, %sub3A : vector<1024x512xf32>
    %sub3A_26 = arith.subf %mul3A_14, %sub3A_25 : vector<1024x512xf32>
    %sub3A_27 = arith.subf %mul3A_23, %sub3A : vector<1024x512xf32>
    %add3A_28 = arith.addf %sub3A_26, %sub3A_27 : vector<1024x512xf32>
    %add3A_29 = arith.addf %broadcast_in_dim3A_24, %add3A_28 : vector<1024x512xf32>
    %bitcast_convert_type3A = tpu.bitcast %add3A : vector<1024x512xf32> -> vector<1024x512xi32>
    %sub3A_30 = arith.constant 1 : i32
    %sub3A_31 = vector.broadcast %sub3A_30 : i32 to vector<1024x512xi32>
    %sub3A_32 = arith.subi %bitcast_convert_type3A, %sub3A_31 : vector<1024x512xi32>
    %bitcast_convert_type3A_33 = tpu.bitcast %sub3A_32 : vector<1024x512xi32> -> vector<1024x512xf32>
    %mul3A_34 = arith.mulf %add3A, %add3A_29 : vector<1024x512xf32>
    %lt3A = arith.constant 0.000000e+00 : f32
    %lt3A_35 = vector.broadcast %lt3A : f32 to vector<1024x512xf32>
    %lt3A_36 = arith.cmpf olt, %mul3A_34, %lt3A_35 : vector<1024x512xf32>
    %select_n3A = arith.select %lt3A_36, %bitcast_convert_type3A_33, %add3A : vector<1024x512xi1>, vector<1024x512xf32>
    %sub3A_37 = arith.subf %get3A_1, %select_n3A : vector<1024x512xf32>
    %iota3A = tpu.iota {dimensions = array<i32: 1>} : vector<1024x512xi32>
    %abs3A = math.absf %sub3A_37 : vector<1024x512xf32>
    %get3A_38 = arith.constant 0 : index
    %get3A_39 = arith.constant 0 : index
    %get3A_40 = vector.load %arg5[%get3A_38, %get3A_39] : memref<1024x1xi32, #tpu.memory_space<vmem>>, vector<1024x1xi32>
    %eq3A = vector.broadcast %get3A_40 : vector<1024x1xi32> to vector<1024x512xi32>
    %eq3A_41 = arith.cmpi eq, %iota3A, %eq3A : vector<1024x512xi32>
    %jit3A = arith.constant 0.000000e+00 : f32
    %broadcast_in_dim3A_42 = vector.broadcast %jit3A : f32 to vector<1024x512xf32>
    %select_n3A_43 = arith.select %eq3A_41, %broadcast_in_dim3A_42, %abs3A : vector<1024x512xi1>, vector<1024x512xf32>
    %get3A_44 = arith.constant 0 : index
    %get3A_45 = arith.constant 0 : index
    %get3A_46 = vector.load %arg6[%get3A_44, %get3A_45] : memref<1024x1xi32, #tpu.memory_space<vmem>>, vector<1024x1xi32>
    %eq3A_47 = vector.broadcast %get3A_46 : vector<1024x1xi32> to vector<1024x512xi32>
    %eq3A_48 = arith.cmpi eq, %iota3A, %eq3A_47 : vector<1024x512xi32>
    %jit3A_49 = arith.constant 0.000000e+00 : f32
    %broadcast_in_dim3A_50 = vector.broadcast %jit3A_49 : f32 to vector<1024x512xf32>
    %select_n3A_51 = arith.select %eq3A_48, %broadcast_in_dim3A_50, %select_n3A_43 : vector<1024x512xi1>, vector<1024x512xf32>
    %reduce_max3A = arith.constant dense<0xFF800000> : vector<1024xf32>
    %reduce_max3A_52 = vector.multi_reduction <maximumf>, %select_n3A_51, %reduce_max3A [1] : vector<1024x512xf32> to vector<1024xf32>
    %broadcast_in_dim3A_53 = vector.shape_cast %reduce_max3A_52 : vector<1024xf32> to vector<1024x1xf32>
    %eq3A_54 = vector.broadcast %broadcast_in_dim3A_53 : vector<1024x1xf32> to vector<1024x512xf32>
    %eq3A_55 = arith.cmpf oeq, %select_n3A_51, %eq3A_54 : vector<1024x512xf32>
    %jit3A_56 = arith.constant 512 : i32
    %broadcast_in_dim3A_57 = vector.broadcast %jit3A_56 : i32 to vector<1024x512xi32>
    %select_n3A_58 = arith.select %eq3A_55, %iota3A, %broadcast_in_dim3A_57 : vector<1024x512xi1>, vector<1024x512xi32>
    %reduce_min3A = arith.constant dense<2147483647> : vector<1024xi32>
    %reduce_min3A_59 = vector.multi_reduction <minsi>, %select_n3A_58, %reduce_min3A [1] : vector<1024x512xi32> to vector<1024xi32>
    %broadcast_in_dim3A_60 = vector.shape_cast %reduce_min3A_59 : vector<1024xi32> to vector<1024x1xi32>
    %eq3A_61 = vector.broadcast %broadcast_in_dim3A_60 : vector<1024x1xi32> to vector<1024x512xi32>
    %eq3A_62 = arith.cmpi eq, %iota3A, %eq3A_61 : vector<1024x512xi32>
    %convert_element_type3A_63 = arith.extui %eq3A_62 : vector<1024x512xi1> to vector<1024x512xi32>
    %convert_element_type3A_64 = arith.sitofp %convert_element_type3A_63 : vector<1024x512xi32> to vector<1024x512xf32>
    %swap3A = arith.constant 0 : index
    %swap3A_65 = arith.constant 0 : index
    %swap3A_66 = vector.load %arg7[%swap3A, %swap3A_65] : memref<1024x1xi32, #tpu.memory_space<vmem>>, vector<1024x1xi32>
    tpu.vector_store %arg7[%swap3A, %swap3A_65], %broadcast_in_dim3A_60 {strides = array<i32>} : memref<1024x1xi32, #tpu.memory_space<vmem>>, vector<1024x1xi32>,
    %mul3A_67 = arith.mulf %get3A_1, %convert_element_type3A_64 : vector<1024x512xf32>
    %reduce_sum3A = arith.constant dense<0.000000e+00> : vector<1024xf32>
    %reduce_sum3A_68 = vector.multi_reduction <add>, %mul3A_67, %reduce_sum3A [1] : vector<1024x512xf32> to vector<1024xf32>
    %broadcast_in_dim3A_69 = vector.shape_cast %reduce_sum3A_68 : vector<1024xf32> to vector<1024x1xf32>
    %swap3A_70 = arith.constant 0 : index
    %swap3A_71 = arith.constant 0 : index
    %swap3A_72 = vector.load %arg8[%swap3A_70, %swap3A_71] : memref<1024x1xf32, #tpu.memory_space<vmem>>, vector<1024x1xf32>
    tpu.vector_store %arg8[%swap3A_70, %swap3A_71], %broadcast_in_dim3A_69 {strides = array<i32>} : memref<1024x1xf32, #tpu.memory_space<vmem>>, vector<1024x1xf32>,
    %mul3A_73 = arith.mulf %get3A_4, %convert_element_type3A_64 : vector<1024x512xf32>
    %reduce_sum3A_74 = arith.constant dense<0.000000e+00> : vector<1024xf32>
    %reduce_sum3A_75 = vector.multi_reduction <add>, %mul3A_73, %reduce_sum3A_74 [1] : vector<1024x512xf32> to vector<1024xf32>
    %broadcast_in_dim3A_76 = vector.shape_cast %reduce_sum3A_75 : vector<1024xf32> to vector<1024x1xf32>
    %mul3A_77 = arith.mulf %get3A_7, %convert_element_type3A_64 : vector<1024x512xf32>
    %reduce_sum3A_78 = arith.constant dense<0.000000e+00> : vector<1024xf32>
    %reduce_sum3A_79 = vector.multi_reduction <add>, %mul3A_77, %reduce_sum3A_78 [1] : vector<1024x512xf32> to vector<1024xf32>
    %broadcast_in_dim3A_80 = vector.shape_cast %reduce_sum3A_79 : vector<1024xf32> to vector<1024x1xf32>
    %concatenate3A = tpu.concatenate %broadcast_in_dim3A_76, %broadcast_in_dim3A_80 in 1 : vector<1024x1xf32>, vector<1024x1xf32> -> vector<1024x2xf32>
    %swap3A_81 = arith.constant 0 : index
    %swap3A_82 = arith.constant 0 : index
    %swap3A_83 = vector.load %arg9[%swap3A_81, %swap3A_82] : memref<1024x2xf32, #tpu.memory_space<vmem>>, vector<1024x2xf32>
    tpu.vector_store %arg9[%swap3A_81, %swap3A_82], %concatenate3A {strides = array<i32>} : memref<1024x2xf32, #tpu.memory_space<vmem>>, vector<1024x2xf32>,
    return
  }
  func.func @transform_0(%arg0: i32) -> (i32, i32) {
    %c0_i32 = arith.constant 0 : i32
    %c0_i32_0 = arith.constant 0 : i32
    return %arg0, %c0_i32 : i32, i32
  }
  func.func @transform_1(%arg0: i32) -> (i32, i32) {
    %c0_i32 = arith.constant 0 : i32
    %c0_i32_0 = arith.constant 0 : i32
    return %arg0, %c0_i32 : i32, i32
  }
  func.func @transform_2(%arg0: i32) -> (i32, i32) {
    %c0_i32 = arith.constant 0 : i32
    %c0_i32_0 = arith.constant 0 : i32
    return %arg0, %c0_i32 : i32, i32
  }
  func.func @transform_3(%arg0: i32) -> (i32, i32) {
    %c0_i32 = arith.constant 0 : i32
    %c0_i32_0 = arith.constant 0 : i32
    return %arg0, %c0_i32 : i32, i32
  }
  func.func @transform_4(%arg0: i32) -> (i32, i32) {
    %c0_i32 = arith.constant 0 : i32
    %c0_i32_0 = arith.constant 0 : i32
    return %arg0, %c0_i32 : i32, i32
  }
  func.func @transform_5(%arg0: i32) -> (i32, i32) {
    %c0_i32 = arith.constant 0 : i32
    %c0_i32_0 = arith.constant 0 : i32
    return %arg0, %c0_i32 : i32, i32
  }
  func.func @transform_6(%arg0: i32) -> (i32, i32) {
    %c0_i32 = arith.constant 0 : i32
    %c0_i32_0 = arith.constant 0 : i32
    return %arg0, %c0_i32 : i32, i32
  }
  func.func @transform_7(%arg0: i32) -> (i32, i32) {
    %c0_i32 = arith.constant 0 : i32
    %c0_i32_0 = arith.constant 0 : i32
    return %arg0, %c0_i32 : i32, i32
  }
  func.func @transform_8(%arg0: i32) -> (i32, i32) {
    %c0_i32 = arith.constant 0 : i32
    %c0_i32_0 = arith.constant 0 : i32
    return %arg0, %c0_i32 : i32, i32
  }
}

module attributes {stable_mosaic.version = 14 : i64} {
  func.func @body(%arg0: i32, %arg1: memref<1024x512xf32, #tpu.memory_space<vmem>>, %arg2: memref<1024x512xf32, #tpu.memory_space<vmem>>, %arg3: memref<1024x512xf32, #tpu.memory_space<vmem>>, %arg4: memref<1024x512xf32, #tpu.memory_space<vmem>>, %arg5: memref<1024x3xf32, #tpu.memory_space<vmem>>, %arg6: memref<1024x1xi32, #tpu.memory_space<vmem>>, %arg7: memref<1024x1xi32, #tpu.memory_space<vmem>>, %arg8: memref<1024x1xi32, #tpu.memory_space<vmem>>, %arg9: memref<1024x1xi32, #tpu.memory_space<vmem>>, %arg10: memref<1024x1xf32, #tpu.memory_space<vmem>>, %arg11: memref<1024x3xf32, #tpu.memory_space<vmem>>) attributes {dimension_semantics = [#tpu.dimension_semantics<arbitrary>], iteration_bounds = array<i64: 8>, scalar_prefetch = 0 : i64, scratch_operands = 0 : i64, tpu.core_type = #tpu.core_type<tc>, window_params = [{transform_indices = @transform_0, window_bounds = array<i64: 1024, 512>}, {transform_indices = @transform_1, window_bounds = array<i64: 1024, 512>}, {transform_indices = @transform_2, window_bounds = array<i64: 1024, 512>}, {transform_indices = @transform_3, window_bounds = array<i64: 1024, 512>}, {transform_indices = @transform_4, window_bounds = array<i64: 1024, 3>}, {transform_indices = @transform_5, window_bounds = array<i64: 1024, 1>}, {transform_indices = @transform_6, window_bounds = array<i64: 1024, 1>}, {transform_indices = @transform_7, window_bounds = array<i64: 1024, 1>}, {transform_indices = @transform_8, window_bounds = array<i64: 1024, 1>}, {transform_indices = @transform_9, window_bounds = array<i64: 1024, 1>}, {transform_indices = @transform_10, window_bounds = array<i64: 1024, 3>}]} {
    %get3A = arith.constant 0 : index
    %get3A_0 = arith.constant 0 : index
    %get3A_1 = vector.load %arg1[%get3A, %get3A_0] : memref<1024x512xf32, #tpu.memory_space<vmem>>, vector<1024x512xf32>
    %get3A_2 = arith.constant 0 : index
    %get3A_3 = arith.constant 0 : index
    %get3A_4 = vector.load %arg2[%get3A_2, %get3A_3] : memref<1024x512xf32, #tpu.memory_space<vmem>>, vector<1024x512xf32>
    %get3A_5 = arith.constant 0 : index
    %get3A_6 = arith.constant 0 : index
    %get3A_7 = vector.load %arg3[%get3A_5, %get3A_6] : memref<1024x512xf32, #tpu.memory_space<vmem>>, vector<1024x512xf32>
    %get3A_8 = arith.constant 0 : index
    %get3A_9 = arith.constant 0 : index
    %get3A_10 = vector.load %arg4[%get3A_8, %get3A_9] : memref<1024x512xf32, #tpu.memory_space<vmem>>, vector<1024x512xf32>
    %get3A_11 = arith.constant 0 : index
    %get3A_12 = arith.constant 0 : index
    %get3A_13 = vector.load %arg5[%get3A_11, %get3A_12] : memref<1024x3xf32, #tpu.memory_space<vmem>>, vector<1024x1xf32>
    %convert_element_type3A = arith.truncf %get3A_13 : vector<1024x1xf32> to vector<1024x1xbf16>
    %convert_element_type3A_14 = arith.extf %convert_element_type3A : vector<1024x1xbf16> to vector<1024x1xf32>
    %convert_element_type3A_15 = arith.truncf %get3A_4 : vector<1024x512xf32> to vector<1024x512xbf16>
    %convert_element_type3A_16 = arith.extf %convert_element_type3A_15 : vector<1024x512xbf16> to vector<1024x512xf32>
    %mul3A = vector.broadcast %convert_element_type3A_14 : vector<1024x1xf32> to vector<1024x512xf32>
    %mul3A_17 = arith.mulf %mul3A, %convert_element_type3A_16 : vector<1024x512xf32>
    %get3A_18 = arith.constant 0 : index
    %get3A_19 = arith.constant 1 : index
    %get3A_20 = vector.load %arg5[%get3A_18, %get3A_19] : memref<1024x3xf32, #tpu.memory_space<vmem>>, vector<1024x1xf32>
    %convert_element_type3A_21 = arith.truncf %get3A_20 : vector<1024x1xf32> to vector<1024x1xbf16>
    %convert_element_type3A_22 = arith.extf %convert_element_type3A_21 : vector<1024x1xbf16> to vector<1024x1xf32>
    %convert_element_type3A_23 = arith.truncf %get3A_7 : vector<1024x512xf32> to vector<1024x512xbf16>
    %convert_element_type3A_24 = arith.extf %convert_element_type3A_23 : vector<1024x512xbf16> to vector<1024x512xf32>
    %mul3A_25 = vector.broadcast %convert_element_type3A_22 : vector<1024x1xf32> to vector<1024x512xf32>
    %mul3A_26 = arith.mulf %mul3A_25, %convert_element_type3A_24 : vector<1024x512xf32>
    %get3A_27 = arith.constant 0 : index
    %get3A_28 = arith.constant 2 : index
    %get3A_29 = vector.load %arg5[%get3A_27, %get3A_28] : memref<1024x3xf32, #tpu.memory_space<vmem>>, vector<1024x1xf32>
    %convert_element_type3A_30 = arith.truncf %get3A_29 : vector<1024x1xf32> to vector<1024x1xbf16>
    %convert_element_type3A_31 = arith.extf %convert_element_type3A_30 : vector<1024x1xbf16> to vector<1024x1xf32>
    %convert_element_type3A_32 = arith.truncf %get3A_10 : vector<1024x512xf32> to vector<1024x512xbf16>
    %convert_element_type3A_33 = arith.extf %convert_element_type3A_32 : vector<1024x512xbf16> to vector<1024x512xf32>
    %mul3A_34 = vector.broadcast %convert_element_type3A_31 : vector<1024x1xf32> to vector<1024x512xf32>
    %mul3A_35 = arith.mulf %mul3A_34, %convert_element_type3A_33 : vector<1024x512xf32>
    %broadcast_in_dim3A = arith.constant 0.000000e+00 : f32
    %broadcast_in_dim3A_36 = vector.broadcast %broadcast_in_dim3A : f32 to vector<1024x512xf32>
    %add3A = arith.addf %mul3A_17, %mul3A_26 : vector<1024x512xf32>
    %sub3A = arith.subf %add3A, %mul3A_17 : vector<1024x512xf32>
    %sub3A_37 = arith.subf %add3A, %sub3A : vector<1024x512xf32>
    %sub3A_38 = arith.subf %mul3A_17, %sub3A_37 : vector<1024x512xf32>
    %sub3A_39 = arith.subf %mul3A_26, %sub3A : vector<1024x512xf32>
    %add3A_40 = arith.addf %sub3A_38, %sub3A_39 : vector<1024x512xf32>
    %add3A_41 = arith.addf %broadcast_in_dim3A_36, %add3A_40 : vector<1024x512xf32>
    %add3A_42 = arith.addf %add3A, %mul3A_35 : vector<1024x512xf32>
    %sub3A_43 = arith.subf %add3A_42, %add3A : vector<1024x512xf32>
    %sub3A_44 = arith.subf %add3A_42, %sub3A_43 : vector<1024x512xf32>
    %sub3A_45 = arith.subf %add3A, %sub3A_44 : vector<1024x512xf32>
    %sub3A_46 = arith.subf %mul3A_35, %sub3A_43 : vector<1024x512xf32>
    %add3A_47 = arith.addf %sub3A_45, %sub3A_46 : vector<1024x512xf32>
    %add3A_48 = arith.addf %add3A_41, %add3A_47 : vector<1024x512xf32>
    %bitcast_convert_type3A = tpu.bitcast %add3A_42 : vector<1024x512xf32> -> vector<1024x512xi32>
    %sub3A_49 = arith.constant 1 : i32
    %sub3A_50 = vector.broadcast %sub3A_49 : i32 to vector<1024x512xi32>
    %sub3A_51 = arith.subi %bitcast_convert_type3A, %sub3A_50 : vector<1024x512xi32>
    %bitcast_convert_type3A_52 = tpu.bitcast %sub3A_51 : vector<1024x512xi32> -> vector<1024x512xf32>
    %mul3A_53 = arith.mulf %add3A_42, %add3A_48 : vector<1024x512xf32>
    %lt3A = arith.constant 0.000000e+00 : f32
    %lt3A_54 = vector.broadcast %lt3A : f32 to vector<1024x512xf32>
    %lt3A_55 = arith.cmpf olt, %mul3A_53, %lt3A_54 : vector<1024x512xf32>
    %select_n3A = arith.select %lt3A_55, %bitcast_convert_type3A_52, %add3A_42 : vector<1024x512xi1>, vector<1024x512xf32>
    %sub3A_56 = arith.subf %get3A_1, %select_n3A : vector<1024x512xf32>
    %iota3A = tpu.iota {dimensions = array<i32: 1>} : vector<1024x512xi32>
    %abs3A = math.absf %sub3A_56 : vector<1024x512xf32>
    %get3A_57 = arith.constant 0 : index
    %get3A_58 = arith.constant 0 : index
    %get3A_59 = vector.load %arg6[%get3A_57, %get3A_58] : memref<1024x1xi32, #tpu.memory_space<vmem>>, vector<1024x1xi32>
    %eq3A = vector.broadcast %get3A_59 : vector<1024x1xi32> to vector<1024x512xi32>
    %eq3A_60 = arith.cmpi eq, %iota3A, %eq3A : vector<1024x512xi32>
    %jit3A = arith.constant 0.000000e+00 : f32
    %broadcast_in_dim3A_61 = vector.broadcast %jit3A : f32 to vector<1024x512xf32>
    %select_n3A_62 = arith.select %eq3A_60, %broadcast_in_dim3A_61, %abs3A : vector<1024x512xi1>, vector<1024x512xf32>
    %get3A_63 = arith.constant 0 : index
    %get3A_64 = arith.constant 0 : index
    %get3A_65 = vector.load %arg7[%get3A_63, %get3A_64] : memref<1024x1xi32, #tpu.memory_space<vmem>>, vector<1024x1xi32>
    %eq3A_66 = vector.broadcast %get3A_65 : vector<1024x1xi32> to vector<1024x512xi32>
    %eq3A_67 = arith.cmpi eq, %iota3A, %eq3A_66 : vector<1024x512xi32>
    %jit3A_68 = arith.constant 0.000000e+00 : f32
    %broadcast_in_dim3A_69 = vector.broadcast %jit3A_68 : f32 to vector<1024x512xf32>
    %select_n3A_70 = arith.select %eq3A_67, %broadcast_in_dim3A_69, %select_n3A_62 : vector<1024x512xi1>, vector<1024x512xf32>
    %get3A_71 = arith.constant 0 : index
    %get3A_72 = arith.constant 0 : index
    %get3A_73 = vector.load %arg8[%get3A_71, %get3A_72] : memref<1024x1xi32, #tpu.memory_space<vmem>>, vector<1024x1xi32>
    %eq3A_74 = vector.broadcast %get3A_73 : vector<1024x1xi32> to vector<1024x512xi32>
    %eq3A_75 = arith.cmpi eq, %iota3A, %eq3A_74 : vector<1024x512xi32>
    %jit3A_76 = arith.constant 0.000000e+00 : f32
    %broadcast_in_dim3A_77 = vector.broadcast %jit3A_76 : f32 to vector<1024x512xf32>
    %select_n3A_78 = arith.select %eq3A_75, %broadcast_in_dim3A_77, %select_n3A_70 : vector<1024x512xi1>, vector<1024x512xf32>
    %reduce_max3A = arith.constant dense<0xFF800000> : vector<1024xf32>
    %reduce_max3A_79 = vector.multi_reduction <maximumf>, %select_n3A_78, %reduce_max3A [1] : vector<1024x512xf32> to vector<1024xf32>
    %broadcast_in_dim3A_80 = vector.shape_cast %reduce_max3A_79 : vector<1024xf32> to vector<1024x1xf32>
    %eq3A_81 = vector.broadcast %broadcast_in_dim3A_80 : vector<1024x1xf32> to vector<1024x512xf32>
    %eq3A_82 = arith.cmpf oeq, %select_n3A_78, %eq3A_81 : vector<1024x512xf32>
    %jit3A_83 = arith.constant 512 : i32
    %broadcast_in_dim3A_84 = vector.broadcast %jit3A_83 : i32 to vector<1024x512xi32>
    %select_n3A_85 = arith.select %eq3A_82, %iota3A, %broadcast_in_dim3A_84 : vector<1024x512xi1>, vector<1024x512xi32>
    %reduce_min3A = arith.constant dense<2147483647> : vector<1024xi32>
    %reduce_min3A_86 = vector.multi_reduction <minsi>, %select_n3A_85, %reduce_min3A [1] : vector<1024x512xi32> to vector<1024xi32>
    %broadcast_in_dim3A_87 = vector.shape_cast %reduce_min3A_86 : vector<1024xi32> to vector<1024x1xi32>
    %eq3A_88 = vector.broadcast %broadcast_in_dim3A_87 : vector<1024x1xi32> to vector<1024x512xi32>
    %eq3A_89 = arith.cmpi eq, %iota3A, %eq3A_88 : vector<1024x512xi32>
    %convert_element_type3A_90 = arith.extui %eq3A_89 : vector<1024x512xi1> to vector<1024x512xi32>
    %convert_element_type3A_91 = arith.sitofp %convert_element_type3A_90 : vector<1024x512xi32> to vector<1024x512xf32>
    %swap3A = arith.constant 0 : index
    %swap3A_92 = arith.constant 0 : index
    %swap3A_93 = vector.load %arg9[%swap3A, %swap3A_92] : memref<1024x1xi32, #tpu.memory_space<vmem>>, vector<1024x1xi32>
    tpu.vector_store %arg9[%swap3A, %swap3A_92], %broadcast_in_dim3A_87 {strides = array<i32>} : memref<1024x1xi32, #tpu.memory_space<vmem>>, vector<1024x1xi32>,
    %mul3A_94 = arith.mulf %get3A_1, %convert_element_type3A_91 : vector<1024x512xf32>
    %reduce_sum3A = arith.constant dense<0.000000e+00> : vector<1024xf32>
    %reduce_sum3A_95 = vector.multi_reduction <add>, %mul3A_94, %reduce_sum3A [1] : vector<1024x512xf32> to vector<1024xf32>
    %broadcast_in_dim3A_96 = vector.shape_cast %reduce_sum3A_95 : vector<1024xf32> to vector<1024x1xf32>
    %swap3A_97 = arith.constant 0 : index
    %swap3A_98 = arith.constant 0 : index
    %swap3A_99 = vector.load %arg10[%swap3A_97, %swap3A_98] : memref<1024x1xf32, #tpu.memory_space<vmem>>, vector<1024x1xf32>
    tpu.vector_store %arg10[%swap3A_97, %swap3A_98], %broadcast_in_dim3A_96 {strides = array<i32>} : memref<1024x1xf32, #tpu.memory_space<vmem>>, vector<1024x1xf32>,
    %mul3A_100 = arith.mulf %get3A_4, %convert_element_type3A_91 : vector<1024x512xf32>
    %reduce_sum3A_101 = arith.constant dense<0.000000e+00> : vector<1024xf32>
    %reduce_sum3A_102 = vector.multi_reduction <add>, %mul3A_100, %reduce_sum3A_101 [1] : vector<1024x512xf32> to vector<1024xf32>
    %broadcast_in_dim3A_103 = vector.shape_cast %reduce_sum3A_102 : vector<1024xf32> to vector<1024x1xf32>
    %mul3A_104 = arith.mulf %get3A_7, %convert_element_type3A_91 : vector<1024x512xf32>
    %reduce_sum3A_105 = arith.constant dense<0.000000e+00> : vector<1024xf32>
    %reduce_sum3A_106 = vector.multi_reduction <add>, %mul3A_104, %reduce_sum3A_105 [1] : vector<1024x512xf32> to vector<1024xf32>
    %broadcast_in_dim3A_107 = vector.shape_cast %reduce_sum3A_106 : vector<1024xf32> to vector<1024x1xf32>
    %mul3A_108 = arith.mulf %get3A_10, %convert_element_type3A_91 : vector<1024x512xf32>
    %reduce_sum3A_109 = arith.constant dense<0.000000e+00> : vector<1024xf32>
    %reduce_sum3A_110 = vector.multi_reduction <add>, %mul3A_108, %reduce_sum3A_109 [1] : vector<1024x512xf32> to vector<1024xf32>
    %broadcast_in_dim3A_111 = vector.shape_cast %reduce_sum3A_110 : vector<1024xf32> to vector<1024x1xf32>
    %concatenate3A = tpu.concatenate %broadcast_in_dim3A_103, %broadcast_in_dim3A_107, %broadcast_in_dim3A_111 in 1 : vector<1024x1xf32>, vector<1024x1xf32>, vector<1024x1xf32> -> vector<1024x3xf32>
    %swap3A_112 = arith.constant 0 : index
    %swap3A_113 = arith.constant 0 : index
    %swap3A_114 = vector.load %arg11[%swap3A_112, %swap3A_113] : memref<1024x3xf32, #tpu.memory_space<vmem>>, vector<1024x3xf32>
    tpu.vector_store %arg11[%swap3A_112, %swap3A_113], %concatenate3A {strides = array<i32>} : memref<1024x3xf32, #tpu.memory_space<vmem>>, vector<1024x3xf32>,
    return
  }
  func.func @transform_0(%arg0: i32) -> (i32, i32) {
    %c0_i32 = arith.constant 0 : i32
    %c0_i32_0 = arith.constant 0 : i32
    return %arg0, %c0_i32 : i32, i32
  }
  func.func @transform_1(%arg0: i32) -> (i32, i32) {
    %c0_i32 = arith.constant 0 : i32
    %c0_i32_0 = arith.constant 0 : i32
    return %arg0, %c0_i32 : i32, i32
  }
  func.func @transform_2(%arg0: i32) -> (i32, i32) {
    %c0_i32 = arith.constant 0 : i32
    %c0_i32_0 = arith.constant 0 : i32
    return %arg0, %c0_i32 : i32, i32
  }
  func.func @transform_3(%arg0: i32) -> (i32, i32) {
    %c0_i32 = arith.constant 0 : i32
    %c0_i32_0 = arith.constant 0 : i32
    return %arg0, %c0_i32 : i32, i32
  }
  func.func @transform_4(%arg0: i32) -> (i32, i32) {
    %c0_i32 = arith.constant 0 : i32
    %c0_i32_0 = arith.constant 0 : i32
    return %arg0, %c0_i32 : i32, i32
  }
  func.func @transform_5(%arg0: i32) -> (i32, i32) {
    %c0_i32 = arith.constant 0 : i32
    %c0_i32_0 = arith.constant 0 : i32
    return %arg0, %c0_i32 : i32, i32
  }
  func.func @transform_6(%arg0: i32) -> (i32, i32) {
    %c0_i32 = arith.constant 0 : i32
    %c0_i32_0 = arith.constant 0 : i32
    return %arg0, %c0_i32 : i32, i32
  }
  func.func @transform_7(%arg0: i32) -> (i32, i32) {
    %c0_i32 = arith.constant 0 : i32
    %c0_i32_0 = arith.constant 0 : i32
    return %arg0, %c0_i32 : i32, i32
  }
  func.func @transform_8(%arg0: i32) -> (i32, i32) {
    %c0_i32 = arith.constant 0 : i32
    %c0_i32_0 = arith.constant 0 : i32
    return %arg0, %c0_i32 : i32, i32
  }
  func.func @transform_9(%arg0: i32) -> (i32, i32) {
    %c0_i32 = arith.constant 0 : i32
    %c0_i32_0 = arith.constant 0 : i32
    return %arg0, %c0_i32 : i32, i32
  }
  func.func @transform_10(%arg0: i32) -> (i32, i32) {
    %c0_i32 = arith.constant 0 : i32
    %c0_i32_0 = arith.constant 0 : i32
    return %arg0, %c0_i32 : i32, i32
  }
}

module attributes {stable_mosaic.version = 14 : i64} {
  func.func @body(%arg0: i32, %arg1: memref<1024x512xf32, #tpu.memory_space<vmem>>, %arg2: memref<1024x512xf32, #tpu.memory_space<vmem>>, %arg3: memref<1024x512xf32, #tpu.memory_space<vmem>>, %arg4: memref<1024x512xf32, #tpu.memory_space<vmem>>, %arg5: memref<1024x512xf32, #tpu.memory_space<vmem>>, %arg6: memref<1024x4xf32, #tpu.memory_space<vmem>>, %arg7: memref<1024x1xi32, #tpu.memory_space<vmem>>, %arg8: memref<1024x1xi32, #tpu.memory_space<vmem>>, %arg9: memref<1024x1xi32, #tpu.memory_space<vmem>>, %arg10: memref<1024x1xi32, #tpu.memory_space<vmem>>, %arg11: memref<1024x1xi32, #tpu.memory_space<vmem>>, %arg12: memref<1024x1xf32, #tpu.memory_space<vmem>>, %arg13: memref<1024x4xf32, #tpu.memory_space<vmem>>) attributes {dimension_semantics = [#tpu.dimension_semantics<arbitrary>], iteration_bounds = array<i64: 8>, scalar_prefetch = 0 : i64, scratch_operands = 0 : i64, tpu.core_type = #tpu.core_type<tc>, window_params = [{transform_indices = @transform_0, window_bounds = array<i64: 1024, 512>}, {transform_indices = @transform_1, window_bounds = array<i64: 1024, 512>}, {transform_indices = @transform_2, window_bounds = array<i64: 1024, 512>}, {transform_indices = @transform_3, window_bounds = array<i64: 1024, 512>}, {transform_indices = @transform_4, window_bounds = array<i64: 1024, 512>}, {transform_indices = @transform_5, window_bounds = array<i64: 1024, 4>}, {transform_indices = @transform_6, window_bounds = array<i64: 1024, 1>}, {transform_indices = @transform_7, window_bounds = array<i64: 1024, 1>}, {transform_indices = @transform_8, window_bounds = array<i64: 1024, 1>}, {transform_indices = @transform_9, window_bounds = array<i64: 1024, 1>}, {transform_indices = @transform_10, window_bounds = array<i64: 1024, 1>}, {transform_indices = @transform_11, window_bounds = array<i64: 1024, 1>}, {transform_indices = @transform_12, window_bounds = array<i64: 1024, 4>}]} {
    %get3A = arith.constant 0 : index
    %get3A_0 = arith.constant 0 : index
    %get3A_1 = vector.load %arg1[%get3A, %get3A_0] : memref<1024x512xf32, #tpu.memory_space<vmem>>, vector<1024x512xf32>
    %get3A_2 = arith.constant 0 : index
    %get3A_3 = arith.constant 0 : index
    %get3A_4 = vector.load %arg2[%get3A_2, %get3A_3] : memref<1024x512xf32, #tpu.memory_space<vmem>>, vector<1024x512xf32>
    %get3A_5 = arith.constant 0 : index
    %get3A_6 = arith.constant 0 : index
    %get3A_7 = vector.load %arg3[%get3A_5, %get3A_6] : memref<1024x512xf32, #tpu.memory_space<vmem>>, vector<1024x512xf32>
    %get3A_8 = arith.constant 0 : index
    %get3A_9 = arith.constant 0 : index
    %get3A_10 = vector.load %arg4[%get3A_8, %get3A_9] : memref<1024x512xf32, #tpu.memory_space<vmem>>, vector<1024x512xf32>
    %get3A_11 = arith.constant 0 : index
    %get3A_12 = arith.constant 0 : index
    %get3A_13 = vector.load %arg5[%get3A_11, %get3A_12] : memref<1024x512xf32, #tpu.memory_space<vmem>>, vector<1024x512xf32>
    %get3A_14 = arith.constant 0 : index
    %get3A_15 = arith.constant 0 : index
    %get3A_16 = vector.load %arg6[%get3A_14, %get3A_15] : memref<1024x4xf32, #tpu.memory_space<vmem>>, vector<1024x1xf32>
    %convert_element_type3A = arith.truncf %get3A_16 : vector<1024x1xf32> to vector<1024x1xbf16>
    %convert_element_type3A_17 = arith.extf %convert_element_type3A : vector<1024x1xbf16> to vector<1024x1xf32>
    %convert_element_type3A_18 = arith.truncf %get3A_4 : vector<1024x512xf32> to vector<1024x512xbf16>
    %convert_element_type3A_19 = arith.extf %convert_element_type3A_18 : vector<1024x512xbf16> to vector<1024x512xf32>
    %mul3A = vector.broadcast %convert_element_type3A_17 : vector<1024x1xf32> to vector<1024x512xf32>
    %mul3A_20 = arith.mulf %mul3A, %convert_element_type3A_19 : vector<1024x512xf32>
    %get3A_21 = arith.constant 0 : index
    %get3A_22 = arith.constant 1 : index
    %get3A_23 = vector.load %arg6[%get3A_21, %get3A_22] : memref<1024x4xf32, #tpu.memory_space<vmem>>, vector<1024x1xf32>
    %convert_element_type3A_24 = arith.truncf %get3A_23 : vector<1024x1xf32> to vector<1024x1xbf16>
    %convert_element_type3A_25 = arith.extf %convert_element_type3A_24 : vector<1024x1xbf16> to vector<1024x1xf32>
    %convert_element_type3A_26 = arith.truncf %get3A_7 : vector<1024x512xf32> to vector<1024x512xbf16>
    %convert_element_type3A_27 = arith.extf %convert_element_type3A_26 : vector<1024x512xbf16> to vector<1024x512xf32>
    %mul3A_28 = vector.broadcast %convert_element_type3A_25 : vector<1024x1xf32> to vector<1024x512xf32>
    %mul3A_29 = arith.mulf %mul3A_28, %convert_element_type3A_27 : vector<1024x512xf32>
    %get3A_30 = arith.constant 0 : index
    %get3A_31 = arith.constant 2 : index
    %get3A_32 = vector.load %arg6[%get3A_30, %get3A_31] : memref<1024x4xf32, #tpu.memory_space<vmem>>, vector<1024x1xf32>
    %convert_element_type3A_33 = arith.truncf %get3A_32 : vector<1024x1xf32> to vector<1024x1xbf16>
    %convert_element_type3A_34 = arith.extf %convert_element_type3A_33 : vector<1024x1xbf16> to vector<1024x1xf32>
    %convert_element_type3A_35 = arith.truncf %get3A_10 : vector<1024x512xf32> to vector<1024x512xbf16>
    %convert_element_type3A_36 = arith.extf %convert_element_type3A_35 : vector<1024x512xbf16> to vector<1024x512xf32>
    %mul3A_37 = vector.broadcast %convert_element_type3A_34 : vector<1024x1xf32> to vector<1024x512xf32>
    %mul3A_38 = arith.mulf %mul3A_37, %convert_element_type3A_36 : vector<1024x512xf32>
    %get3A_39 = arith.constant 0 : index
    %get3A_40 = arith.constant 3 : index
    %get3A_41 = vector.load %arg6[%get3A_39, %get3A_40] : memref<1024x4xf32, #tpu.memory_space<vmem>>, vector<1024x1xf32>
    %convert_element_type3A_42 = arith.truncf %get3A_41 : vector<1024x1xf32> to vector<1024x1xbf16>
    %convert_element_type3A_43 = arith.extf %convert_element_type3A_42 : vector<1024x1xbf16> to vector<1024x1xf32>
    %convert_element_type3A_44 = arith.truncf %get3A_13 : vector<1024x512xf32> to vector<1024x512xbf16>
    %convert_element_type3A_45 = arith.extf %convert_element_type3A_44 : vector<1024x512xbf16> to vector<1024x512xf32>
    %mul3A_46 = vector.broadcast %convert_element_type3A_43 : vector<1024x1xf32> to vector<1024x512xf32>
    %mul3A_47 = arith.mulf %mul3A_46, %convert_element_type3A_45 : vector<1024x512xf32>
    %broadcast_in_dim3A = arith.constant 0.000000e+00 : f32
    %broadcast_in_dim3A_48 = vector.broadcast %broadcast_in_dim3A : f32 to vector<1024x512xf32>
    %add3A = arith.addf %mul3A_20, %mul3A_29 : vector<1024x512xf32>
    %sub3A = arith.subf %add3A, %mul3A_20 : vector<1024x512xf32>
    %sub3A_49 = arith.subf %add3A, %sub3A : vector<1024x512xf32>
    %sub3A_50 = arith.subf %mul3A_20, %sub3A_49 : vector<1024x512xf32>
    %sub3A_51 = arith.subf %mul3A_29, %sub3A : vector<1024x512xf32>
    %add3A_52 = arith.addf %sub3A_50, %sub3A_51 : vector<1024x512xf32>
    %add3A_53 = arith.addf %broadcast_in_dim3A_48, %add3A_52 : vector<1024x512xf32>
    %add3A_54 = arith.addf %add3A, %mul3A_38 : vector<1024x512xf32>
    %sub3A_55 = arith.subf %add3A_54, %add3A : vector<1024x512xf32>
    %sub3A_56 = arith.subf %add3A_54, %sub3A_55 : vector<1024x512xf32>
    %sub3A_57 = arith.subf %add3A, %sub3A_56 : vector<1024x512xf32>
    %sub3A_58 = arith.subf %mul3A_38, %sub3A_55 : vector<1024x512xf32>
    %add3A_59 = arith.addf %sub3A_57, %sub3A_58 : vector<1024x512xf32>
    %add3A_60 = arith.addf %add3A_53, %add3A_59 : vector<1024x512xf32>
    %add3A_61 = arith.addf %add3A_54, %mul3A_47 : vector<1024x512xf32>
    %sub3A_62 = arith.subf %add3A_61, %add3A_54 : vector<1024x512xf32>
    %sub3A_63 = arith.subf %add3A_61, %sub3A_62 : vector<1024x512xf32>
    %sub3A_64 = arith.subf %add3A_54, %sub3A_63 : vector<1024x512xf32>
    %sub3A_65 = arith.subf %mul3A_47, %sub3A_62 : vector<1024x512xf32>
    %add3A_66 = arith.addf %sub3A_64, %sub3A_65 : vector<1024x512xf32>
    %add3A_67 = arith.addf %add3A_60, %add3A_66 : vector<1024x512xf32>
    %bitcast_convert_type3A = tpu.bitcast %add3A_61 : vector<1024x512xf32> -> vector<1024x512xi32>
    %sub3A_68 = arith.constant 1 : i32
    %sub3A_69 = vector.broadcast %sub3A_68 : i32 to vector<1024x512xi32>
    %sub3A_70 = arith.subi %bitcast_convert_type3A, %sub3A_69 : vector<1024x512xi32>
    %bitcast_convert_type3A_71 = tpu.bitcast %sub3A_70 : vector<1024x512xi32> -> vector<1024x512xf32>
    %mul3A_72 = arith.mulf %add3A_61, %add3A_67 : vector<1024x512xf32>
    %lt3A = arith.constant 0.000000e+00 : f32
    %lt3A_73 = vector.broadcast %lt3A : f32 to vector<1024x512xf32>
    %lt3A_74 = arith.cmpf olt, %mul3A_72, %lt3A_73 : vector<1024x512xf32>
    %select_n3A = arith.select %lt3A_74, %bitcast_convert_type3A_71, %add3A_61 : vector<1024x512xi1>, vector<1024x512xf32>
    %sub3A_75 = arith.subf %get3A_1, %select_n3A : vector<1024x512xf32>
    %iota3A = tpu.iota {dimensions = array<i32: 1>} : vector<1024x512xi32>
    %abs3A = math.absf %sub3A_75 : vector<1024x512xf32>
    %get3A_76 = arith.constant 0 : index
    %get3A_77 = arith.constant 0 : index
    %get3A_78 = vector.load %arg7[%get3A_76, %get3A_77] : memref<1024x1xi32, #tpu.memory_space<vmem>>, vector<1024x1xi32>
    %eq3A = vector.broadcast %get3A_78 : vector<1024x1xi32> to vector<1024x512xi32>
    %eq3A_79 = arith.cmpi eq, %iota3A, %eq3A : vector<1024x512xi32>
    %jit3A = arith.constant 0.000000e+00 : f32
    %broadcast_in_dim3A_80 = vector.broadcast %jit3A : f32 to vector<1024x512xf32>
    %select_n3A_81 = arith.select %eq3A_79, %broadcast_in_dim3A_80, %abs3A : vector<1024x512xi1>, vector<1024x512xf32>
    %get3A_82 = arith.constant 0 : index
    %get3A_83 = arith.constant 0 : index
    %get3A_84 = vector.load %arg8[%get3A_82, %get3A_83] : memref<1024x1xi32, #tpu.memory_space<vmem>>, vector<1024x1xi32>
    %eq3A_85 = vector.broadcast %get3A_84 : vector<1024x1xi32> to vector<1024x512xi32>
    %eq3A_86 = arith.cmpi eq, %iota3A, %eq3A_85 : vector<1024x512xi32>
    %jit3A_87 = arith.constant 0.000000e+00 : f32
    %broadcast_in_dim3A_88 = vector.broadcast %jit3A_87 : f32 to vector<1024x512xf32>
    %select_n3A_89 = arith.select %eq3A_86, %broadcast_in_dim3A_88, %select_n3A_81 : vector<1024x512xi1>, vector<1024x512xf32>
    %get3A_90 = arith.constant 0 : index
    %get3A_91 = arith.constant 0 : index
    %get3A_92 = vector.load %arg9[%get3A_90, %get3A_91] : memref<1024x1xi32, #tpu.memory_space<vmem>>, vector<1024x1xi32>
    %eq3A_93 = vector.broadcast %get3A_92 : vector<1024x1xi32> to vector<1024x512xi32>
    %eq3A_94 = arith.cmpi eq, %iota3A, %eq3A_93 : vector<1024x512xi32>
    %jit3A_95 = arith.constant 0.000000e+00 : f32
    %broadcast_in_dim3A_96 = vector.broadcast %jit3A_95 : f32 to vector<1024x512xf32>
    %select_n3A_97 = arith.select %eq3A_94, %broadcast_in_dim3A_96, %select_n3A_89 : vector<1024x512xi1>, vector<1024x512xf32>
    %get3A_98 = arith.constant 0 : index
    %get3A_99 = arith.constant 0 : index
    %get3A_100 = vector.load %arg10[%get3A_98, %get3A_99] : memref<1024x1xi32, #tpu.memory_space<vmem>>, vector<1024x1xi32>
    %eq3A_101 = vector.broadcast %get3A_100 : vector<1024x1xi32> to vector<1024x512xi32>
    %eq3A_102 = arith.cmpi eq, %iota3A, %eq3A_101 : vector<1024x512xi32>
    %jit3A_103 = arith.constant 0.000000e+00 : f32
    %broadcast_in_dim3A_104 = vector.broadcast %jit3A_103 : f32 to vector<1024x512xf32>
    %select_n3A_105 = arith.select %eq3A_102, %broadcast_in_dim3A_104, %select_n3A_97 : vector<1024x512xi1>, vector<1024x512xf32>
    %reduce_max3A = arith.constant dense<0xFF800000> : vector<1024xf32>
    %reduce_max3A_106 = vector.multi_reduction <maximumf>, %select_n3A_105, %reduce_max3A [1] : vector<1024x512xf32> to vector<1024xf32>
    %broadcast_in_dim3A_107 = vector.shape_cast %reduce_max3A_106 : vector<1024xf32> to vector<1024x1xf32>
    %eq3A_108 = vector.broadcast %broadcast_in_dim3A_107 : vector<1024x1xf32> to vector<1024x512xf32>
    %eq3A_109 = arith.cmpf oeq, %select_n3A_105, %eq3A_108 : vector<1024x512xf32>
    %jit3A_110 = arith.constant 512 : i32
    %broadcast_in_dim3A_111 = vector.broadcast %jit3A_110 : i32 to vector<1024x512xi32>
    %select_n3A_112 = arith.select %eq3A_109, %iota3A, %broadcast_in_dim3A_111 : vector<1024x512xi1>, vector<1024x512xi32>
    %reduce_min3A = arith.constant dense<2147483647> : vector<1024xi32>
    %reduce_min3A_113 = vector.multi_reduction <minsi>, %select_n3A_112, %reduce_min3A [1] : vector<1024x512xi32> to vector<1024xi32>
    %broadcast_in_dim3A_114 = vector.shape_cast %reduce_min3A_113 : vector<1024xi32> to vector<1024x1xi32>
    %eq3A_115 = vector.broadcast %broadcast_in_dim3A_114 : vector<1024x1xi32> to vector<1024x512xi32>
    %eq3A_116 = arith.cmpi eq, %iota3A, %eq3A_115 : vector<1024x512xi32>
    %convert_element_type3A_117 = arith.extui %eq3A_116 : vector<1024x512xi1> to vector<1024x512xi32>
    %convert_element_type3A_118 = arith.sitofp %convert_element_type3A_117 : vector<1024x512xi32> to vector<1024x512xf32>
    %swap3A = arith.constant 0 : index
    %swap3A_119 = arith.constant 0 : index
    %swap3A_120 = vector.load %arg11[%swap3A, %swap3A_119] : memref<1024x1xi32, #tpu.memory_space<vmem>>, vector<1024x1xi32>
    tpu.vector_store %arg11[%swap3A, %swap3A_119], %broadcast_in_dim3A_114 {strides = array<i32>} : memref<1024x1xi32, #tpu.memory_space<vmem>>, vector<1024x1xi32>,
    %mul3A_121 = arith.mulf %get3A_1, %convert_element_type3A_118 : vector<1024x512xf32>
    %reduce_sum3A = arith.constant dense<0.000000e+00> : vector<1024xf32>
    %reduce_sum3A_122 = vector.multi_reduction <add>, %mul3A_121, %reduce_sum3A [1] : vector<1024x512xf32> to vector<1024xf32>
    %broadcast_in_dim3A_123 = vector.shape_cast %reduce_sum3A_122 : vector<1024xf32> to vector<1024x1xf32>
    %swap3A_124 = arith.constant 0 : index
    %swap3A_125 = arith.constant 0 : index
    %swap3A_126 = vector.load %arg12[%swap3A_124, %swap3A_125] : memref<1024x1xf32, #tpu.memory_space<vmem>>, vector<1024x1xf32>
    tpu.vector_store %arg12[%swap3A_124, %swap3A_125], %broadcast_in_dim3A_123 {strides = array<i32>} : memref<1024x1xf32, #tpu.memory_space<vmem>>, vector<1024x1xf32>,
    %mul3A_127 = arith.mulf %get3A_4, %convert_element_type3A_118 : vector<1024x512xf32>
    %reduce_sum3A_128 = arith.constant dense<0.000000e+00> : vector<1024xf32>
    %reduce_sum3A_129 = vector.multi_reduction <add>, %mul3A_127, %reduce_sum3A_128 [1] : vector<1024x512xf32> to vector<1024xf32>
    %broadcast_in_dim3A_130 = vector.shape_cast %reduce_sum3A_129 : vector<1024xf32> to vector<1024x1xf32>
    %mul3A_131 = arith.mulf %get3A_7, %convert_element_type3A_118 : vector<1024x512xf32>
    %reduce_sum3A_132 = arith.constant dense<0.000000e+00> : vector<1024xf32>
    %reduce_sum3A_133 = vector.multi_reduction <add>, %mul3A_131, %reduce_sum3A_132 [1] : vector<1024x512xf32> to vector<1024xf32>
    %broadcast_in_dim3A_134 = vector.shape_cast %reduce_sum3A_133 : vector<1024xf32> to vector<1024x1xf32>
    %mul3A_135 = arith.mulf %get3A_10, %convert_element_type3A_118 : vector<1024x512xf32>
    %reduce_sum3A_136 = arith.constant dense<0.000000e+00> : vector<1024xf32>
    %reduce_sum3A_137 = vector.multi_reduction <add>, %mul3A_135, %reduce_sum3A_136 [1] : vector<1024x512xf32> to vector<1024xf32>
    %broadcast_in_dim3A_138 = vector.shape_cast %reduce_sum3A_137 : vector<1024xf32> to vector<1024x1xf32>
    %mul3A_139 = arith.mulf %get3A_13, %convert_element_type3A_118 : vector<1024x512xf32>
    %reduce_sum3A_140 = arith.constant dense<0.000000e+00> : vector<1024xf32>
    %reduce_sum3A_141 = vector.multi_reduction <add>, %mul3A_139, %reduce_sum3A_140 [1] : vector<1024x512xf32> to vector<1024xf32>
    %broadcast_in_dim3A_142 = vector.shape_cast %reduce_sum3A_141 : vector<1024xf32> to vector<1024x1xf32>
    %concatenate3A = tpu.concatenate %broadcast_in_dim3A_130, %broadcast_in_dim3A_134, %broadcast_in_dim3A_138, %broadcast_in_dim3A_142 in 1 : vector<1024x1xf32>, vector<1024x1xf32>, vector<1024x1xf32>, vector<1024x1xf32> -> vector<1024x4xf32>
    %swap3A_143 = arith.constant 0 : index
    %swap3A_144 = arith.constant 0 : index
    %swap3A_145 = vector.load %arg13[%swap3A_143, %swap3A_144] : memref<1024x4xf32, #tpu.memory_space<vmem>>, vector<1024x4xf32>
    tpu.vector_store %arg13[%swap3A_143, %swap3A_144], %concatenate3A {strides = array<i32>} : memref<1024x4xf32, #tpu.memory_space<vmem>>, vector<1024x4xf32>,
    return
  }
  func.func @transform_0(%arg0: i32) -> (i32, i32) {
    %c0_i32 = arith.constant 0 : i32
    %c0_i32_0 = arith.constant 0 : i32
    return %arg0, %c0_i32 : i32, i32
  }
  func.func @transform_1(%arg0: i32) -> (i32, i32) {
    %c0_i32 = arith.constant 0 : i32
    %c0_i32_0 = arith.constant 0 : i32
    return %arg0, %c0_i32 : i32, i32
  }
  func.func @transform_2(%arg0: i32) -> (i32, i32) {
    %c0_i32 = arith.constant 0 : i32
    %c0_i32_0 = arith.constant 0 : i32
    return %arg0, %c0_i32 : i32, i32
  }
  func.func @transform_3(%arg0: i32) -> (i32, i32) {
    %c0_i32 = arith.constant 0 : i32
    %c0_i32_0 = arith.constant 0 : i32
    return %arg0, %c0_i32 : i32, i32
  }
  func.func @transform_4(%arg0: i32) -> (i32, i32) {
    %c0_i32 = arith.constant 0 : i32
    %c0_i32_0 = arith.constant 0 : i32
    return %arg0, %c0_i32 : i32, i32
  }
  func.func @transform_5(%arg0: i32) -> (i32, i32) {
    %c0_i32 = arith.constant 0 : i32
    %c0_i32_0 = arith.constant 0 : i32
    return %arg0, %c0_i32 : i32, i32
  }
  func.func @transform_6(%arg0: i32) -> (i32, i32) {
    %c0_i32 = arith.constant 0 : i32
    %c0_i32_0 = arith.constant 0 : i32
    return %arg0, %c0_i32 : i32, i32
  }
  func.func @transform_7(%arg0: i32) -> (i32, i32) {
    %c0_i32 = arith.constant 0 : i32
    %c0_i32_0 = arith.constant 0 : i32
    return %arg0, %c0_i32 : i32, i32
  }
  func.func @transform_8(%arg0: i32) -> (i32, i32) {
    %c0_i32 = arith.constant 0 : i32
    %c0_i32_0 = arith.constant 0 : i32
    return %arg0, %c0_i32 : i32, i32
  }
  func.func @transform_9(%arg0: i32) -> (i32, i32) {
    %c0_i32 = arith.constant 0 : i32
    %c0_i32_0 = arith.constant 0 : i32
    return %arg0, %c0_i32 : i32, i32
  }
  func.func @transform_10(%arg0: i32) -> (i32, i32) {
    %c0_i32 = arith.constant 0 : i32
    %c0_i32_0 = arith.constant 0 : i32
    return %arg0, %c0_i32 : i32, i32
  }
  func.func @transform_11(%arg0: i32) -> (i32, i32) {
    %c0_i32 = arith.constant 0 : i32
    %c0_i32_0 = arith.constant 0 : i32
    return %arg0, %c0_i32 : i32, i32
  }
  func.func @transform_12(%arg0: i32) -> (i32, i32) {
    %c0_i32 = arith.constant 0 : i32
    %c0_i32_0 = arith.constant 0 : i32
    return %arg0, %c0_i32 : i32, i32
  }
}

module attributes {stable_mosaic.version = 14 : i64} {
  func.func @_final_body(%arg0: i32, %arg1: memref<1024x256xf32, #tpu.memory_space<vmem>>, %arg2: memref<256x512xf32, #tpu.memory_space<vmem>>, %arg3: memref<1024x5xf32, #tpu.memory_space<vmem>>, %arg4: memref<1024x1xi32, #tpu.memory_space<vmem>>, %arg5: memref<1024x1xi32, #tpu.memory_space<vmem>>, %arg6: memref<1024x1xi32, #tpu.memory_space<vmem>>, %arg7: memref<1024x1xi32, #tpu.memory_space<vmem>>, %arg8: memref<1024x1xi32, #tpu.memory_space<vmem>>, %arg9: memref<1024x512xf32, #tpu.memory_space<vmem>>, %arg10: memref<1024x256xf32, #tpu.memory_space<vmem>>, %arg11: memref<1x1x128xf32, #tpu.memory_space<vmem>>) attributes {dimension_semantics = [#tpu.dimension_semantics<arbitrary>], iteration_bounds = array<i64: 8>, scalar_prefetch = 0 : i64, scratch_operands = 0 : i64, tpu.core_type = #tpu.core_type<tc>, window_params = [{transform_indices = @transform_0, window_bounds = array<i64: 1024, 256>}, {pipeline_mode = #tpu.pipeline_mode<synchronous>, transform_indices = @transform_1, window_bounds = array<i64: 256, 512>}, {transform_indices = @transform_2, window_bounds = array<i64: 1024, 5>}, {transform_indices = @transform_3, window_bounds = array<i64: 1024, 1>}, {transform_indices = @transform_4, window_bounds = array<i64: 1024, 1>}, {transform_indices = @transform_5, window_bounds = array<i64: 1024, 1>}, {transform_indices = @transform_6, window_bounds = array<i64: 1024, 1>}, {transform_indices = @transform_7, window_bounds = array<i64: 1024, 1>}, {transform_indices = @transform_8, window_bounds = array<i64: 1024, 512>}, {transform_indices = @transform_9, window_bounds = array<i64: 1024, 256>}, {transform_indices = @transform_10, window_bounds = array<i64: 1, 1, 128>}]} {
    %iota3A = tpu.iota {dimensions = array<i32: 1>} : vector<1024x512xi32>
    %broadcast_in_dim3A = arith.constant 0.000000e+00 : f32
    %broadcast_in_dim3A_0 = vector.broadcast %broadcast_in_dim3A : f32 to vector<1024x512xf32>
    %get3A = arith.constant 0 : index
    %get3A_1 = arith.constant 0 : index
    %get3A_2 = vector.load %arg3[%get3A, %get3A_1] : memref<1024x5xf32, #tpu.memory_space<vmem>>, vector<1024x1xf32>
    %get3A_3 = arith.constant 0 : index
    %get3A_4 = arith.constant 0 : index
    %get3A_5 = vector.load %arg4[%get3A_3, %get3A_4] : memref<1024x1xi32, #tpu.memory_space<vmem>>, vector<1024x1xi32>
    %eq3A = vector.broadcast %get3A_5 : vector<1024x1xi32> to vector<1024x512xi32>
    %eq3A_6 = arith.cmpi eq, %iota3A, %eq3A : vector<1024x512xi32>
    %convert_element_type3A = arith.extui %eq3A_6 : vector<1024x512xi1> to vector<1024x512xi32>
    %convert_element_type3A_7 = arith.sitofp %convert_element_type3A : vector<1024x512xi32> to vector<1024x512xf32>
    %mul3A = vector.broadcast %get3A_2 : vector<1024x1xf32> to vector<1024x512xf32>
    %mul3A_8 = arith.mulf %mul3A, %convert_element_type3A_7 : vector<1024x512xf32>
    %add3A = arith.addf %broadcast_in_dim3A_0, %mul3A_8 : vector<1024x512xf32>
    %get3A_9 = arith.constant 0 : index
    %get3A_10 = arith.constant 1 : index
    %get3A_11 = vector.load %arg3[%get3A_9, %get3A_10] : memref<1024x5xf32, #tpu.memory_space<vmem>>, vector<1024x1xf32>
    %get3A_12 = arith.constant 0 : index
    %get3A_13 = arith.constant 0 : index
    %get3A_14 = vector.load %arg5[%get3A_12, %get3A_13] : memref<1024x1xi32, #tpu.memory_space<vmem>>, vector<1024x1xi32>
    %eq3A_15 = vector.broadcast %get3A_14 : vector<1024x1xi32> to vector<1024x512xi32>
    %eq3A_16 = arith.cmpi eq, %iota3A, %eq3A_15 : vector<1024x512xi32>
    %convert_element_type3A_17 = arith.extui %eq3A_16 : vector<1024x512xi1> to vector<1024x512xi32>
    %convert_element_type3A_18 = arith.sitofp %convert_element_type3A_17 : vector<1024x512xi32> to vector<1024x512xf32>
    %mul3A_19 = vector.broadcast %get3A_11 : vector<1024x1xf32> to vector<1024x512xf32>
    %mul3A_20 = arith.mulf %mul3A_19, %convert_element_type3A_18 : vector<1024x512xf32>
    %add3A_21 = arith.addf %add3A, %mul3A_20 : vector<1024x512xf32>
    %get3A_22 = arith.constant 0 : index
    %get3A_23 = arith.constant 2 : index
    %get3A_24 = vector.load %arg3[%get3A_22, %get3A_23] : memref<1024x5xf32, #tpu.memory_space<vmem>>, vector<1024x1xf32>
    %get3A_25 = arith.constant 0 : index
    %get3A_26 = arith.constant 0 : index
    %get3A_27 = vector.load %arg6[%get3A_25, %get3A_26] : memref<1024x1xi32, #tpu.memory_space<vmem>>, vector<1024x1xi32>
    %eq3A_28 = vector.broadcast %get3A_27 : vector<1024x1xi32> to vector<1024x512xi32>
    %eq3A_29 = arith.cmpi eq, %iota3A, %eq3A_28 : vector<1024x512xi32>
    %convert_element_type3A_30 = arith.extui %eq3A_29 : vector<1024x512xi1> to vector<1024x512xi32>
    %convert_element_type3A_31 = arith.sitofp %convert_element_type3A_30 : vector<1024x512xi32> to vector<1024x512xf32>
    %mul3A_32 = vector.broadcast %get3A_24 : vector<1024x1xf32> to vector<1024x512xf32>
    %mul3A_33 = arith.mulf %mul3A_32, %convert_element_type3A_31 : vector<1024x512xf32>
    %add3A_34 = arith.addf %add3A_21, %mul3A_33 : vector<1024x512xf32>
    %get3A_35 = arith.constant 0 : index
    %get3A_36 = arith.constant 3 : index
    %get3A_37 = vector.load %arg3[%get3A_35, %get3A_36] : memref<1024x5xf32, #tpu.memory_space<vmem>>, vector<1024x1xf32>
    %get3A_38 = arith.constant 0 : index
    %get3A_39 = arith.constant 0 : index
    %get3A_40 = vector.load %arg7[%get3A_38, %get3A_39] : memref<1024x1xi32, #tpu.memory_space<vmem>>, vector<1024x1xi32>
    %eq3A_41 = vector.broadcast %get3A_40 : vector<1024x1xi32> to vector<1024x512xi32>
    %eq3A_42 = arith.cmpi eq, %iota3A, %eq3A_41 : vector<1024x512xi32>
    %convert_element_type3A_43 = arith.extui %eq3A_42 : vector<1024x512xi1> to vector<1024x512xi32>
    %convert_element_type3A_44 = arith.sitofp %convert_element_type3A_43 : vector<1024x512xi32> to vector<1024x512xf32>
    %mul3A_45 = vector.broadcast %get3A_37 : vector<1024x1xf32> to vector<1024x512xf32>
    %mul3A_46 = arith.mulf %mul3A_45, %convert_element_type3A_44 : vector<1024x512xf32>
    %add3A_47 = arith.addf %add3A_34, %mul3A_46 : vector<1024x512xf32>
    %get3A_48 = arith.constant 0 : index
    %get3A_49 = arith.constant 4 : index
    %get3A_50 = vector.load %arg3[%get3A_48, %get3A_49] : memref<1024x5xf32, #tpu.memory_space<vmem>>, vector<1024x1xf32>
    %get3A_51 = arith.constant 0 : index
    %get3A_52 = arith.constant 0 : index
    %get3A_53 = vector.load %arg8[%get3A_51, %get3A_52] : memref<1024x1xi32, #tpu.memory_space<vmem>>, vector<1024x1xi32>
    %eq3A_54 = vector.broadcast %get3A_53 : vector<1024x1xi32> to vector<1024x512xi32>
    %eq3A_55 = arith.cmpi eq, %iota3A, %eq3A_54 : vector<1024x512xi32>
    %convert_element_type3A_56 = arith.extui %eq3A_55 : vector<1024x512xi1> to vector<1024x512xi32>
    %convert_element_type3A_57 = arith.sitofp %convert_element_type3A_56 : vector<1024x512xi32> to vector<1024x512xf32>
    %mul3A_58 = vector.broadcast %get3A_50 : vector<1024x1xf32> to vector<1024x512xf32>
    %mul3A_59 = arith.mulf %mul3A_58, %convert_element_type3A_57 : vector<1024x512xf32>
    %add3A_60 = arith.addf %add3A_47, %mul3A_59 : vector<1024x512xf32>
    %swap3A = arith.constant 0 : index
    %swap3A_61 = arith.constant 0 : index
    %swap3A_62 = vector.load %arg9[%swap3A, %swap3A_61] : memref<1024x512xf32, #tpu.memory_space<vmem>>, vector<1024x512xf32>
    tpu.vector_store %arg9[%swap3A, %swap3A_61], %add3A_60 {strides = array<i32>} : memref<1024x512xf32, #tpu.memory_space<vmem>>, vector<1024x512xf32>,
    %get3A_63 = arith.constant 0 : index
    %get3A_64 = arith.constant 0 : index
    %get3A_65 = vector.load %arg1[%get3A_63, %get3A_64] : memref<1024x256xf32, #tpu.memory_space<vmem>>, vector<1024x256xf32>
    %convert_element_type3A_66 = arith.truncf %add3A_60 : vector<1024x512xf32> to vector<1024x512xbf16>
    %get3A_67 = arith.constant 0 : index
    %get3A_68 = arith.constant 0 : index
    %get3A_69 = vector.load %arg2[%get3A_67, %get3A_68] : memref<256x512xf32, #tpu.memory_space<vmem>>, vector<256x512xf32>
    %convert_element_type3A_70 = arith.truncf %get3A_69 : vector<256x512xf32> to vector<256x512xbf16>
    %dot_general3A = arith.constant dense<0.000000e+00> : vector<1024x256xf32>
    %dot_general3A_71 = tpu.matmul %convert_element_type3A_66, %convert_element_type3A_70, %dot_general3A {dimension_numbers = #tpu.dot_dimension_numbers<[1], [1], [0], [0], [0, 0, 1, 0], [], []>, transpose_lhs_hint = false} : vector<1024x512xbf16>, vector<256x512xbf16>, vector<1024x256xf32> -> vector<1024x256xf32>
    %sub3A = arith.subf %dot_general3A_71, %get3A_65 : vector<1024x256xf32>
    %add3A_72 = arith.addf %get3A_65, %sub3A : vector<1024x256xf32>
    %swap3A_73 = arith.constant 0 : index
    %swap3A_74 = arith.constant 0 : index
    %swap3A_75 = vector.load %arg10[%swap3A_73, %swap3A_74] : memref<1024x256xf32, #tpu.memory_space<vmem>>, vector<1024x256xf32>
    tpu.vector_store %arg10[%swap3A_73, %swap3A_74], %add3A_72 {strides = array<i32>} : memref<1024x256xf32, #tpu.memory_space<vmem>>, vector<1024x256xf32>,
    %sub3A_76 = arith.subf %dot_general3A_71, %get3A_65 : vector<1024x256xf32>
    %mul3A_77 = arith.mulf %sub3A_76, %sub3A_76 : vector<1024x256xf32>
    %reduce_sum3A = vector.shape_cast %mul3A_77 : vector<1024x256xf32> to vector<1x1024x256xf32>
    %reduce_sum3A_78 = arith.constant dense<0.000000e+00> : vector<1xf32>
    %reduce_sum3A_79 = vector.multi_reduction <add>, %reduce_sum3A, %reduce_sum3A_78 [1, 2] : vector<1x1024x256xf32> to vector<1xf32>
    %reduce_sum3A_80 = vector.shape_cast %reduce_sum3A_79 : vector<1xf32> to vector<1x1x1xf32>
    %reduce_sum3A_81 = vector.extract %reduce_sum3A_80[0, 0, 0] : f32 from vector<1x1x1xf32>
    %broadcast_in_dim3A_82 = vector.broadcast %reduce_sum3A_81 : f32 to vector<1x1x128xf32>
    %swap3A_83 = arith.constant 0 : index
    %swap3A_84 = arith.constant 0 : index
    %swap3A_85 = arith.constant 0 : index
    %swap3A_86 = vector.load %arg11[%swap3A_83, %swap3A_84, %swap3A_85] : memref<1x1x128xf32, #tpu.memory_space<vmem>>, vector<1x1x128xf32>
    tpu.vector_store %arg11[%swap3A_83, %swap3A_84, %swap3A_85], %broadcast_in_dim3A_82 {strides = array<i32>} : memref<1x1x128xf32, #tpu.memory_space<vmem>>, vector<1x1x128xf32>,
    return
  }
  func.func @transform_0(%arg0: i32) -> (i32, i32) {
    %c0_i32 = arith.constant 0 : i32
    %c0_i32_0 = arith.constant 0 : i32
    return %arg0, %c0_i32 : i32, i32
  }
  func.func @transform_1(%arg0: i32) -> (i32, i32) {
    %c0_i32 = arith.constant 0 : i32
    %c0_i32_0 = arith.constant 0 : i32
    %c0_i32_1 = arith.constant 0 : i32
    return %c0_i32, %c0_i32_0 : i32, i32
  }
  func.func @transform_2(%arg0: i32) -> (i32, i32) {
    %c0_i32 = arith.constant 0 : i32
    %c0_i32_0 = arith.constant 0 : i32
    return %arg0, %c0_i32 : i32, i32
  }
  func.func @transform_3(%arg0: i32) -> (i32, i32) {
    %c0_i32 = arith.constant 0 : i32
    %c0_i32_0 = arith.constant 0 : i32
    return %arg0, %c0_i32 : i32, i32
  }
  func.func @transform_4(%arg0: i32) -> (i32, i32) {
    %c0_i32 = arith.constant 0 : i32
    %c0_i32_0 = arith.constant 0 : i32
    return %arg0, %c0_i32 : i32, i32
  }
  func.func @transform_5(%arg0: i32) -> (i32, i32) {
    %c0_i32 = arith.constant 0 : i32
    %c0_i32_0 = arith.constant 0 : i32
    return %arg0, %c0_i32 : i32, i32
  }
  func.func @transform_6(%arg0: i32) -> (i32, i32) {
    %c0_i32 = arith.constant 0 : i32
    %c0_i32_0 = arith.constant 0 : i32
    return %arg0, %c0_i32 : i32, i32
  }
  func.func @transform_7(%arg0: i32) -> (i32, i32) {
    %c0_i32 = arith.constant 0 : i32
    %c0_i32_0 = arith.constant 0 : i32
    return %arg0, %c0_i32 : i32, i32
  }
  func.func @transform_8(%arg0: i32) -> (i32, i32) {
    %c0_i32 = arith.constant 0 : i32
    %c0_i32_0 = arith.constant 0 : i32
    return %arg0, %c0_i32 : i32, i32
  }
  func.func @transform_9(%arg0: i32) -> (i32, i32) {
    %c0_i32 = arith.constant 0 : i32
    %c0_i32_0 = arith.constant 0 : i32
    return %arg0, %c0_i32 : i32, i32
  }
  func.func @transform_10(%arg0: i32) -> (i32, i32, i32) {
    %c0_i32 = arith.constant 0 : i32
    %c0_i32_0 = arith.constant 0 : i32
    %c0_i32_1 = arith.constant 0 : i32
    return %arg0, %c0_i32, %c0_i32_0 : i32, i32, i32
  }
}

</mosaic_0001>

<sc_bundles>
// kernel: kernel.12.cloned.1.call-start
scs
__scs_entry_jumppad:
0x0: {  	(pc) =	sbr.rel $0x88, $3  }
0x1: {  	(tag) =	ssettag $0x0;
	lr =	simm.s32 $0x1  }
0x2: {  	[smem:$0x3F9F] =	sst lr;
	_ =	strace $0xD0000000  }
0x3: {  	_ = 	snop  }
0x4: {  	_ = 	snop  }
0x5: {  	_ = 	snop  }
0x6: {  	_ = 	snop  }
0x7: {  	_ = 	snop  }
__scs_overlays_trampoline_lowered:
0x8: {  	[smem:$0x3FAE] =	sst s0  }
0x9: {  	[smem:$0x3FAF] =	sst s1  }
0xa: {  	[smem:$0x3FB0] =	sst s2  }
0xb: {  	[smem:$0x3FB1] =	sst s3  }
0xc: {  	[smem:$0x3FB2] =	sst s4  }
0xd: {  	[smem:$0x3FB3] =	sst s5  }
0xe: {  	[smem:$0x3FB4] =	sst s6  }
0xf: {  	[smem:$0x3FB5] =	sst s7  }
0x10: {  	[smem:$0x3FB6] =	sst s8  }
0x11: {  	[smem:$0x3FB7] =	sst s9;
	s0 =	simm.s32 @!p0 $0x0  }
0x12: {  	s1 =	sld [smem:$0x3F9D];
	s0 =	simm.s32 @p0 $0x1  }
0x13: {  	[smem:$0x3FB8] =	sst s0;
	s0 =	simm.s32 @!p1 $0x0  }
0x14: {  	s2 =	sld [smem:$0x3F9C];
	s0 =	simm.s32 @p1 $0x1  }
0x15: {  	[smem:$0x3FB9] =	sst s0;
	s0 =	simm.s32 @!p2 $0x0  }
0x16: {  	s3 =	sld [smem:$0x3FDB];
	s0 =	simm.s32 @p2 $0x1  }
0x17: {  	s4 =	simm.s32 $0x1BF5;
	[smem:$0x3FBB] =	sst s0  }
0x18: {  	s0 =	sld [smem:$0x3F9E];
	_ =	swait.ge [sflag:s4], $0x0  }
0x19: {  	s7 =	sld [smem:$0x3F9F]  }
0x1a: {  	s8 =	sadd.s32 $0xFFFFE003, lr  }
0x1b: {  	s9 =	sadd.s32 $0xFFFFFEF7, lr;
	s5 =	simm.s32 $0xFFFFFFFF;
	p2 =	slt.u32 s8, $0xFFFFF086  }
0x1c: {  	p1 =	slt.u32 s9, $0xF7A;
	s5 =	simm.s32 @!p2 $0x0  }
0x1d: {  	s5 =	simm.s32 @p1 $0x1;
	p0 =	seq.s32 s7, s2  }
0x1e: {  	s7 =	smul.u32 @!p0 $0xF7A, s2;
	p2 =	seq.s32 @!p0 s5, $0x0  }
0x1f: {  	s9 =	smul.u32 $0xF7A, s1;
	s8 =	simm.s32 @!p0 $0x1BF5;
	p2 =	por !p2, p0  }
0x20: {  	[sflag:s8] =	ssyncset.s32 @!p0 $0xFFFFF086;
	s6 =	sadd.s32 @!p0 s3, s7;
	s7 =	simm.s32 @!p0 $0x108  }
0x21: {  	s3 =	sadd.s32 s3, s9;
	s6 =	sadd.s32 @!p0 $0x88, s6;
	s7 =	simm.s32 @p2 $0x1082  }
0x22: {  	[simem:s7], [sflag:s8] =	dma.local @!p0 [hbm:s6], $0xF7A  }
0x23: {  	s9 =	sor.u32 $0xD0000000, s2;
	s6 =	simm.s32 $0x108;
	_ =	swait.ge @!p0 [sflag:s8], $0x0  }
0x24: {  	s3 =	sadd.s32 $0x88, s3;
	s6 =	simm.s32 @!p1 $0x1082;
	[sflag:s4] =	ssyncset.s32 $0xFFFFF086  }
0x25: {  	[simem:s6], [sflag:s4] =	dma.local [hbm:s3], $0xF7A  }
0x26: {  	[smem:$0x3F9F] =	sst s1;
	(tag) =	ssettag s2;
	_ =	strace s9  }
0x27: {  	s1 =	sld [smem:$0x3FAF]  }
0x28: {  	s2 =	sld [smem:$0x3FB0]  }
0x29: {  	s4 =	sld [smem:$0x3FB2]  }
0x2a: {  	p0 =	seq.s32 s5, $0x0;
	s5 =	sld [smem:$0x3FB3]  }
0x2b: {  	s6 =	sld [smem:$0x3FB4]  }
0x2c: {  	s7 =	sld [smem:$0x3FB5]  }
0x2d: {  	s3 =	simm.s32 $0x108;
	s8 =	sld [smem:$0x3FB6]  }
0x2e: {  	s3 =	simm.s32 @!p0 $0x1082;
	s9 =	sld [smem:$0x3FB7]  }
0x2f: {  	lr =	sadd.s32 s0, s3;
	s0 =	sld [smem:$0x3FAE]  }
0x30: {  	s3 =	sld [smem:$0x3FB1]  }
0x31: {  	[smem:$0x3FBA] =	sst s10  }
0x32: {  	s10 =	sld [smem:$0x3FB8];
	_ =	sdelay $0x3  }
0x33: {  	p0 =	seq.s32 s10, $0x1;
	s10 =	sld [smem:$0x3FBA];
	_ =	sdelay $0x3  }
0x34: {  	[smem:$0x3FBA] =	sst s10  }
0x35: {  	s10 =	sld [smem:$0x3FB9];
	_ =	sdelay $0x3  }
0x36: {  	p1 =	seq.s32 s10, $0x1;
	s10 =	sld [smem:$0x3FBA];
	_ =	sdelay $0x3  }
0x37: {  	[smem:$0x3FBA] =	sst s10  }
0x38: {  	s10 =	sld [smem:$0x3FBB]  }
0x39: {  	_ = 	snop;
	(pc) =	sbr.ind lr, $3  }
0x3a: {  	_ = 	snop  }
0x3b: {  	_ = 	snop  }
0x3c: {  	p2 =	seq.s32 s10, $0x1;
	s10 =	sld [smem:$0x3FBA]  }
0x3d: {  	_ =	shalt  }
0x3e: {  	_ =	shalt  }
0x3f: {  	_ =	shalt  }
0x40: {  	_ =	shalt  }
0x41: {  	_ =	shalt  }
0x42: {  	_ =	shalt  }
0x43: {  	_ =	shalt  }
0x44: {  	_ =	shalt  }
0x45: {  	_ =	shalt  }
0x46: {  	_ =	shalt  }
0x47: {  	_ =	shalt  }
0x48: {  	_ =	shalt  }
0x49: {  	_ =	shalt  }
0x4a: {  	_ =	shalt  }
0x4b: {  	_ =	shalt  }
0x4c: {  	_ =	shalt  }
0x4d: {  	_ =	shalt  }
0x4e: {  	_ =	shalt  }
0x4f: {  	_ =	shalt  }
0x50: {  	_ =	shalt  }
0x51: {  	_ =	shalt  }
0x52: {  	_ =	shalt  }
0x53: {  	_ =	shalt  }
0x54: {  	_ =	shalt  }
0x55: {  	_ =	shalt  }
0x56: {  	_ =	shalt  }
0x57: {  	_ =	shalt  }
0x58: {  	_ =	shalt  }
0x59: {  	_ =	shalt  }
0x5a: {  	_ =	shalt  }
0x5b: {  	_ =	shalt  }
0x5c: {  	_ =	shalt  }
0x5d: {  	_ =	shalt  }
0x5e: {  	_ =	shalt  }
0x5f: {  	_ =	shalt  }
0x60: {  	_ =	shalt  }
0x61: {  	_ =	shalt  }
0x62: {  	_ =	shalt  }
0x63: {  	_ =	shalt  }
0x64: {  	_ =	shalt  }
0x65: {  	_ =	shalt  }
0x66: {  	_ =	shalt  }
0x67: {  	_ =	shalt  }
0x68: {  	_ =	shalt  }
0x69: {  	_ =	shalt  }
0x6a: {  	_ =	shalt  }
0x6b: {  	_ =	shalt  }
0x6c: {  	_ =	shalt  }
0x6d: {  	_ =	shalt  }
0x6e: {  	_ =	shalt  }
0x6f: {  	_ =	shalt  }
0x70: {  	_ =	shalt  }
0x71: {  	_ =	shalt  }
0x72: {  	_ =	shalt  }
0x73: {  	_ =	shalt  }
0x74: {  	_ =	shalt  }
0x75: {  	_ =	shalt  }
0x76: {  	_ =	shalt  }
0x77: {  	_ =	shalt  }
0x78: {  	_ =	shalt  }
0x79: {  	_ =	shalt  }
0x7a: {  	_ =	shalt  }
0x7b: {  	_ =	shalt  }
0x7c: {  	_ =	shalt  }
0x7d: {  	_ =	shalt  }
0x7e: {  	_ =	shalt  }
0x7f: {  	_ =	shalt  }
0x80: {  	_ =	shalt  }
0x81: {  	_ =	shalt  }
0x82: {  	_ =	shalt  }
0x83: {  	_ =	shalt  }
0x84: {  	_ =	shalt  }
0x85: {  	_ =	shalt  }
0x86: {  	_ =	shalt  }
0x87: {  	_ =	shalt  }
.Lfunc_end0:
.L_simem_size_0:
called_computation_lowered:
.L_overlay_start_0:
0x88: {  	s2 =	sld [smem:$0x3FD9]  }
0x89: {  	s3 =	sld [smem:$0x3FFE];
	_ =	sdelay $0x1  }
0x8a: {  	s1 =	srdreg.scid  }
0x8b: {  	s0 =	sand.u32 $0x1, s1  }
0x8c: {  	s16 =	sshll.u32 s0, $0xA;
	s2 =	sadd.s32 s3, s2  }
0x8d: {  	s2 =	sadd.s32 s2, s16  }
0x8e: {  	[smem:$0x3FC6] =	sst s2  }
0x8f: {  	_ = 	snop  }
0x90: {  	(tm) =	ssettm $0x1  }
0x91: {  	s17 =	sld [smem:$0x3FFB];
	_ =	sdelay $0x3  }
0x92: {  	_ =	strace s17  }
0x93: {  	s2 =	sld [smem:$0x3FFC];
	_ =	sdelay $0x3  }
0x94: {  	_ =	strace s2  }
0x95: {  	s2 =	sld [smem:$0x3FFD];
	_ =	sdelay $0x3  }
0x96: {  	_ =	strace s2  }
0x97: {  	_ =	strace $0x8FFFFFFF  }
0x98: {  	s18 =	sld [smem:$0x3FDB];
	_ =	sdelay $0x1  }
0x99: {  	s19 =	simm.s32 $_scs_section_size  }
0x9a: {  	s4 =	simm.s32 $_size__tile_overlayer_lowered;
	s5 =	simm.s32 $_tile_overlayer_lowered  }
0x9b: {  	s22 =	simm.s32 $0x1BFF;
	s21 =	sshll.u32 s5, $0x1;
	s2 =	sadd.s32 s19, s18  }
0x9c: {  	s6 =	simm.s32 $0x0;
	s20 =	sshll.u32 s4, $0x1;
	s4 =	sadd.s32 s21, s2  }
0x9d: {  	[timem:s6], [sflag:s22] =	dma.local [hbm:s4], s20  }
0x9e: {  	_ =	swait.ge [sflag:s22], s20  }
0x9f: {  	s3 =	ssub.s32 $0x0, s20;
	[sflag:s22] =	ssyncset.done $0x0  }
0xa0: {  	[sflag:s22] =	ssyncadd.s32 s3;
	_ =	sdelay $0x1  }
0xa1: {  	s23 =	simm.s32 $0x1B8B  }
0xa2: {  	_ =	swait.ge [sflag:s23], $0x1  }
0xa3: {  	[sflag:s23] =	ssyncset.done $0x0  }
0xa4: {  	s25 =	simm.s32 $0x1B8E;
	s24 =	sld [smem:$0x3FFE];
	[sflag:s23] =	ssyncadd.s32 $0xFFFFFFFF  }
0xa5: {  	s26 =	simm.s32 $execute0_lowered;
	[smem:$0x3FD2] =	sst s25  }
0xa6: {  	s4 =	sshll.u32 s26, $0x1;
	_ =	strace $0x80000046;
	[dreg:$0x1] =	wrdreg $0xFFFFFFFF  }
0xa7: {  	s28 =	simm.s32 $_size_execute0_lowered;
	s2 =	sadd.s32 s2, s4;
	[dreg:$0x0] =	wrdreg $0x0  }
0xa8: {  	s4 =	sshll.u32 s28, $0x1;
	[dreg:$0x2] =	wrdreg s2  }
0xa9: {  	[dreg:$0x3] =	wrdreg s4  }
0xaa: {  	[dreg:$0x4] =	wrdreg $0xC0  }
0xab: {  	_ =	task [dreg:s6], $0x5FFFF  }
0xac: {  	[dreg:$0x1] =	wrdreg $0xFFFFFFFF  }
0xad: {  	[dreg:$0x0] =	wrdreg $0x60  }
0xae: {  	[dreg:$0x2] =	wrdreg s24  }
0xaf: {  	[dreg:$0x3] =	wrdreg $0x9  }
0xb0: {  	_ =	task.clear_ibuf [dreg:s6], $0x4FFFF;
	_ =	strace $0x90000046  }
0xb1: {  	s29 =	simm.s32 $0x9;
	_ =	strace $0x80000048  }
0xb2: {  	_ =	swait.ge [sflag:s29], $0x1  }
0xb3: {  	[sflag:s29] =	ssyncadd.s32 $0xFFFFFFFF  }
0xb4: {  	_ =	strace $0x90000048  }
0xb5: {  	_ =	sfence  }
0xb6: {  	s30 =	sld [smem:$0x0];
	_ =	sdelay $0x2  }
0xb7: {  	s31 =	sshll.u32 s1, $0xD;
	s1 =	sshrl.u32 s1, $0x2  }
0xb8: {  	s3 =	sand.u32 $0x4000, s31;
	s1 =	sadd.s32 s1, s30  }
0xb9: {  	s0 =	sor.u32 s3, s0;
	s1 =	sshll.u32 s1, $0x11  }
0xba: {  	s0 =	sor.u32 s1, s0  }
0xbb: {  	s0 =	sadd.s32 $0x8F2B, s0  }
0xbc: {  	[sflag:s0] =	ssyncadd.remote.s32 $0x1  }
0xbd: {  	_ =	sfence.sel $0xFFFF  }
0xbe: {  	[dreg:$0x0] =	wrdreg $0xFFFFFFFF;
	(pc) =	sbr.abs _section_cstart, $3  }
0xbf: {  	[dreg:$0x1] =	wrdreg $0xFFFFFFFF  }
0xc0: {  	_ =	task.clear_ibuf [dreg:s6], $0x2FFFF;
	_ =	strace $0x9FFFFFFF  }
0xc1: {  	(tm) =	ssettm $0x7FFFFFFF  }
tec
execute0_lowered:
.L_overlay_start_1:
0x0: {  	(tag) =	ssettag $0x1  }
0x1: {  	s0 =	rddreg [dreg:$0x0]  }
0x2: {  	s1 =	simm.s32 $0x0;
	s2 =	srdreg.scid;
	s5 =	stileid.u32  }
0x3: {  	s14 =	simm.s32 $0x1;
	s16 =	simm.s32 $0x880;
	s17 =	simm.s32 $0x1080  }
0x4: {  	s18 =	simm.s32 $0x1880;
	s19 =	simm.s32 $0x2080;
	s20 =	simm.s32 $0x2880  }
0x5: {  	s21 =	simm.s32 $0x3080;
	s28 =	simm.s32 $0x6080;
	s29 =	simm.s32 $0x6880  }
0x6: {  	s30 =	simm.s32 $0x7080;
	s31 =	simm.s32 $0x7880;
	s9 =	simm.s32 $0x9880  }
0x7: {  	s10 =	simm.s32 $0xA080;
	s11 =	simm.s32 $0xA880;
	s12 =	simm.s32 $0xB080  }
0x8: {  	s13 =	simm.s32 $0xB880;
	[smem:$0x7FF] =	sst s1;
	s3 =	sadd.s32 $0x4000, s0  }
0x9: {  	s2 =	sand.u32 $0x1, s2;
	s5 =	sshll.u32 s5, $0x9;
	s6 =	sadd.s32 $0x2C000, s0  }
0xa: {  	s22 =	sadd.s32 $0x2C400, s0;
	s4 =	ssub.s32 $0x2, s2;
	s2 =	sshll.u32 s2, $0x8  }
0xb: {  	_ =	strace $0x80000047;
	s7 =	sshrl.u32 s4, $0x1;
	s2 =	sor.u32 s2, s5  }
0xc: {  	s7 =	ssub.s32 s4, s7;
	s23 =	sshrl.u32 s2, $0x3;
	s8 =	sshll.u32 s2, $0x6  }
0xd: {  	s2 =	sor.u32 $0x80, s2;
	s4 =	sadd.s32 s6, s23;
	s24 =	sadd.s32 s22, s8  }
0xe: {  	s25 =	sshrl.u32 s2, $0x3;
	s2 =	sshll.u32 s2, $0x6;
	s5 =	smax.u32 s7, $0x1  }
0xf: {  	s23 =	simm.s32 $0x4080;
	s8 =	simm.s32 $0x9080;
	[dreg:$0x2] =	wrdreg s4  }
0x10: {  	s7 =	simm.s32 $0xC080;
	[dreg:$0x3] =	wrdreg s24;
	s6 =	sadd.s32 s6, s25  }
0x11: {  	v2 =	vlaneseq.u32;
	s4 =	sadd.s32 $0x4100, s0;
	s26 =	sadd.s32 s22, s2;
	s22 =	simm.s32 $0x3880  }
0x12: {  	vm0 =	vmmov $0xffff;
	v1 =	vshrl.u32 v2, $0x3;
	s24 =	simm.s32 $0x4880;
	s25 =	simm.s32 $0x5080;
	[dreg:$0x4] =	wrdreg s6  }
0x13: {  	v0 =	vand.u32 $0x7, v2;
	v2 =	vor.u32 $0x8, v2;
	v1 =	vmul.u32 $0x8, v1;
	[dreg:$0x5] =	wrdreg s26;
	s6 =	simm.s32 $0x2;
	s26 =	simm.s32 $0x5880  }
.LBB2_1:
0x14: {  	s15 =	rddreg [dreg:$0x2]  }
0x15: {  	[tilespmem:s1], [sflag:$0x2] =	stream.linear.gather [hbm4b:s15+s1], $0x80, $0x38;
	[tilespmem:$0x10080] =	vst v63  }
0x16: {  	_ =	swait.ge [sflag:s6], $0x80  }
0x17: {  	[sflag:s6] =	ssyncset.done $0x0  }
0x18: {  	[sflag:s6] =	ssyncadd.s32 $0xFFFFFF80  }
0x19: {  	v3 =	vld [tilespmem:$0x0];
	_ =	sdelay $0x4  }
0x1a: {  	v4 =	vshll.u32 v3, $0x2  }
0x1b: {  	v3 =	vand.u32 $0x7, v3;
	v4 =	vand.u32 $0xFFFFFFE0, v4  }
0x1c: {  	v3 =	vor.u32 v3, v4  }
0x1d: {  	v4 =	vperm.xlane v3, v0;
	_ =	sdelay $0x1  }
0x1e: {  	v4 =	vadd.s32 v1, v4;
	_ =	sdelay $0x1  }
0x1f: {  	v3 =	vperm.xlane v3, v2;
	_ =	sdelay $0x1  }
0x20: {  	s0 =	simm.s32 $0x80;
	v3 =	vadd.s32 v1, v3  }
0x21: {  	[tilespmem:s0], [sflag:$0x1] =	stream.indirect_vreg.gather [hbm4b:s3+s1], $0x80, v4, vm0, $0xb8;
	[tilespmem:$0x10080] =	vst v63  }
0x22: {  	_ = 	snop  }
0x23: {  	[tilespmem:s16], [sflag:$0x1] =	stream.indirect_vreg.gather [hbm4b:s4+s1], $0x80, v4, vm0, $0xb8;
	[tilespmem:$0x10080] =	vst v63  }
0x24: {  	_ = 	snop  }
0x25: {  	[tilespmem:s17], [sflag:$0x1] =	stream.indirect_vreg.gather [hbm4b:s3+s1], $0x80, v3, vm0, $0xb8;
	[tilespmem:$0x10080] =	vst v63  }
0x26: {  	_ = 	snop  }
0x27: {  	[tilespmem:s18], [sflag:$0x1] =	stream.indirect_vreg.gather [hbm4b:s4+s1], $0x80, v3, vm0, $0xb8;
	[tilespmem:$0x10080] =	vst v63  }
0x28: {  	v3 =	vld [tilespmem:$0x10];
	_ =	sdelay $0x4  }
0x29: {  	v49 =	vshll.u32 v3, $0x2  }
0x2a: {  	v3 =	vand.u32 $0x7, v3;
	v4 =	vand.u32 $0xFFFFFFE0, v49  }
0x2b: {  	v3 =	vor.u32 v3, v4  }
0x2c: {  	v4 =	vperm.xlane v3, v0;
	_ =	sdelay $0x1  }
0x2d: {  	v4 =	vadd.s32 v1, v4;
	_ =	sdelay $0x1  }
0x2e: {  	v3 =	vperm.xlane v3, v2;
	_ =	sdelay $0x1  }
0x2f: {  	v3 =	vadd.s32 v1, v3  }
0x30: {  	[tilespmem:s19], [sflag:$0x1] =	stream.indirect_vreg.gather [hbm4b:s3+s1], $0x80, v4, vm0, $0xb8;
	[tilespmem:$0x10080] =	vst v63  }
0x31: {  	_ = 	snop  }
0x32: {  	[tilespmem:s20], [sflag:$0x1] =	stream.indirect_vreg.gather [hbm4b:s4+s1], $0x80, v4, vm0, $0xb8;
	[tilespmem:$0x10080] =	vst v63  }
0x33: {  	_ = 	snop  }
0x34: {  	[tilespmem:s21], [sflag:$0x1] =	stream.indirect_vreg.gather [hbm4b:s3+s1], $0x80, v3, vm0, $0xb8;
	[tilespmem:$0x10080] =	vst v63  }
0x35: {  	_ = 	snop  }
0x36: {  	[tilespmem:s22], [sflag:$0x1] =	stream.indirect_vreg.gather [hbm4b:s4+s1], $0x80, v3, vm0, $0xb8;
	[tilespmem:$0x10080] =	vst v63  }
0x37: {  	v3 =	vld [tilespmem:$0x20];
	_ =	sdelay $0x4  }
0x38: {  	v50 =	vshll.u32 v3, $0x2  }
0x39: {  	v3 =	vand.u32 $0x7, v3;
	v4 =	vand.u32 $0xFFFFFFE0, v50  }
0x3a: {  	v3 =	vor.u32 v3, v4  }
0x3b: {  	v4 =	vperm.xlane v3, v0;
	_ =	sdelay $0x1  }
0x3c: {  	v4 =	vadd.s32 v1, v4;
	_ =	sdelay $0x1  }
0x3d: {  	v3 =	vperm.xlane v3, v2;
	_ =	sdelay $0x1  }
0x3e: {  	v3 =	vadd.s32 v1, v3  }
0x3f: {  	[tilespmem:s23], [sflag:$0x1] =	stream.indirect_vreg.gather [hbm4b:s3+s1], $0x80, v4, vm0, $0xb8;
	[tilespmem:$0x10080] =	vst v63  }
0x40: {  	_ = 	snop  }
0x41: {  	[tilespmem:s24], [sflag:$0x1] =	stream.indirect_vreg.gather [hbm4b:s4+s1], $0x80, v4, vm0, $0xb8;
	[tilespmem:$0x10080] =	vst v63  }
0x42: {  	_ = 	snop  }
0x43: {  	[tilespmem:s25], [sflag:$0x1] =	stream.indirect_vreg.gather [hbm4b:s3+s1], $0x80, v3, vm0, $0xb8;
	[tilespmem:$0x10080] =	vst v63  }
0x44: {  	_ = 	snop  }
0x45: {  	[tilespmem:s26], [sflag:$0x1] =	stream.indirect_vreg.gather [hbm4b:s4+s1], $0x80, v3, vm0, $0xb8;
	[tilespmem:$0x10080] =	vst v63  }
0x46: {  	v3 =	vld [tilespmem:$0x30];
	_ =	sdelay $0x4  }
0x47: {  	v51 =	vshll.u32 v3, $0x2  }
0x48: {  	v3 =	vand.u32 $0x7, v3;
	v4 =	vand.u32 $0xFFFFFFE0, v51  }
0x49: {  	v3 =	vor.u32 v3, v4  }
0x4a: {  	v4 =	vperm.xlane v3, v0;
	_ =	sdelay $0x1  }
0x4b: {  	v4 =	vadd.s32 v1, v4;
	_ =	sdelay $0x1  }
0x4c: {  	v3 =	vperm.xlane v3, v2;
	_ =	sdelay $0x1  }
0x4d: {  	v3 =	vadd.s32 v1, v3  }
0x4e: {  	[tilespmem:s28], [sflag:$0x1] =	stream.indirect_vreg.gather [hbm4b:s3+s1], $0x80, v4, vm0, $0xb8;
	[tilespmem:$0x10080] =	vst v63  }
0x4f: {  	_ = 	snop  }
0x50: {  	[tilespmem:s29], [sflag:$0x1] =	stream.indirect_vreg.gather [hbm4b:s4+s1], $0x80, v4, vm0, $0xb8;
	[tilespmem:$0x10080] =	vst v63  }
0x51: {  	_ = 	snop  }
0x52: {  	[tilespmem:s30], [sflag:$0x1] =	stream.indirect_vreg.gather [hbm4b:s3+s1], $0x80, v3, vm0, $0xb8;
	[tilespmem:$0x10080] =	vst v63  }
0x53: {  	_ = 	snop  }
0x54: {  	[tilespmem:s31], [sflag:$0x1] =	stream.indirect_vreg.gather [hbm4b:s4+s1], $0x80, v3, vm0, $0xb8;
	[tilespmem:$0x10080] =	vst v63  }
0x55: {  	v3 =	vld [tilespmem:$0x40];
	_ =	sdelay $0x4  }
0x56: {  	v52 =	vshll.u32 v3, $0x2  }
0x57: {  	v3 =	vand.u32 $0x7, v3;
	v4 =	vand.u32 $0xFFFFFFE0, v52  }
0x58: {  	v3 =	vor.u32 v3, v4  }
0x59: {  	v4 =	vperm.xlane v3, v0;
	_ =	sdelay $0x1  }
0x5a: {  	v4 =	vadd.s32 v1, v4;
	_ =	sdelay $0x1  }
0x5b: {  	v3 =	vperm.xlane v3, v2;
	_ =	sdelay $0x1  }
0x5c: {  	s2 =	simm.s32 $0x8080;
	v3 =	vadd.s32 v1, v3  }
0x5d: {  	[tilespmem:s2], [sflag:$0x1] =	stream.indirect_vreg.gather [hbm4b:s3+s1], $0x80, v4, vm0, $0xb8;
	[tilespmem:$0x10080] =	vst v63  }
0x5e: {  	s2 =	simm.s32 $0x8880  }
0x5f: {  	[tilespmem:s2], [sflag:$0x1] =	stream.indirect_vreg.gather [hbm4b:s4+s1], $0x80, v4, vm0, $0xb8;
	[tilespmem:$0x10080] =	vst v63  }
0x60: {  	_ = 	snop  }
0x61: {  	[tilespmem:s8], [sflag:$0x1] =	stream.indirect_vreg.gather [hbm4b:s3+s1], $0x80, v3, vm0, $0xb8;
	[tilespmem:$0x10080] =	vst v63  }
0x62: {  	_ = 	snop  }
0x63: {  	[tilespmem:s9], [sflag:$0x1] =	stream.indirect_vreg.gather [hbm4b:s4+s1], $0x80, v3, vm0, $0xb8;
	[tilespmem:$0x10080] =	vst v63  }
0x64: {  	v3 =	vld [tilespmem:$0x50];
	_ =	sdelay $0x4  }
0x65: {  	v53 =	vshll.u32 v3, $0x2  }
0x66: {  	v3 =	vand.u32 $0x7, v3;
	v4 =	vand.u32 $0xFFFFFFE0, v53  }
0x67: {  	v3 =	vor.u32 v3, v4  }
0x68: {  	v4 =	vperm.xlane v3, v0;
	_ =	sdelay $0x1  }
0x69: {  	v4 =	vadd.s32 v1, v4;
	_ =	sdelay $0x1  }
0x6a: {  	v3 =	vperm.xlane v3, v2;
	_ =	sdelay $0x1  }
0x6b: {  	v3 =	vadd.s32 v1, v3  }
0x6c: {  	[tilespmem:s10], [sflag:$0x1] =	stream.indirect_vreg.gather [hbm4b:s3+s1], $0x80, v4, vm0, $0xb8;
	[tilespmem:$0x10080] =	vst v63  }
0x6d: {  	_ = 	snop  }
0x6e: {  	[tilespmem:s11], [sflag:$0x1] =	stream.indirect_vreg.gather [hbm4b:s4+s1], $0x80, v4, vm0, $0xb8;
	[tilespmem:$0x10080] =	vst v63  }
0x6f: {  	_ = 	snop  }
0x70: {  	[tilespmem:s12], [sflag:$0x1] =	stream.indirect_vreg.gather [hbm4b:s3+s1], $0x80, v3, vm0, $0xb8;
	[tilespmem:$0x10080] =	vst v63  }
0x71: {  	_ = 	snop  }
0x72: {  	[tilespmem:s13], [sflag:$0x1] =	stream.indirect_vreg.gather [hbm4b:s4+s1], $0x80, v3, vm0, $0xb8;
	[tilespmem:$0x10080] =	vst v63  }
0x73: {  	v3 =	vld [tilespmem:$0x60];
	_ =	sdelay $0x4  }
0x74: {  	v54 =	vshll.u32 v3, $0x2  }
0x75: {  	v3 =	vand.u32 $0x7, v3;
	v4 =	vand.u32 $0xFFFFFFE0, v54  }
0x76: {  	v3 =	vor.u32 v3, v4  }
0x77: {  	v4 =	vperm.xlane v3, v0;
	_ =	sdelay $0x1  }
0x78: {  	v4 =	vadd.s32 v1, v4;
	_ =	sdelay $0x1  }
0x79: {  	v3 =	vperm.xlane v3, v2;
	_ =	sdelay $0x1  }
0x7a: {  	v3 =	vadd.s32 v1, v3  }
0x7b: {  	[tilespmem:s7], [sflag:$0x1] =	stream.indirect_vreg.gather [hbm4b:s3+s1], $0x80, v4, vm0, $0xb8;
	[tilespmem:$0x10080] =	vst v63  }
0x7c: {  	s15 =	simm.s32 $0xC880  }
0x7d: {  	[tilespmem:s15], [sflag:$0x1] =	stream.indirect_vreg.gather [hbm4b:s4+s1], $0x80, v4, vm0, $0xb8;
	[tilespmem:$0x10080] =	vst v63  }
0x7e: {  	s15 =	simm.s32 $0xD080  }
0x7f: {  	[tilespmem:s15], [sflag:$0x1] =	stream.indirect_vreg.gather [hbm4b:s3+s1], $0x80, v3, vm0, $0xb8;
	[tilespmem:$0x10080] =	vst v63  }
0x80: {  	s15 =	simm.s32 $0xD880  }
0x81: {  	[tilespmem:s15], [sflag:$0x1] =	stream.indirect_vreg.gather [hbm4b:s4+s1], $0x80, v3, vm0, $0xb8;
	[tilespmem:$0x10080] =	vst v63  }
0x82: {  	v3 =	vld [tilespmem:$0x70];
	_ =	sdelay $0x4  }
0x83: {  	v55 =	vshll.u32 v3, $0x2  }
0x84: {  	v3 =	vand.u32 $0x7, v3;
	v4 =	vand.u32 $0xFFFFFFE0, v55  }
0x85: {  	v3 =	vor.u32 v3, v4  }
0x86: {  	v4 =	vperm.xlane v3, v0;
	_ =	sdelay $0x1  }
0x87: {  	v4 =	vadd.s32 v1, v4;
	_ =	sdelay $0x1  }
0x88: {  	v3 =	vperm.xlane v3, v2;
	_ =	sdelay $0x1  }
0x89: {  	s15 =	simm.s32 $0xE080;
	v3 =	vadd.s32 v1, v3  }
0x8a: {  	[tilespmem:s15], [sflag:$0x1] =	stream.indirect_vreg.gather [hbm4b:s3+s1], $0x80, v4, vm0, $0xb8;
	[tilespmem:$0x10080] =	vst v63  }
0x8b: {  	s15 =	simm.s32 $0xE880  }
0x8c: {  	[tilespmem:s15], [sflag:$0x1] =	stream.indirect_vreg.gather [hbm4b:s4+s1], $0x80, v4, vm0, $0xb8;
	[tilespmem:$0x10080] =	vst v63  }
0x8d: {  	s15 =	simm.s32 $0xF080  }
0x8e: {  	[tilespmem:s15], [sflag:$0x1] =	stream.indirect_vreg.gather [hbm4b:s3+s1], $0x80, v3, vm0, $0xb8;
	[tilespmem:$0x10080] =	vst v63  }
0x8f: {  	s15 =	simm.s32 $0xF880  }
0x90: {  	[tilespmem:s15], [sflag:$0x1] =	stream.indirect_vreg.gather [hbm4b:s4+s1], $0x80, v3, vm0, $0xb8;
	[tilespmem:$0x10080] =	vst v63  }
0x91: {  	_ =	swait.ge [sflag:s14], $0x10000  }
0x92: {  	[sflag:s14] =	ssyncset.done $0x0  }
0x93: {  	s0 =	simm.s32 $0x80;
	s15 =	rddreg [dreg:$0x3];
	[sflag:s14] =	ssyncadd.s32 $0xFFFF0000  }
0x94: {  	[hbm4b:s15+s1] =	stream.linear.scatter [tilespmem:s0], [sflag:$0x2], $0x10000, $0x38;
	[tilespmem:$0x10080] =	vst v63  }
0x95: {  	_ =	swait.ge [sflag:s6], $0x10000  }
0x96: {  	[sflag:s6] =	ssyncset.done $0x0  }
0x97: {  	s15 =	rddreg [dreg:$0x4];
	[sflag:s6] =	ssyncadd.s32 $0xFFFF0000  }
0x98: {  	[tilespmem:s1], [sflag:$0x2] =	stream.linear.gather [hbm4b:s15+s1], $0x80, $0x38;
	[tilespmem:$0x10080] =	vst v63  }
0x99: {  	_ =	swait.ge [sflag:s6], $0x80  }
0x9a: {  	[sflag:s6] =	ssyncset.done $0x0  }
0x9b: {  	[sflag:s6] =	ssyncadd.s32 $0xFFFFFF80  }
0x9c: {  	v3 =	vld [tilespmem:$0x0];
	_ =	sdelay $0x4  }
0x9d: {  	v56 =	vshll.u32 v3, $0x2  }
0x9e: {  	v3 =	vand.u32 $0x7, v3;
	v4 =	vand.u32 $0xFFFFFFE0, v56  }
0x9f: {  	v3 =	vor.u32 v3, v4  }
0xa0: {  	v4 =	vperm.xlane v3, v0;
	_ =	sdelay $0x1  }
0xa1: {  	v4 =	vadd.s32 v1, v4;
	_ =	sdelay $0x1  }
0xa2: {  	v3 =	vperm.xlane v3, v2;
	_ =	sdelay $0x1  }
0xa3: {  	v3 =	vadd.s32 v1, v3  }
0xa4: {  	[tilespmem:s0], [sflag:$0x1] =	stream.indirect_vreg.gather [hbm4b:s3+s1], $0x80, v4, vm0, $0xb8;
	[tilespmem:$0x10080] =	vst v63  }
0xa5: {  	_ = 	snop  }
0xa6: {  	[tilespmem:s16], [sflag:$0x1] =	stream.indirect_vreg.gather [hbm4b:s4+s1], $0x80, v4, vm0, $0xb8;
	[tilespmem:$0x10080] =	vst v63  }
0xa7: {  	_ = 	snop  }
0xa8: {  	[tilespmem:s17], [sflag:$0x1] =	stream.indirect_vreg.gather [hbm4b:s3+s1], $0x80, v3, vm0, $0xb8;
	[tilespmem:$0x10080] =	vst v63  }
0xa9: {  	_ = 	snop  }
0xaa: {  	[tilespmem:s18], [sflag:$0x1] =	stream.indirect_vreg.gather [hbm4b:s4+s1], $0x80, v3, vm0, $0xb8;
	[tilespmem:$0x10080] =	vst v63  }
0xab: {  	v3 =	vld [tilespmem:$0x10];
	_ =	sdelay $0x4  }
0xac: {  	v57 =	vshll.u32 v3, $0x2  }
0xad: {  	v3 =	vand.u32 $0x7, v3;
	v4 =	vand.u32 $0xFFFFFFE0, v57  }
0xae: {  	v3 =	vor.u32 v3, v4  }
0xaf: {  	v4 =	vperm.xlane v3, v0;
	_ =	sdelay $0x1  }
0xb0: {  	v4 =	vadd.s32 v1, v4;
	_ =	sdelay $0x1  }
0xb1: {  	v3 =	vperm.xlane v3, v2;
	_ =	sdelay $0x1  }
0xb2: {  	v3 =	vadd.s32 v1, v3  }
0xb3: {  	[tilespmem:s19], [sflag:$0x1] =	stream.indirect_vreg.gather [hbm4b:s3+s1], $0x80, v4, vm0, $0xb8;
	[tilespmem:$0x10080] =	vst v63  }
0xb4: {  	_ = 	snop  }
0xb5: {  	[tilespmem:s20], [sflag:$0x1] =	stream.indirect_vreg.gather [hbm4b:s4+s1], $0x80, v4, vm0, $0xb8;
	[tilespmem:$0x10080] =	vst v63  }
0xb6: {  	_ = 	snop  }
0xb7: {  	[tilespmem:s21], [sflag:$0x1] =	stream.indirect_vreg.gather [hbm4b:s3+s1], $0x80, v3, vm0, $0xb8;
	[tilespmem:$0x10080] =	vst v63  }
0xb8: {  	_ = 	snop  }
0xb9: {  	[tilespmem:s22], [sflag:$0x1] =	stream.indirect_vreg.gather [hbm4b:s4+s1], $0x80, v3, vm0, $0xb8;
	[tilespmem:$0x10080] =	vst v63  }
0xba: {  	v3 =	vld [tilespmem:$0x20];
	_ =	sdelay $0x4  }
0xbb: {  	v58 =	vshll.u32 v3, $0x2  }
0xbc: {  	v3 =	vand.u32 $0x7, v3;
	v4 =	vand.u32 $0xFFFFFFE0, v58  }
0xbd: {  	v3 =	vor.u32 v3, v4  }
0xbe: {  	v4 =	vperm.xlane v3, v0;
	_ =	sdelay $0x1  }
0xbf: {  	v4 =	vadd.s32 v1, v4;
	_ =	sdelay $0x1  }
0xc0: {  	v3 =	vperm.xlane v3, v2;
	_ =	sdelay $0x1  }
0xc1: {  	v3 =	vadd.s32 v1, v3  }
0xc2: {  	[tilespmem:s23], [sflag:$0x1] =	stream.indirect_vreg.gather [hbm4b:s3+s1], $0x80, v4, vm0, $0xb8;
	[tilespmem:$0x10080] =	vst v63  }
0xc3: {  	_ = 	snop  }
0xc4: {  	[tilespmem:s24], [sflag:$0x1] =	stream.indirect_vreg.gather [hbm4b:s4+s1], $0x80, v4, vm0, $0xb8;
	[tilespmem:$0x10080] =	vst v63  }
0xc5: {  	_ = 	snop  }
0xc6: {  	[tilespmem:s25], [sflag:$0x1] =	stream.indirect_vreg.gather [hbm4b:s3+s1], $0x80, v3, vm0, $0xb8;
	[tilespmem:$0x10080] =	vst v63  }
0xc7: {  	_ = 	snop  }
0xc8: {  	[tilespmem:s26], [sflag:$0x1] =	stream.indirect_vreg.gather [hbm4b:s4+s1], $0x80, v3, vm0, $0xb8;
	[tilespmem:$0x10080] =	vst v63  }
0xc9: {  	v3 =	vld [tilespmem:$0x30];
	_ =	sdelay $0x4  }
0xca: {  	v59 =	vshll.u32 v3, $0x2  }
0xcb: {  	v3 =	vand.u32 $0x7, v3;
	v4 =	vand.u32 $0xFFFFFFE0, v59  }
0xcc: {  	v3 =	vor.u32 v3, v4  }
0xcd: {  	v4 =	vperm.xlane v3, v0;
	_ =	sdelay $0x1  }
0xce: {  	v4 =	vadd.s32 v1, v4;
	_ =	sdelay $0x1  }
0xcf: {  	v3 =	vperm.xlane v3, v2;
	_ =	sdelay $0x1  }
0xd0: {  	v3 =	vadd.s32 v1, v3  }
0xd1: {  	[tilespmem:s28], [sflag:$0x1] =	stream.indirect_vreg.gather [hbm4b:s3+s1], $0x80, v4, vm0, $0xb8;
	[tilespmem:$0x10080] =	vst v63  }
0xd2: {  	_ = 	snop  }
0xd3: {  	[tilespmem:s29], [sflag:$0x1] =	stream.indirect_vreg.gather [hbm4b:s4+s1], $0x80, v4, vm0, $0xb8;
	[tilespmem:$0x10080] =	vst v63  }
0xd4: {  	_ = 	snop  }
0xd5: {  	[tilespmem:s30], [sflag:$0x1] =	stream.indirect_vreg.gather [hbm4b:s3+s1], $0x80, v3, vm0, $0xb8;
	[tilespmem:$0x10080] =	vst v63  }
0xd6: {  	_ = 	snop  }
0xd7: {  	[tilespmem:s31], [sflag:$0x1] =	stream.indirect_vreg.gather [hbm4b:s4+s1], $0x80, v3, vm0, $0xb8;
	[tilespmem:$0x10080] =	vst v63  }
0xd8: {  	v3 =	vld [tilespmem:$0x40];
	_ =	sdelay $0x4  }
0xd9: {  	v60 =	vshll.u32 v3, $0x2  }
0xda: {  	v3 =	vand.u32 $0x7, v3;
	v4 =	vand.u32 $0xFFFFFFE0, v60  }
0xdb: {  	v3 =	vor.u32 v3, v4  }
0xdc: {  	v4 =	vperm.xlane v3, v0;
	_ =	sdelay $0x1  }
0xdd: {  	v4 =	vadd.s32 v1, v4;
	_ =	sdelay $0x1  }
0xde: {  	v3 =	vperm.xlane v3, v2;
	_ =	sdelay $0x1  }
0xdf: {  	s15 =	simm.s32 $0x8080;
	v3 =	vadd.s32 v1, v3  }
0xe0: {  	[tilespmem:s15], [sflag:$0x1] =	stream.indirect_vreg.gather [hbm4b:s3+s1], $0x80, v4, vm0, $0xb8;
	[tilespmem:$0x10080] =	vst v63  }
0xe1: {  	_ = 	snop  }
0xe2: {  	[tilespmem:s2], [sflag:$0x1] =	stream.indirect_vreg.gather [hbm4b:s4+s1], $0x80, v4, vm0, $0xb8;
	[tilespmem:$0x10080] =	vst v63  }
0xe3: {  	_ = 	snop  }
0xe4: {  	[tilespmem:s8], [sflag:$0x1] =	stream.indirect_vreg.gather [hbm4b:s3+s1], $0x80, v3, vm0, $0xb8;
	[tilespmem:$0x10080] =	vst v63  }
0xe5: {  	_ = 	snop  }
0xe6: {  	[tilespmem:s9], [sflag:$0x1] =	stream.indirect_vreg.gather [hbm4b:s4+s1], $0x80, v3, vm0, $0xb8;
	[tilespmem:$0x10080] =	vst v63  }
0xe7: {  	v3 =	vld [tilespmem:$0x50];
	_ =	sdelay $0x4  }
0xe8: {  	v61 =	vshll.u32 v3, $0x2  }
0xe9: {  	v3 =	vand.u32 $0x7, v3;
	v4 =	vand.u32 $0xFFFFFFE0, v61  }
0xea: {  	v3 =	vor.u32 v3, v4  }
0xeb: {  	v4 =	vperm.xlane v3, v0;
	_ =	sdelay $0x1  }
0xec: {  	v4 =	vadd.s32 v1, v4;
	_ =	sdelay $0x1  }
0xed: {  	v3 =	vperm.xlane v3, v2;
	_ =	sdelay $0x1  }
0xee: {  	v3 =	vadd.s32 v1, v3  }
0xef: {  	[tilespmem:s10], [sflag:$0x1] =	stream.indirect_vreg.gather [hbm4b:s3+s1], $0x80, v4, vm0, $0xb8;
	[tilespmem:$0x10080] =	vst v63  }
0xf0: {  	_ = 	snop  }
0xf1: {  	[tilespmem:s11], [sflag:$0x1] =	stream.indirect_vreg.gather [hbm4b:s4+s1], $0x80, v4, vm0, $0xb8;
	[tilespmem:$0x10080] =	vst v63  }
0xf2: {  	_ = 	snop  }
0xf3: {  	[tilespmem:s12], [sflag:$0x1] =	stream.indirect_vreg.gather [hbm4b:s3+s1], $0x80, v3, vm0, $0xb8;
	[tilespmem:$0x10080] =	vst v63  }
0xf4: {  	_ = 	snop  }
0xf5: {  	[tilespmem:s13], [sflag:$0x1] =	stream.indirect_vreg.gather [hbm4b:s4+s1], $0x80, v3, vm0, $0xb8;
	[tilespmem:$0x10080] =	vst v63  }
0xf6: {  	v3 =	vld [tilespmem:$0x60];
	_ =	sdelay $0x4  }
0xf7: {  	v62 =	vshll.u32 v3, $0x2  }
0xf8: {  	v3 =	vand.u32 $0x7, v3;
	v4 =	vand.u32 $0xFFFFFFE0, v62  }
0xf9: {  	v3 =	vor.u32 v3, v4  }
0xfa: {  	v4 =	vperm.xlane v3, v0;
	_ =	sdelay $0x1  }
0xfb: {  	v4 =	vadd.s32 v1, v4;
	_ =	sdelay $0x1  }
0xfc: {  	v3 =	vperm.xlane v3, v2;
	_ =	sdelay $0x1  }
0xfd: {  	v3 =	vadd.s32 v1, v3  }
0xfe: {  	[tilespmem:s7], [sflag:$0x1] =	stream.indirect_vreg.gather [hbm4b:s3+s1], $0x80, v4, vm0, $0xb8;
	[tilespmem:$0x10080] =	vst v63  }
0xff: {  	s15 =	simm.s32 $0xC880  }
0x100: {  	[tilespmem:s15], [sflag:$0x1] =	stream.indirect_vreg.gather [hbm4b:s4+s1], $0x80, v4, vm0, $0xb8;
	[tilespmem:$0x10080] =	vst v63  }
0x101: {  	s15 =	simm.s32 $0xD080  }
0x102: {  	[tilespmem:s15], [sflag:$0x1] =	stream.indirect_vreg.gather [hbm4b:s3+s1], $0x80, v3, vm0, $0xb8;
	[tilespmem:$0x10080] =	vst v63  }
0x103: {  	s15 =	simm.s32 $0xD880  }
0x104: {  	[tilespmem:s15], [sflag:$0x1] =	stream.indirect_vreg.gather [hbm4b:s4+s1], $0x80, v3, vm0, $0xb8;
	[tilespmem:$0x10080] =	vst v63  }
0x105: {  	v3 =	vld [tilespmem:$0x70];
	_ =	sdelay $0x4  }
0x106: {  	v63 =	vshll.u32 v3, $0x2  }
0x107: {  	v3 =	vand.u32 $0x7, v3;
	v4 =	vand.u32 $0xFFFFFFE0, v63  }
0x108: {  	v3 =	vor.u32 v3, v4  }
0x109: {  	v4 =	vperm.xlane v3, v0;
	_ =	sdelay $0x1  }
0x10a: {  	v4 =	vadd.s32 v1, v4;
	_ =	sdelay $0x1  }
0x10b: {  	v3 =	vperm.xlane v3, v2;
	_ =	sdelay $0x1  }
0x10c: {  	s15 =	simm.s32 $0xE080;
	v3 =	vadd.s32 v1, v3  }
0x10d: {  	[tilespmem:s15], [sflag:$0x1] =	stream.indirect_vreg.gather [hbm4b:s3+s1], $0x80, v4, vm0, $0xb8;
	[tilespmem:$0x10080] =	vst v63  }
0x10e: {  	s15 =	simm.s32 $0xE880  }
0x10f: {  	[tilespmem:s15], [sflag:$0x1] =	stream.indirect_vreg.gather [hbm4b:s4+s1], $0x80, v4, vm0, $0xb8;
	[tilespmem:$0x10080] =	vst v63  }
0x110: {  	s15 =	simm.s32 $0xF080  }
0x111: {  	[tilespmem:s15], [sflag:$0x1] =	stream.indirect_vreg.gather [hbm4b:s3+s1], $0x80, v3, vm0, $0xb8;
	[tilespmem:$0x10080] =	vst v63  }
0x112: {  	s15 =	simm.s32 $0xF880  }
0x113: {  	[tilespmem:s15], [sflag:$0x1] =	stream.indirect_vreg.gather [hbm4b:s4+s1], $0x80, v3, vm0, $0xb8;
	[tilespmem:$0x10080] =	vst v63  }
0x114: {  	_ =	swait.ge [sflag:s14], $0x10000  }
0x115: {  	p0 =	sne.s32 s5, $0x1;
	s0 =	simm.s32 $0x80;
	[sflag:s14] =	ssyncset.done $0x0  }
.Ltmp0:
0x116: {  	s2 =	rddreg [dreg:$0x5];
	[sflag:s14] =	ssyncadd.s32 $0xFFFF0000;
	(pc) =	sbr.rel @p0 .LBB2_1-.Ltmp0, $4  }
0x117: {  	[hbm4b:s2+s1] =	stream.linear.scatter [tilespmem:s0], [sflag:$0x2], $0x10000, $0x38;
	[tilespmem:$0x10080] =	vst v63  }
0x118: {  	_ =	swait.ge [sflag:s6], $0x10000  }
0x119: {  	[sflag:s6] =	ssyncset.done $0x0  }
0x11a: {  	s5 =	sadd.s32 $0xFFFFFFFF, s5;
	[sflag:s6] =	ssyncadd.s32 $0xFFFF0000  }
0x11b: {  	_ =	sfence.sel $0x180000  }
0x11c: {  	[bflag:$0x0] =	sbarrier.arrive $0xFFFF  }
0x11d: {  	_ =	strace $0x90000047  }
0x11e: {  	s0 =	stileid.u32;
	[bflag:$0x2] =	sbarrier.arrive $0xFFFF  }
0x11f: {  	p0 =	sne.s32 s0, $0x0;
	s0 =	rddreg [dreg:$0x1]  }
0x120: {  	s0 =	sadd.s32 @!p0 $0x100000, s0  }
0x121: {  	[sflag:s0] =	ssyncadd.tile.s32 @!p0 $0x1;
	_ =	shalt  }
.Lfunc_end2:
_tile_overlayer_lowered:
.L_overlay_start_2:
0x122: {  	(tag) =	ssettag $0x2  }
0x123: {  	s0 =	rddreg [dreg:$0x0];
	s2 =	stileid.u32  }
0x124: {  	s1 =	rddreg [dreg:$0x1];
	p0 =	sne.s32 s2, $0x0  }
0x125: {  	s3 =	rddreg [dreg:$0x2];
	[bflag:$0x3] =	sbarrier.arrive $0xFFFF;
	s2 =	simm.s32 @!p0 $0x1C02  }
0x126: {  	[timem:s3], [sflag:s2] =	dma.local @!p0 [hbm:s0], s1  }
0x127: {  	s0 =	simm.s32 @!p0 $0x2  }
0x128: {  	_ =	swait.ge @!p0 [sflag:s0], s1  }
0x129: {  	s1 =	ssub.s32 @!p0 $0x0, s1;
	[sflag:s0] =	ssyncset.done @!p0 $0x0  }
0x12a: {  	[sflag:s0] =	ssyncadd.s32 @!p0 s1  }
0x12b: {  	[bflag:$0x3] =	sbarrier.arrive $0xFFFF  }
0x12c: {  	_ =	shalt  }

// kernel: kernel.15.cloned.1.call-start
scs
__scs_entry_jumppad:
0x0: {  	(pc) =	sbr.rel $0x88, $3  }
0x1: {  	(tag) =	ssettag $0x0;
	lr =	simm.s32 $0x1  }
0x2: {  	[smem:$0x3F9F] =	sst lr;
	_ =	strace $0xD0000000  }
0x3: {  	_ = 	snop  }
0x4: {  	_ = 	snop  }
0x5: {  	_ = 	snop  }
0x6: {  	_ = 	snop  }
0x7: {  	_ = 	snop  }
__scs_overlays_trampoline_lowered:
0x8: {  	[smem:$0x3FAE] =	sst s0  }
0x9: {  	[smem:$0x3FAF] =	sst s1  }
0xa: {  	[smem:$0x3FB0] =	sst s2  }
0xb: {  	[smem:$0x3FB1] =	sst s3  }
0xc: {  	[smem:$0x3FB2] =	sst s4  }
0xd: {  	[smem:$0x3FB3] =	sst s5  }
0xe: {  	[smem:$0x3FB4] =	sst s6  }
0xf: {  	[smem:$0x3FB5] =	sst s7  }
0x10: {  	[smem:$0x3FB6] =	sst s8  }
0x11: {  	[smem:$0x3FB7] =	sst s9;
	s0 =	simm.s32 @!p0 $0x0  }
0x12: {  	s1 =	sld [smem:$0x3F9D];
	s0 =	simm.s32 @p0 $0x1  }
0x13: {  	[smem:$0x3FB8] =	sst s0;
	s0 =	simm.s32 @!p1 $0x0  }
0x14: {  	s2 =	sld [smem:$0x3F9C];
	s0 =	simm.s32 @p1 $0x1  }
0x15: {  	[smem:$0x3FB9] =	sst s0;
	s0 =	simm.s32 @!p2 $0x0  }
0x16: {  	s3 =	sld [smem:$0x3FDB];
	s0 =	simm.s32 @p2 $0x1  }
0x17: {  	s4 =	simm.s32 $0x1BF5;
	[smem:$0x3FBB] =	sst s0  }
0x18: {  	s0 =	sld [smem:$0x3F9E];
	_ =	swait.ge [sflag:s4], $0x0  }
0x19: {  	s7 =	sld [smem:$0x3F9F]  }
0x1a: {  	s8 =	sadd.s32 $0xFFFFE003, lr  }
0x1b: {  	s9 =	sadd.s32 $0xFFFFFEF7, lr;
	s5 =	simm.s32 $0xFFFFFFFF;
	p2 =	slt.u32 s8, $0xFFFFF086  }
0x1c: {  	p1 =	slt.u32 s9, $0xF7A;
	s5 =	simm.s32 @!p2 $0x0  }
0x1d: {  	s5 =	simm.s32 @p1 $0x1;
	p0 =	seq.s32 s7, s2  }
0x1e: {  	s7 =	smul.u32 @!p0 $0xF7A, s2;
	p2 =	seq.s32 @!p0 s5, $0x0  }
0x1f: {  	s9 =	smul.u32 $0xF7A, s1;
	s8 =	simm.s32 @!p0 $0x1BF5;
	p2 =	por !p2, p0  }
0x20: {  	[sflag:s8] =	ssyncset.s32 @!p0 $0xFFFFF086;
	s6 =	sadd.s32 @!p0 s3, s7;
	s7 =	simm.s32 @!p0 $0x108  }
0x21: {  	s3 =	sadd.s32 s3, s9;
	s6 =	sadd.s32 @!p0 $0x88, s6;
	s7 =	simm.s32 @p2 $0x1082  }
0x22: {  	[simem:s7], [sflag:s8] =	dma.local @!p0 [hbm:s6], $0xF7A  }
0x23: {  	s9 =	sor.u32 $0xD0000000, s2;
	s6 =	simm.s32 $0x108;
	_ =	swait.ge @!p0 [sflag:s8], $0x0  }
0x24: {  	s3 =	sadd.s32 $0x88, s3;
	s6 =	simm.s32 @!p1 $0x1082;
	[sflag:s4] =	ssyncset.s32 $0xFFFFF086  }
0x25: {  	[simem:s6], [sflag:s4] =	dma.local [hbm:s3], $0xF7A  }
0x26: {  	[smem:$0x3F9F] =	sst s1;
	(tag) =	ssettag s2;
	_ =	strace s9  }
0x27: {  	s1 =	sld [smem:$0x3FAF]  }
0x28: {  	s2 =	sld [smem:$0x3FB0]  }
0x29: {  	s4 =	sld [smem:$0x3FB2]  }
0x2a: {  	p0 =	seq.s32 s5, $0x0;
	s5 =	sld [smem:$0x3FB3]  }
0x2b: {  	s6 =	sld [smem:$0x3FB4]  }
0x2c: {  	s7 =	sld [smem:$0x3FB5]  }
0x2d: {  	s3 =	simm.s32 $0x108;
	s8 =	sld [smem:$0x3FB6]  }
0x2e: {  	s3 =	simm.s32 @!p0 $0x1082;
	s9 =	sld [smem:$0x3FB7]  }
0x2f: {  	lr =	sadd.s32 s0, s3;
	s0 =	sld [smem:$0x3FAE]  }
0x30: {  	s3 =	sld [smem:$0x3FB1]  }
0x31: {  	[smem:$0x3FBA] =	sst s10  }
0x32: {  	s10 =	sld [smem:$0x3FB8];
	_ =	sdelay $0x3  }
0x33: {  	p0 =	seq.s32 s10, $0x1;
	s10 =	sld [smem:$0x3FBA];
	_ =	sdelay $0x3  }
0x34: {  	[smem:$0x3FBA] =	sst s10  }
0x35: {  	s10 =	sld [smem:$0x3FB9];
	_ =	sdelay $0x3  }
0x36: {  	p1 =	seq.s32 s10, $0x1;
	s10 =	sld [smem:$0x3FBA];
	_ =	sdelay $0x3  }
0x37: {  	[smem:$0x3FBA] =	sst s10  }
0x38: {  	s10 =	sld [smem:$0x3FBB]  }
0x39: {  	_ = 	snop;
	(pc) =	sbr.ind lr, $3  }
0x3a: {  	_ = 	snop  }
0x3b: {  	_ = 	snop  }
0x3c: {  	p2 =	seq.s32 s10, $0x1;
	s10 =	sld [smem:$0x3FBA]  }
0x3d: {  	_ =	shalt  }
0x3e: {  	_ =	shalt  }
0x3f: {  	_ =	shalt  }
0x40: {  	_ =	shalt  }
0x41: {  	_ =	shalt  }
0x42: {  	_ =	shalt  }
0x43: {  	_ =	shalt  }
0x44: {  	_ =	shalt  }
0x45: {  	_ =	shalt  }
0x46: {  	_ =	shalt  }
0x47: {  	_ =	shalt  }
0x48: {  	_ =	shalt  }
0x49: {  	_ =	shalt  }
0x4a: {  	_ =	shalt  }
0x4b: {  	_ =	shalt  }
0x4c: {  	_ =	shalt  }
0x4d: {  	_ =	shalt  }
0x4e: {  	_ =	shalt  }
0x4f: {  	_ =	shalt  }
0x50: {  	_ =	shalt  }
0x51: {  	_ =	shalt  }
0x52: {  	_ =	shalt  }
0x53: {  	_ =	shalt  }
0x54: {  	_ =	shalt  }
0x55: {  	_ =	shalt  }
0x56: {  	_ =	shalt  }
0x57: {  	_ =	shalt  }
0x58: {  	_ =	shalt  }
0x59: {  	_ =	shalt  }
0x5a: {  	_ =	shalt  }
0x5b: {  	_ =	shalt  }
0x5c: {  	_ =	shalt  }
0x5d: {  	_ =	shalt  }
0x5e: {  	_ =	shalt  }
0x5f: {  	_ =	shalt  }
0x60: {  	_ =	shalt  }
0x61: {  	_ =	shalt  }
0x62: {  	_ =	shalt  }
0x63: {  	_ =	shalt  }
0x64: {  	_ =	shalt  }
0x65: {  	_ =	shalt  }
0x66: {  	_ =	shalt  }
0x67: {  	_ =	shalt  }
0x68: {  	_ =	shalt  }
0x69: {  	_ =	shalt  }
0x6a: {  	_ =	shalt  }
0x6b: {  	_ =	shalt  }
0x6c: {  	_ =	shalt  }
0x6d: {  	_ =	shalt  }
0x6e: {  	_ =	shalt  }
0x6f: {  	_ =	shalt  }
0x70: {  	_ =	shalt  }
0x71: {  	_ =	shalt  }
0x72: {  	_ =	shalt  }
0x73: {  	_ =	shalt  }
0x74: {  	_ =	shalt  }
0x75: {  	_ =	shalt  }
0x76: {  	_ =	shalt  }
0x77: {  	_ =	shalt  }
0x78: {  	_ =	shalt  }
0x79: {  	_ =	shalt  }
0x7a: {  	_ =	shalt  }
0x7b: {  	_ =	shalt  }
0x7c: {  	_ =	shalt  }
0x7d: {  	_ =	shalt  }
0x7e: {  	_ =	shalt  }
0x7f: {  	_ =	shalt  }
0x80: {  	_ =	shalt  }
0x81: {  	_ =	shalt  }
0x82: {  	_ =	shalt  }
0x83: {  	_ =	shalt  }
0x84: {  	_ =	shalt  }
0x85: {  	_ =	shalt  }
0x86: {  	_ =	shalt  }
0x87: {  	_ =	shalt  }
.Lfunc_end0:
.L_simem_size_0:
called_computation.1_lowered:
.L_overlay_start_0:
0x88: {  	s2 =	sld [smem:$0x3FD9]  }
0x89: {  	s3 =	sld [smem:$0x3FFE];
	_ =	sdelay $0x1  }
0x8a: {  	s1 =	srdreg.scid  }
0x8b: {  	s0 =	sand.u32 $0x1, s1  }
0x8c: {  	s16 =	sshll.u32 s0, $0xA;
	s2 =	sadd.s32 s3, s2  }
0x8d: {  	s2 =	sadd.s32 s2, s16  }
0x8e: {  	[smem:$0x3FC6] =	sst s2  }
0x8f: {  	_ = 	snop  }
0x90: {  	(tm) =	ssettm $0x1  }
0x91: {  	s17 =	sld [smem:$0x3FFB];
	_ =	sdelay $0x3  }
0x92: {  	_ =	strace s17  }
0x93: {  	s2 =	sld [smem:$0x3FFC];
	_ =	sdelay $0x3  }
0x94: {  	_ =	strace s2  }
0x95: {  	s2 =	sld [smem:$0x3FFD];
	_ =	sdelay $0x3  }
0x96: {  	_ =	strace s2  }
0x97: {  	_ =	strace $0x8FFFFFFF  }
0x98: {  	s18 =	sld [smem:$0x3FDB];
	_ =	sdelay $0x1  }
0x99: {  	s19 =	simm.s32 $_scs_section_size  }
0x9a: {  	s4 =	simm.s32 $_size__tile_overlayer_lowered;
	s5 =	simm.s32 $_tile_overlayer_lowered  }
0x9b: {  	s22 =	simm.s32 $0x1BFF;
	s21 =	sshll.u32 s5, $0x1;
	s2 =	sadd.s32 s19, s18  }
0x9c: {  	s6 =	simm.s32 $0x0;
	s20 =	sshll.u32 s4, $0x1;
	s4 =	sadd.s32 s21, s2  }
0x9d: {  	[timem:s6], [sflag:s22] =	dma.local [hbm:s4], s20  }
0x9e: {  	_ =	swait.ge [sflag:s22], s20  }
0x9f: {  	s3 =	ssub.s32 $0x0, s20;
	[sflag:s22] =	ssyncset.done $0x0  }
0xa0: {  	[sflag:s22] =	ssyncadd.s32 s3;
	_ =	sdelay $0x1  }
0xa1: {  	s23 =	simm.s32 $0x1B8B  }
0xa2: {  	_ =	swait.ge [sflag:s23], $0x1  }
0xa3: {  	[sflag:s23] =	ssyncset.done $0x0  }
0xa4: {  	s25 =	simm.s32 $0x1B8E;
	s24 =	sld [smem:$0x3FFE];
	[sflag:s23] =	ssyncadd.s32 $0xFFFFFFFF  }
0xa5: {  	s26 =	simm.s32 $execute0_lowered;
	[smem:$0x3FD2] =	sst s25  }
0xa6: {  	s4 =	sshll.u32 s26, $0x1;
	_ =	strace $0x80000049;
	[dreg:$0x1] =	wrdreg $0xFFFFFFFF  }
0xa7: {  	s28 =	simm.s32 $_size_execute0_lowered;
	s2 =	sadd.s32 s2, s4;
	[dreg:$0x0] =	wrdreg $0x0  }
0xa8: {  	s4 =	sshll.u32 s28, $0x1;
	[dreg:$0x2] =	wrdreg s2  }
0xa9: {  	[dreg:$0x3] =	wrdreg s4  }
0xaa: {  	[dreg:$0x4] =	wrdreg $0xC0  }
0xab: {  	_ =	task [dreg:s6], $0x5FFFF  }
0xac: {  	[dreg:$0x1] =	wrdreg $0xFFFFFFFF  }
0xad: {  	[dreg:$0x0] =	wrdreg $0x60  }
0xae: {  	[dreg:$0x2] =	wrdreg s24  }
0xaf: {  	[dreg:$0x3] =	wrdreg $0x9  }
0xb0: {  	_ =	task.clear_ibuf [dreg:s6], $0x4FFFF;
	_ =	strace $0x90000049  }
0xb1: {  	s29 =	simm.s32 $0x9;
	_ =	strace $0x8000004B  }
0xb2: {  	_ =	swait.ge [sflag:s29], $0x1  }
0xb3: {  	[sflag:s29] =	ssyncadd.s32 $0xFFFFFFFF  }
0xb4: {  	_ =	strace $0x9000004B  }
0xb5: {  	_ =	sfence  }
0xb6: {  	s30 =	sld [smem:$0x0];
	_ =	sdelay $0x2  }
0xb7: {  	s31 =	sshll.u32 s1, $0xD;
	s1 =	sshrl.u32 s1, $0x2  }
0xb8: {  	s3 =	sand.u32 $0x4000, s31;
	s1 =	sadd.s32 s1, s30  }
0xb9: {  	s0 =	sor.u32 s3, s0;
	s1 =	sshll.u32 s1, $0x11  }
0xba: {  	s0 =	sor.u32 s1, s0  }
0xbb: {  	s0 =	sadd.s32 $0x8F2B, s0  }
0xbc: {  	[sflag:s0] =	ssyncadd.remote.s32 $0x1  }
0xbd: {  	_ =	sfence.sel $0xFFFF  }
0xbe: {  	[dreg:$0x0] =	wrdreg $0xFFFFFFFF;
	(pc) =	sbr.abs _section_cstart, $3  }
0xbf: {  	[dreg:$0x1] =	wrdreg $0xFFFFFFFF  }
0xc0: {  	_ =	task.clear_ibuf [dreg:s6], $0x2FFFF;
	_ =	strace $0x9FFFFFFF  }
0xc1: {  	(tm) =	ssettm $0x7FFFFFFF  }
tec
execute0_lowered:
.L_overlay_start_1:
0x0: {  	(tag) =	ssettag $0x1  }
0x1: {  	s0 =	rddreg [dreg:$0x0]  }
0x2: {  	s1 =	simm.s32 $0x0;
	s2 =	srdreg.scid;
	s5 =	stileid.u32  }
0x3: {  	s14 =	simm.s32 $0x1;
	s16 =	simm.s32 $0x880;
	s17 =	simm.s32 $0x1080  }
0x4: {  	s18 =	simm.s32 $0x1880;
	s19 =	simm.s32 $0x2080;
	s20 =	simm.s32 $0x2880  }
0x5: {  	s21 =	simm.s32 $0x3080;
	s28 =	simm.s32 $0x6080;
	s29 =	simm.s32 $0x6880  }
0x6: {  	s30 =	simm.s32 $0x7080;
	s31 =	simm.s32 $0x7880;
	s9 =	simm.s32 $0x9880  }
0x7: {  	s10 =	simm.s32 $0xA080;
	s11 =	simm.s32 $0xA880;
	s12 =	simm.s32 $0xB080  }
0x8: {  	s13 =	simm.s32 $0xB880;
	[smem:$0x7FF] =	sst s1;
	s3 =	sadd.s32 $0x4000, s0  }
0x9: {  	s2 =	sand.u32 $0x1, s2;
	s5 =	sshll.u32 s5, $0x9;
	s6 =	sadd.s32 $0x2C000, s0  }
0xa: {  	s22 =	sadd.s32 $0xAC400, s0;
	s4 =	ssub.s32 $0x2, s2;
	s2 =	sshll.u32 s2, $0x8  }
0xb: {  	_ =	strace $0x8000004A;
	s7 =	sshrl.u32 s4, $0x1;
	s2 =	sor.u32 s2, s5  }
0xc: {  	s7 =	ssub.s32 s4, s7;
	s23 =	sshrl.u32 s2, $0x3;
	s8 =	sshll.u32 s2, $0x6  }
0xd: {  	s2 =	sor.u32 $0x80, s2;
	s4 =	sadd.s32 s6, s23;
	s24 =	sadd.s32 s22, s8  }
0xe: {  	s25 =	sshrl.u32 s2, $0x3;
	s2 =	sshll.u32 s2, $0x6;
	s5 =	smax.u32 s7, $0x1  }
0xf: {  	s23 =	simm.s32 $0x4080;
	s8 =	simm.s32 $0x9080;
	[dreg:$0x2] =	wrdreg s4  }
0x10: {  	s7 =	simm.s32 $0xC080;
	[dreg:$0x3] =	wrdreg s24;
	s6 =	sadd.s32 s6, s25  }
0x11: {  	v2 =	vlaneseq.u32;
	s4 =	sadd.s32 $0x4100, s0;
	s26 =	sadd.s32 s22, s2;
	s22 =	simm.s32 $0x3880  }
0x12: {  	vm0 =	vmmov $0xffff;
	v1 =	vshrl.u32 v2, $0x3;
	s24 =	simm.s32 $0x4880;
	s25 =	simm.s32 $0x5080;
	[dreg:$0x4] =	wrdreg s6  }
0x13: {  	v0 =	vand.u32 $0x7, v2;
	v2 =	vor.u32 $0x8, v2;
	v1 =	vmul.u32 $0x8, v1;
	[dreg:$0x5] =	wrdreg s26;
	s6 =	simm.s32 $0x2;
	s26 =	simm.s32 $0x5880  }
.LBB2_1:
0x14: {  	s15 =	rddreg [dreg:$0x2]  }
0x15: {  	[tilespmem:s1], [sflag:$0x2] =	stream.linear.gather [hbm4b:s15+s1], $0x80, $0x38;
	[tilespmem:$0x10080] =	vst v63  }
0x16: {  	_ =	swait.ge [sflag:s6], $0x80  }
0x17: {  	[sflag:s6] =	ssyncset.done $0x0  }
0x18: {  	[sflag:s6] =	ssyncadd.s32 $0xFFFFFF80  }
0x19: {  	v3 =	vld [tilespmem:$0x0];
	_ =	sdelay $0x4  }
0x1a: {  	v4 =	vshll.u32 v3, $0x2  }
0x1b: {  	v3 =	vand.u32 $0x7, v3;
	v4 =	vand.u32 $0xFFFFFFE0, v4  }
0x1c: {  	v3 =	vor.u32 v3, v4  }
0x1d: {  	v4 =	vperm.xlane v3, v0;
	_ =	sdelay $0x1  }
0x1e: {  	v4 =	vadd.s32 v1, v4;
	_ =	sdelay $0x1  }
0x1f: {  	v3 =	vperm.xlane v3, v2;
	_ =	sdelay $0x1  }
0x20: {  	s0 =	simm.s32 $0x80;
	v3 =	vadd.s32 v1, v3  }
0x21: {  	[tilespmem:s0], [sflag:$0x1] =	stream.indirect_vreg.gather [hbm4b:s3+s1], $0x80, v4, vm0, $0xb8;
	[tilespmem:$0x10080] =	vst v63  }
0x22: {  	_ = 	snop  }
0x23: {  	[tilespmem:s16], [sflag:$0x1] =	stream.indirect_vreg.gather [hbm4b:s4+s1], $0x80, v4, vm0, $0xb8;
	[tilespmem:$0x10080] =	vst v63  }
0x24: {  	_ = 	snop  }
0x25: {  	[tilespmem:s17], [sflag:$0x1] =	stream.indirect_vreg.gather [hbm4b:s3+s1], $0x80, v3, vm0, $0xb8;
	[tilespmem:$0x10080] =	vst v63  }
0x26: {  	_ = 	snop  }
0x27: {  	[tilespmem:s18], [sflag:$0x1] =	stream.indirect_vreg.gather [hbm4b:s4+s1], $0x80, v3, vm0, $0xb8;
	[tilespmem:$0x10080] =	vst v63  }
0x28: {  	v3 =	vld [tilespmem:$0x10];
	_ =	sdelay $0x4  }
0x29: {  	v49 =	vshll.u32 v3, $0x2  }
0x2a: {  	v3 =	vand.u32 $0x7, v3;
	v4 =	vand.u32 $0xFFFFFFE0, v49  }
0x2b: {  	v3 =	vor.u32 v3, v4  }
0x2c: {  	v4 =	vperm.xlane v3, v0;
	_ =	sdelay $0x1  }
0x2d: {  	v4 =	vadd.s32 v1, v4;
	_ =	sdelay $0x1  }
0x2e: {  	v3 =	vperm.xlane v3, v2;
	_ =	sdelay $0x1  }
0x2f: {  	v3 =	vadd.s32 v1, v3  }
0x30: {  	[tilespmem:s19], [sflag:$0x1] =	stream.indirect_vreg.gather [hbm4b:s3+s1], $0x80, v4, vm0, $0xb8;
	[tilespmem:$0x10080] =	vst v63  }
0x31: {  	_ = 	snop  }
0x32: {  	[tilespmem:s20], [sflag:$0x1] =	stream.indirect_vreg.gather [hbm4b:s4+s1], $0x80, v4, vm0, $0xb8;
	[tilespmem:$0x10080] =	vst v63  }
0x33: {  	_ = 	snop  }
0x34: {  	[tilespmem:s21], [sflag:$0x1] =	stream.indirect_vreg.gather [hbm4b:s3+s1], $0x80, v3, vm0, $0xb8;
	[tilespmem:$0x10080] =	vst v63  }
0x35: {  	_ = 	snop  }
0x36: {  	[tilespmem:s22], [sflag:$0x1] =	stream.indirect_vreg.gather [hbm4b:s4+s1], $0x80, v3, vm0, $0xb8;
	[tilespmem:$0x10080] =	vst v63  }
0x37: {  	v3 =	vld [tilespmem:$0x20];
	_ =	sdelay $0x4  }
0x38: {  	v50 =	vshll.u32 v3, $0x2  }
0x39: {  	v3 =	vand.u32 $0x7, v3;
	v4 =	vand.u32 $0xFFFFFFE0, v50  }
0x3a: {  	v3 =	vor.u32 v3, v4  }
0x3b: {  	v4 =	vperm.xlane v3, v0;
	_ =	sdelay $0x1  }
0x3c: {  	v4 =	vadd.s32 v1, v4;
	_ =	sdelay $0x1  }
0x3d: {  	v3 =	vperm.xlane v3, v2;
	_ =	sdelay $0x1  }
0x3e: {  	v3 =	vadd.s32 v1, v3  }
0x3f: {  	[tilespmem:s23], [sflag:$0x1] =	stream.indirect_vreg.gather [hbm4b:s3+s1], $0x80, v4, vm0, $0xb8;
	[tilespmem:$0x10080] =	vst v63  }
0x40: {  	_ = 	snop  }
0x41: {  	[tilespmem:s24], [sflag:$0x1] =	stream.indirect_vreg.gather [hbm4b:s4+s1], $0x80, v4, vm0, $0xb8;
	[tilespmem:$0x10080] =	vst v63  }
0x42: {  	_ = 	snop  }
0x43: {  	[tilespmem:s25], [sflag:$0x1] =	stream.indirect_vreg.gather [hbm4b:s3+s1], $0x80, v3, vm0, $0xb8;
	[tilespmem:$0x10080] =	vst v63  }
0x44: {  	_ = 	snop  }
0x45: {  	[tilespmem:s26], [sflag:$0x1] =	stream.indirect_vreg.gather [hbm4b:s4+s1], $0x80, v3, vm0, $0xb8;
	[tilespmem:$0x10080] =	vst v63  }
0x46: {  	v3 =	vld [tilespmem:$0x30];
	_ =	sdelay $0x4  }
0x47: {  	v51 =	vshll.u32 v3, $0x2  }
0x48: {  	v3 =	vand.u32 $0x7, v3;
	v4 =	vand.u32 $0xFFFFFFE0, v51  }
0x49: {  	v3 =	vor.u32 v3, v4  }
0x4a: {  	v4 =	vperm.xlane v3, v0;
	_ =	sdelay $0x1  }
0x4b: {  	v4 =	vadd.s32 v1, v4;
	_ =	sdelay $0x1  }
0x4c: {  	v3 =	vperm.xlane v3, v2;
	_ =	sdelay $0x1  }
0x4d: {  	v3 =	vadd.s32 v1, v3  }
0x4e: {  	[tilespmem:s28], [sflag:$0x1] =	stream.indirect_vreg.gather [hbm4b:s3+s1], $0x80, v4, vm0, $0xb8;
	[tilespmem:$0x10080] =	vst v63  }
0x4f: {  	_ = 	snop  }
0x50: {  	[tilespmem:s29], [sflag:$0x1] =	stream.indirect_vreg.gather [hbm4b:s4+s1], $0x80, v4, vm0, $0xb8;
	[tilespmem:$0x10080] =	vst v63  }
0x51: {  	_ = 	snop  }
0x52: {  	[tilespmem:s30], [sflag:$0x1] =	stream.indirect_vreg.gather [hbm4b:s3+s1], $0x80, v3, vm0, $0xb8;
	[tilespmem:$0x10080] =	vst v63  }
0x53: {  	_ = 	snop  }
0x54: {  	[tilespmem:s31], [sflag:$0x1] =	stream.indirect_vreg.gather [hbm4b:s4+s1], $0x80, v3, vm0, $0xb8;
	[tilespmem:$0x10080] =	vst v63  }
0x55: {  	v3 =	vld [tilespmem:$0x40];
	_ =	sdelay $0x4  }
0x56: {  	v52 =	vshll.u32 v3, $0x2  }
0x57: {  	v3 =	vand.u32 $0x7, v3;
	v4 =	vand.u32 $0xFFFFFFE0, v52  }
0x58: {  	v3 =	vor.u32 v3, v4  }
0x59: {  	v4 =	vperm.xlane v3, v0;
	_ =	sdelay $0x1  }
0x5a: {  	v4 =	vadd.s32 v1, v4;
	_ =	sdelay $0x1  }
0x5b: {  	v3 =	vperm.xlane v3, v2;
	_ =	sdelay $0x1  }
0x5c: {  	s2 =	simm.s32 $0x8080;
	v3 =	vadd.s32 v1, v3  }
0x5d: {  	[tilespmem:s2], [sflag:$0x1] =	stream.indirect_vreg.gather [hbm4b:s3+s1], $0x80, v4, vm0, $0xb8;
	[tilespmem:$0x10080] =	vst v63  }
0x5e: {  	s2 =	simm.s32 $0x8880  }
0x5f: {  	[tilespmem:s2], [sflag:$0x1] =	stream.indirect_vreg.gather [hbm4b:s4+s1], $0x80, v4, vm0, $0xb8;
	[tilespmem:$0x10080] =	vst v63  }
0x60: {  	_ = 	snop  }
0x61: {  	[tilespmem:s8], [sflag:$0x1] =	stream.indirect_vreg.gather [hbm4b:s3+s1], $0x80, v3, vm0, $0xb8;
	[tilespmem:$0x10080] =	vst v63  }
0x62: {  	_ = 	snop  }
0x63: {  	[tilespmem:s9], [sflag:$0x1] =	stream.indirect_vreg.gather [hbm4b:s4+s1], $0x80, v3, vm0, $0xb8;
	[tilespmem:$0x10080] =	vst v63  }
0x64: {  	v3 =	vld [tilespmem:$0x50];
	_ =	sdelay $0x4  }
0x65: {  	v53 =	vshll.u32 v3, $0x2  }
0x66: {  	v3 =	vand.u32 $0x7, v3;
	v4 =	vand.u32 $0xFFFFFFE0, v53  }
0x67: {  	v3 =	vor.u32 v3, v4  }
0x68: {  	v4 =	vperm.xlane v3, v0;
	_ =	sdelay $0x1  }
0x69: {  	v4 =	vadd.s32 v1, v4;
	_ =	sdelay $0x1  }
0x6a: {  	v3 =	vperm.xlane v3, v2;
	_ =	sdelay $0x1  }
0x6b: {  	v3 =	vadd.s32 v1, v3  }
0x6c: {  	[tilespmem:s10], [sflag:$0x1] =	stream.indirect_vreg.gather [hbm4b:s3+s1], $0x80, v4, vm0, $0xb8;
	[tilespmem:$0x10080] =	vst v63  }
0x6d: {  	_ = 	snop  }
0x6e: {  	[tilespmem:s11], [sflag:$0x1] =	stream.indirect_vreg.gather [hbm4b:s4+s1], $0x80, v4, vm0, $0xb8;
	[tilespmem:$0x10080] =	vst v63  }
0x6f: {  	_ = 	snop  }
0x70: {  	[tilespmem:s12], [sflag:$0x1] =	stream.indirect_vreg.gather [hbm4b:s3+s1], $0x80, v3, vm0, $0xb8;
	[tilespmem:$0x10080] =	vst v63  }
0x71: {  	_ = 	snop  }
0x72: {  	[tilespmem:s13], [sflag:$0x1] =	stream.indirect_vreg.gather [hbm4b:s4+s1], $0x80, v3, vm0, $0xb8;
	[tilespmem:$0x10080] =	vst v63  }
0x73: {  	v3 =	vld [tilespmem:$0x60];
	_ =	sdelay $0x4  }
0x74: {  	v54 =	vshll.u32 v3, $0x2  }
0x75: {  	v3 =	vand.u32 $0x7, v3;
	v4 =	vand.u32 $0xFFFFFFE0, v54  }
0x76: {  	v3 =	vor.u32 v3, v4  }
0x77: {  	v4 =	vperm.xlane v3, v0;
	_ =	sdelay $0x1  }
0x78: {  	v4 =	vadd.s32 v1, v4;
	_ =	sdelay $0x1  }
0x79: {  	v3 =	vperm.xlane v3, v2;
	_ =	sdelay $0x1  }
0x7a: {  	v3 =	vadd.s32 v1, v3  }
0x7b: {  	[tilespmem:s7], [sflag:$0x1] =	stream.indirect_vreg.gather [hbm4b:s3+s1], $0x80, v4, vm0, $0xb8;
	[tilespmem:$0x10080] =	vst v63  }
0x7c: {  	s15 =	simm.s32 $0xC880  }
0x7d: {  	[tilespmem:s15], [sflag:$0x1] =	stream.indirect_vreg.gather [hbm4b:s4+s1], $0x80, v4, vm0, $0xb8;
	[tilespmem:$0x10080] =	vst v63  }
0x7e: {  	s15 =	simm.s32 $0xD080  }
0x7f: {  	[tilespmem:s15], [sflag:$0x1] =	stream.indirect_vreg.gather [hbm4b:s3+s1], $0x80, v3, vm0, $0xb8;
	[tilespmem:$0x10080] =	vst v63  }
0x80: {  	s15 =	simm.s32 $0xD880  }
0x81: {  	[tilespmem:s15], [sflag:$0x1] =	stream.indirect_vreg.gather [hbm4b:s4+s1], $0x80, v3, vm0, $0xb8;
	[tilespmem:$0x10080] =	vst v63  }
0x82: {  	v3 =	vld [tilespmem:$0x70];
	_ =	sdelay $0x4  }
0x83: {  	v55 =	vshll.u32 v3, $0x2  }
0x84: {  	v3 =	vand.u32 $0x7, v3;
	v4 =	vand.u32 $0xFFFFFFE0, v55  }
0x85: {  	v3 =	vor.u32 v3, v4  }
0x86: {  	v4 =	vperm.xlane v3, v0;
	_ =	sdelay $0x1  }
0x87: {  	v4 =	vadd.s32 v1, v4;
	_ =	sdelay $0x1  }
0x88: {  	v3 =	vperm.xlane v3, v2;
	_ =	sdelay $0x1  }
0x89: {  	s15 =	simm.s32 $0xE080;
	v3 =	vadd.s32 v1, v3  }
0x8a: {  	[tilespmem:s15], [sflag:$0x1] =	stream.indirect_vreg.gather [hbm4b:s3+s1], $0x80, v4, vm0, $0xb8;
	[tilespmem:$0x10080] =	vst v63  }
0x8b: {  	s15 =	simm.s32 $0xE880  }
0x8c: {  	[tilespmem:s15], [sflag:$0x1] =	stream.indirect_vreg.gather [hbm4b:s4+s1], $0x80, v4, vm0, $0xb8;
	[tilespmem:$0x10080] =	vst v63  }
0x8d: {  	s15 =	simm.s32 $0xF080  }
0x8e: {  	[tilespmem:s15], [sflag:$0x1] =	stream.indirect_vreg.gather [hbm4b:s3+s1], $0x80, v3, vm0, $0xb8;
	[tilespmem:$0x10080] =	vst v63  }
0x8f: {  	s15 =	simm.s32 $0xF880  }
0x90: {  	[tilespmem:s15], [sflag:$0x1] =	stream.indirect_vreg.gather [hbm4b:s4+s1], $0x80, v3, vm0, $0xb8;
	[tilespmem:$0x10080] =	vst v63  }
0x91: {  	_ =	swait.ge [sflag:s14], $0x10000  }
0x92: {  	[sflag:s14] =	ssyncset.done $0x0  }
0x93: {  	s0 =	simm.s32 $0x80;
	s15 =	rddreg [dreg:$0x3];
	[sflag:s14] =	ssyncadd.s32 $0xFFFF0000  }
0x94: {  	[hbm4b:s15+s1] =	stream.linear.scatter [tilespmem:s0], [sflag:$0x2], $0x10000, $0x38;
	[tilespmem:$0x10080] =	vst v63  }
0x95: {  	_ =	swait.ge [sflag:s6], $0x10000  }
0x96: {  	[sflag:s6] =	ssyncset.done $0x0  }
0x97: {  	s15 =	rddreg [dreg:$0x4];
	[sflag:s6] =	ssyncadd.s32 $0xFFFF0000  }
0x98: {  	[tilespmem:s1], [sflag:$0x2] =	stream.linear.gather [hbm4b:s15+s1], $0x80, $0x38;
	[tilespmem:$0x10080] =	vst v63  }
0x99: {  	_ =	swait.ge [sflag:s6], $0x80  }
0x9a: {  	[sflag:s6] =	ssyncset.done $0x0  }
0x9b: {  	[sflag:s6] =	ssyncadd.s32 $0xFFFFFF80  }
0x9c: {  	v3 =	vld [tilespmem:$0x0];
	_ =	sdelay $0x4  }
0x9d: {  	v56 =	vshll.u32 v3, $0x2  }
0x9e: {  	v3 =	vand.u32 $0x7, v3;
	v4 =	vand.u32 $0xFFFFFFE0, v56  }
0x9f: {  	v3 =	vor.u32 v3, v4  }
0xa0: {  	v4 =	vperm.xlane v3, v0;
	_ =	sdelay $0x1  }
0xa1: {  	v4 =	vadd.s32 v1, v4;
	_ =	sdelay $0x1  }
0xa2: {  	v3 =	vperm.xlane v3, v2;
	_ =	sdelay $0x1  }
0xa3: {  	v3 =	vadd.s32 v1, v3  }
0xa4: {  	[tilespmem:s0], [sflag:$0x1] =	stream.indirect_vreg.gather [hbm4b:s3+s1], $0x80, v4, vm0, $0xb8;
	[tilespmem:$0x10080] =	vst v63  }
0xa5: {  	_ = 	snop  }
0xa6: {  	[tilespmem:s16], [sflag:$0x1] =	stream.indirect_vreg.gather [hbm4b:s4+s1], $0x80, v4, vm0, $0xb8;
	[tilespmem:$0x10080] =	vst v63  }
0xa7: {  	_ = 	snop  }
0xa8: {  	[tilespmem:s17], [sflag:$0x1] =	stream.indirect_vreg.gather [hbm4b:s3+s1], $0x80, v3, vm0, $0xb8;
	[tilespmem:$0x10080] =	vst v63  }
0xa9: {  	_ = 	snop  }
0xaa: {  	[tilespmem:s18], [sflag:$0x1] =	stream.indirect_vreg.gather [hbm4b:s4+s1], $0x80, v3, vm0, $0xb8;
	[tilespmem:$0x10080] =	vst v63  }
0xab: {  	v3 =	vld [tilespmem:$0x10];
	_ =	sdelay $0x4  }
0xac: {  	v57 =	vshll.u32 v3, $0x2  }
0xad: {  	v3 =	vand.u32 $0x7, v3;
	v4 =	vand.u32 $0xFFFFFFE0, v57  }
0xae: {  	v3 =	vor.u32 v3, v4  }
0xaf: {  	v4 =	vperm.xlane v3, v0;
	_ =	sdelay $0x1  }
0xb0: {  	v4 =	vadd.s32 v1, v4;
	_ =	sdelay $0x1  }
0xb1: {  	v3 =	vperm.xlane v3, v2;
	_ =	sdelay $0x1  }
0xb2: {  	v3 =	vadd.s32 v1, v3  }
0xb3: {  	[tilespmem:s19], [sflag:$0x1] =	stream.indirect_vreg.gather [hbm4b:s3+s1], $0x80, v4, vm0, $0xb8;
	[tilespmem:$0x10080] =	vst v63  }
0xb4: {  	_ = 	snop  }
0xb5: {  	[tilespmem:s20], [sflag:$0x1] =	stream.indirect_vreg.gather [hbm4b:s4+s1], $0x80, v4, vm0, $0xb8;
	[tilespmem:$0x10080] =	vst v63  }
0xb6: {  	_ = 	snop  }
0xb7: {  	[tilespmem:s21], [sflag:$0x1] =	stream.indirect_vreg.gather [hbm4b:s3+s1], $0x80, v3, vm0, $0xb8;
	[tilespmem:$0x10080] =	vst v63  }
0xb8: {  	_ = 	snop  }
0xb9: {  	[tilespmem:s22], [sflag:$0x1] =	stream.indirect_vreg.gather [hbm4b:s4+s1], $0x80, v3, vm0, $0xb8;
	[tilespmem:$0x10080] =	vst v63  }
0xba: {  	v3 =	vld [tilespmem:$0x20];
	_ =	sdelay $0x4  }
0xbb: {  	v58 =	vshll.u32 v3, $0x2  }
0xbc: {  	v3 =	vand.u32 $0x7, v3;
	v4 =	vand.u32 $0xFFFFFFE0, v58  }
0xbd: {  	v3 =	vor.u32 v3, v4  }
0xbe: {  	v4 =	vperm.xlane v3, v0;
	_ =	sdelay $0x1  }
0xbf: {  	v4 =	vadd.s32 v1, v4;
	_ =	sdelay $0x1  }
0xc0: {  	v3 =	vperm.xlane v3, v2;
	_ =	sdelay $0x1  }
0xc1: {  	v3 =	vadd.s32 v1, v3  }
0xc2: {  	[tilespmem:s23], [sflag:$0x1] =	stream.indirect_vreg.gather [hbm4b:s3+s1], $0x80, v4, vm0, $0xb8;
	[tilespmem:$0x10080] =	vst v63  }
0xc3: {  	_ = 	snop  }
0xc4: {  	[tilespmem:s24], [sflag:$0x1] =	stream.indirect_vreg.gather [hbm4b:s4+s1], $0x80, v4, vm0, $0xb8;
	[tilespmem:$0x10080] =	vst v63  }
0xc5: {  	_ = 	snop  }
0xc6: {  	[tilespmem:s25], [sflag:$0x1] =	stream.indirect_vreg.gather [hbm4b:s3+s1], $0x80, v3, vm0, $0xb8;
	[tilespmem:$0x10080] =	vst v63  }
0xc7: {  	_ = 	snop  }
0xc8: {  	[tilespmem:s26], [sflag:$0x1] =	stream.indirect_vreg.gather [hbm4b:s4+s1], $0x80, v3, vm0, $0xb8;
	[tilespmem:$0x10080] =	vst v63  }
0xc9: {  	v3 =	vld [tilespmem:$0x30];
	_ =	sdelay $0x4  }
0xca: {  	v59 =	vshll.u32 v3, $0x2  }
0xcb: {  	v3 =	vand.u32 $0x7, v3;
	v4 =	vand.u32 $0xFFFFFFE0, v59  }
0xcc: {  	v3 =	vor.u32 v3, v4  }
0xcd: {  	v4 =	vperm.xlane v3, v0;
	_ =	sdelay $0x1  }
0xce: {  	v4 =	vadd.s32 v1, v4;
	_ =	sdelay $0x1  }
0xcf: {  	v3 =	vperm.xlane v3, v2;
	_ =	sdelay $0x1  }
0xd0: {  	v3 =	vadd.s32 v1, v3  }
0xd1: {  	[tilespmem:s28], [sflag:$0x1] =	stream.indirect_vreg.gather [hbm4b:s3+s1], $0x80, v4, vm0, $0xb8;
	[tilespmem:$0x10080] =	vst v63  }
0xd2: {  	_ = 	snop  }
0xd3: {  	[tilespmem:s29], [sflag:$0x1] =	stream.indirect_vreg.gather [hbm4b:s4+s1], $0x80, v4, vm0, $0xb8;
	[tilespmem:$0x10080] =	vst v63  }
0xd4: {  	_ = 	snop  }
0xd5: {  	[tilespmem:s30], [sflag:$0x1] =	stream.indirect_vreg.gather [hbm4b:s3+s1], $0x80, v3, vm0, $0xb8;
	[tilespmem:$0x10080] =	vst v63  }
0xd6: {  	_ = 	snop  }
0xd7: {  	[tilespmem:s31], [sflag:$0x1] =	stream.indirect_vreg.gather [hbm4b:s4+s1], $0x80, v3, vm0, $0xb8;
	[tilespmem:$0x10080] =	vst v63  }
0xd8: {  	v3 =	vld [tilespmem:$0x40];
	_ =	sdelay $0x4  }
0xd9: {  	v60 =	vshll.u32 v3, $0x2  }
0xda: {  	v3 =	vand.u32 $0x7, v3;
	v4 =	vand.u32 $0xFFFFFFE0, v60  }
0xdb: {  	v3 =	vor.u32 v3, v4  }
0xdc: {  	v4 =	vperm.xlane v3, v0;
	_ =	sdelay $0x1  }
0xdd: {  	v4 =	vadd.s32 v1, v4;
	_ =	sdelay $0x1  }
0xde: {  	v3 =	vperm.xlane v3, v2;
	_ =	sdelay $0x1  }
0xdf: {  	s15 =	simm.s32 $0x8080;
	v3 =	vadd.s32 v1, v3  }
0xe0: {  	[tilespmem:s15], [sflag:$0x1] =	stream.indirect_vreg.gather [hbm4b:s3+s1], $0x80, v4, vm0, $0xb8;
	[tilespmem:$0x10080] =	vst v63  }
0xe1: {  	_ = 	snop  }
0xe2: {  	[tilespmem:s2], [sflag:$0x1] =	stream.indirect_vreg.gather [hbm4b:s4+s1], $0x80, v4, vm0, $0xb8;
	[tilespmem:$0x10080] =	vst v63  }
0xe3: {  	_ = 	snop  }
0xe4: {  	[tilespmem:s8], [sflag:$0x1] =	stream.indirect_vreg.gather [hbm4b:s3+s1], $0x80, v3, vm0, $0xb8;
	[tilespmem:$0x10080] =	vst v63  }
0xe5: {  	_ = 	snop  }
0xe6: {  	[tilespmem:s9], [sflag:$0x1] =	stream.indirect_vreg.gather [hbm4b:s4+s1], $0x80, v3, vm0, $0xb8;
	[tilespmem:$0x10080] =	vst v63  }
0xe7: {  	v3 =	vld [tilespmem:$0x50];
	_ =	sdelay $0x4  }
0xe8: {  	v61 =	vshll.u32 v3, $0x2  }
0xe9: {  	v3 =	vand.u32 $0x7, v3;
	v4 =	vand.u32 $0xFFFFFFE0, v61  }
0xea: {  	v3 =	vor.u32 v3, v4  }
0xeb: {  	v4 =	vperm.xlane v3, v0;
	_ =	sdelay $0x1  }
0xec: {  	v4 =	vadd.s32 v1, v4;
	_ =	sdelay $0x1  }
0xed: {  	v3 =	vperm.xlane v3, v2;
	_ =	sdelay $0x1  }
0xee: {  	v3 =	vadd.s32 v1, v3  }
0xef: {  	[tilespmem:s10], [sflag:$0x1] =	stream.indirect_vreg.gather [hbm4b:s3+s1], $0x80, v4, vm0, $0xb8;
	[tilespmem:$0x10080] =	vst v63  }
0xf0: {  	_ = 	snop  }
0xf1: {  	[tilespmem:s11], [sflag:$0x1] =	stream.indirect_vreg.gather [hbm4b:s4+s1], $0x80, v4, vm0, $0xb8;
	[tilespmem:$0x10080] =	vst v63  }
0xf2: {  	_ = 	snop  }
0xf3: {  	[tilespmem:s12], [sflag:$0x1] =	stream.indirect_vreg.gather [hbm4b:s3+s1], $0x80, v3, vm0, $0xb8;
	[tilespmem:$0x10080] =	vst v63  }
0xf4: {  	_ = 	snop  }
0xf5: {  	[tilespmem:s13], [sflag:$0x1] =	stream.indirect_vreg.gather [hbm4b:s4+s1], $0x80, v3, vm0, $0xb8;
	[tilespmem:$0x10080] =	vst v63  }
0xf6: {  	v3 =	vld [tilespmem:$0x60];
	_ =	sdelay $0x4  }
0xf7: {  	v62 =	vshll.u32 v3, $0x2  }
0xf8: {  	v3 =	vand.u32 $0x7, v3;
	v4 =	vand.u32 $0xFFFFFFE0, v62  }
0xf9: {  	v3 =	vor.u32 v3, v4  }
0xfa: {  	v4 =	vperm.xlane v3, v0;
	_ =	sdelay $0x1  }
0xfb: {  	v4 =	vadd.s32 v1, v4;
	_ =	sdelay $0x1  }
0xfc: {  	v3 =	vperm.xlane v3, v2;
	_ =	sdelay $0x1  }
0xfd: {  	v3 =	vadd.s32 v1, v3  }
0xfe: {  	[tilespmem:s7], [sflag:$0x1] =	stream.indirect_vreg.gather [hbm4b:s3+s1], $0x80, v4, vm0, $0xb8;
	[tilespmem:$0x10080] =	vst v63  }
0xff: {  	s15 =	simm.s32 $0xC880  }
0x100: {  	[tilespmem:s15], [sflag:$0x1] =	stream.indirect_vreg.gather [hbm4b:s4+s1], $0x80, v4, vm0, $0xb8;
	[tilespmem:$0x10080] =	vst v63  }
0x101: {  	s15 =	simm.s32 $0xD080  }
0x102: {  	[tilespmem:s15], [sflag:$0x1] =	stream.indirect_vreg.gather [hbm4b:s3+s1], $0x80, v3, vm0, $0xb8;
	[tilespmem:$0x10080] =	vst v63  }
0x103: {  	s15 =	simm.s32 $0xD880  }
0x104: {  	[tilespmem:s15], [sflag:$0x1] =	stream.indirect_vreg.gather [hbm4b:s4+s1], $0x80, v3, vm0, $0xb8;
	[tilespmem:$0x10080] =	vst v63  }
0x105: {  	v3 =	vld [tilespmem:$0x70];
	_ =	sdelay $0x4  }
0x106: {  	v63 =	vshll.u32 v3, $0x2  }
0x107: {  	v3 =	vand.u32 $0x7, v3;
	v4 =	vand.u32 $0xFFFFFFE0, v63  }
0x108: {  	v3 =	vor.u32 v3, v4  }
0x109: {  	v4 =	vperm.xlane v3, v0;
	_ =	sdelay $0x1  }
0x10a: {  	v4 =	vadd.s32 v1, v4;
	_ =	sdelay $0x1  }
0x10b: {  	v3 =	vperm.xlane v3, v2;
	_ =	sdelay $0x1  }
0x10c: {  	s15 =	simm.s32 $0xE080;
	v3 =	vadd.s32 v1, v3  }
0x10d: {  	[tilespmem:s15], [sflag:$0x1] =	stream.indirect_vreg.gather [hbm4b:s3+s1], $0x80, v4, vm0, $0xb8;
	[tilespmem:$0x10080] =	vst v63  }
0x10e: {  	s15 =	simm.s32 $0xE880  }
0x10f: {  	[tilespmem:s15], [sflag:$0x1] =	stream.indirect_vreg.gather [hbm4b:s4+s1], $0x80, v4, vm0, $0xb8;
	[tilespmem:$0x10080] =	vst v63  }
0x110: {  	s15 =	simm.s32 $0xF080  }
0x111: {  	[tilespmem:s15], [sflag:$0x1] =	stream.indirect_vreg.gather [hbm4b:s3+s1], $0x80, v3, vm0, $0xb8;
	[tilespmem:$0x10080] =	vst v63  }
0x112: {  	s15 =	simm.s32 $0xF880  }
0x113: {  	[tilespmem:s15], [sflag:$0x1] =	stream.indirect_vreg.gather [hbm4b:s4+s1], $0x80, v3, vm0, $0xb8;
	[tilespmem:$0x10080] =	vst v63  }
0x114: {  	_ =	swait.ge [sflag:s14], $0x10000  }
0x115: {  	p0 =	sne.s32 s5, $0x1;
	s0 =	simm.s32 $0x80;
	[sflag:s14] =	ssyncset.done $0x0  }
.Ltmp0:
0x116: {  	s2 =	rddreg [dreg:$0x5];
	[sflag:s14] =	ssyncadd.s32 $0xFFFF0000;
	(pc) =	sbr.rel @p0 .LBB2_1-.Ltmp0, $4  }
0x117: {  	[hbm4b:s2+s1] =	stream.linear.scatter [tilespmem:s0], [sflag:$0x2], $0x10000, $0x38;
	[tilespmem:$0x10080] =	vst v63  }
0x118: {  	_ =	swait.ge [sflag:s6], $0x10000  }
0x119: {  	[sflag:s6] =	ssyncset.done $0x0  }
0x11a: {  	s5 =	sadd.s32 $0xFFFFFFFF, s5;
	[sflag:s6] =	ssyncadd.s32 $0xFFFF0000  }
0x11b: {  	_ =	sfence.sel $0x180000  }
0x11c: {  	[bflag:$0x0] =	sbarrier.arrive $0xFFFF  }
0x11d: {  	_ =	strace $0x9000004A  }
0x11e: {  	s0 =	stileid.u32;
	[bflag:$0x2] =	sbarrier.arrive $0xFFFF  }
0x11f: {  	p0 =	sne.s32 s0, $0x0;
	s0 =	rddreg [dreg:$0x1]  }
0x120: {  	s0 =	sadd.s32 @!p0 $0x100000, s0  }
0x121: {  	[sflag:s0] =	ssyncadd.tile.s32 @!p0 $0x1;
	_ =	shalt  }
.Lfunc_end2:
_tile_overlayer_lowered:
.L_overlay_start_2:
0x122: {  	(tag) =	ssettag $0x2  }
0x123: {  	s0 =	rddreg [dreg:$0x0];
	s2 =	stileid.u32  }
0x124: {  	s1 =	rddreg [dreg:$0x1];
	p0 =	sne.s32 s2, $0x0  }
0x125: {  	s3 =	rddreg [dreg:$0x2];
	[bflag:$0x3] =	sbarrier.arrive $0xFFFF;
	s2 =	simm.s32 @!p0 $0x1C02  }
0x126: {  	[timem:s3], [sflag:s2] =	dma.local @!p0 [hbm:s0], s1  }
0x127: {  	s0 =	simm.s32 @!p0 $0x2  }
0x128: {  	_ =	swait.ge @!p0 [sflag:s0], s1  }
0x129: {  	s1 =	ssub.s32 @!p0 $0x0, s1;
	[sflag:s0] =	ssyncset.done @!p0 $0x0  }
0x12a: {  	[sflag:s0] =	ssyncadd.s32 @!p0 s1  }
0x12b: {  	[bflag:$0x3] =	sbarrier.arrive $0xFFFF  }
0x12c: {  	_ =	shalt  }

// kernel: kernel.18.cloned.1.call-start
scs
__scs_entry_jumppad:
0x0: {  	(pc) =	sbr.rel $0x88, $3  }
0x1: {  	(tag) =	ssettag $0x0;
	lr =	simm.s32 $0x1  }
0x2: {  	[smem:$0x3F9F] =	sst lr;
	_ =	strace $0xD0000000  }
0x3: {  	_ = 	snop  }
0x4: {  	_ = 	snop  }
0x5: {  	_ = 	snop  }
0x6: {  	_ = 	snop  }
0x7: {  	_ = 	snop  }
__scs_overlays_trampoline_lowered:
0x8: {  	[smem:$0x3FAE] =	sst s0  }
0x9: {  	[smem:$0x3FAF] =	sst s1  }
0xa: {  	[smem:$0x3FB0] =	sst s2  }
0xb: {  	[smem:$0x3FB1] =	sst s3  }
0xc: {  	[smem:$0x3FB2] =	sst s4  }
0xd: {  	[smem:$0x3FB3] =	sst s5  }
0xe: {  	[smem:$0x3FB4] =	sst s6  }
0xf: {  	[smem:$0x3FB5] =	sst s7  }
0x10: {  	[smem:$0x3FB6] =	sst s8  }
0x11: {  	[smem:$0x3FB7] =	sst s9;
	s0 =	simm.s32 @!p0 $0x0  }
0x12: {  	s1 =	sld [smem:$0x3F9D];
	s0 =	simm.s32 @p0 $0x1  }
0x13: {  	[smem:$0x3FB8] =	sst s0;
	s0 =	simm.s32 @!p1 $0x0  }
0x14: {  	s2 =	sld [smem:$0x3F9C];
	s0 =	simm.s32 @p1 $0x1  }
0x15: {  	[smem:$0x3FB9] =	sst s0;
	s0 =	simm.s32 @!p2 $0x0  }
0x16: {  	s3 =	sld [smem:$0x3FDB];
	s0 =	simm.s32 @p2 $0x1  }
0x17: {  	s4 =	simm.s32 $0x1BF5;
	[smem:$0x3FBB] =	sst s0  }
0x18: {  	s0 =	sld [smem:$0x3F9E];
	_ =	swait.ge [sflag:s4], $0x0  }
0x19: {  	s7 =	sld [smem:$0x3F9F]  }
0x1a: {  	s8 =	sadd.s32 $0xFFFFE003, lr  }
0x1b: {  	s9 =	sadd.s32 $0xFFFFFEF7, lr;
	s5 =	simm.s32 $0xFFFFFFFF;
	p2 =	slt.u32 s8, $0xFFFFF086  }
0x1c: {  	p1 =	slt.u32 s9, $0xF7A;
	s5 =	simm.s32 @!p2 $0x0  }
0x1d: {  	s5 =	simm.s32 @p1 $0x1;
	p0 =	seq.s32 s7, s2  }
0x1e: {  	s7 =	smul.u32 @!p0 $0xF7A, s2;
	p2 =	seq.s32 @!p0 s5, $0x0  }
0x1f: {  	s9 =	smul.u32 $0xF7A, s1;
	s8 =	simm.s32 @!p0 $0x1BF5;
	p2 =	por !p2, p0  }
0x20: {  	[sflag:s8] =	ssyncset.s32 @!p0 $0xFFFFF086;
	s6 =	sadd.s32 @!p0 s3, s7;
	s7 =	simm.s32 @!p0 $0x108  }
0x21: {  	s3 =	sadd.s32 s3, s9;
	s6 =	sadd.s32 @!p0 $0x88, s6;
	s7 =	simm.s32 @p2 $0x1082  }
0x22: {  	[simem:s7], [sflag:s8] =	dma.local @!p0 [hbm:s6], $0xF7A  }
0x23: {  	s9 =	sor.u32 $0xD0000000, s2;
	s6 =	simm.s32 $0x108;
	_ =	swait.ge @!p0 [sflag:s8], $0x0  }
0x24: {  	s3 =	sadd.s32 $0x88, s3;
	s6 =	simm.s32 @!p1 $0x1082;
	[sflag:s4] =	ssyncset.s32 $0xFFFFF086  }
0x25: {  	[simem:s6], [sflag:s4] =	dma.local [hbm:s3], $0xF7A  }
0x26: {  	[smem:$0x3F9F] =	sst s1;
	(tag) =	ssettag s2;
	_ =	strace s9  }
0x27: {  	s1 =	sld [smem:$0x3FAF]  }
0x28: {  	s2 =	sld [smem:$0x3FB0]  }
0x29: {  	s4 =	sld [smem:$0x3FB2]  }
0x2a: {  	p0 =	seq.s32 s5, $0x0;
	s5 =	sld [smem:$0x3FB3]  }
0x2b: {  	s6 =	sld [smem:$0x3FB4]  }
0x2c: {  	s7 =	sld [smem:$0x3FB5]  }
0x2d: {  	s3 =	simm.s32 $0x108;
	s8 =	sld [smem:$0x3FB6]  }
0x2e: {  	s3 =	simm.s32 @!p0 $0x1082;
	s9 =	sld [smem:$0x3FB7]  }
0x2f: {  	lr =	sadd.s32 s0, s3;
	s0 =	sld [smem:$0x3FAE]  }
0x30: {  	s3 =	sld [smem:$0x3FB1]  }
0x31: {  	[smem:$0x3FBA] =	sst s10  }
0x32: {  	s10 =	sld [smem:$0x3FB8];
	_ =	sdelay $0x3  }
0x33: {  	p0 =	seq.s32 s10, $0x1;
	s10 =	sld [smem:$0x3FBA];
	_ =	sdelay $0x3  }
0x34: {  	[smem:$0x3FBA] =	sst s10  }
0x35: {  	s10 =	sld [smem:$0x3FB9];
	_ =	sdelay $0x3  }
0x36: {  	p1 =	seq.s32 s10, $0x1;
	s10 =	sld [smem:$0x3FBA];
	_ =	sdelay $0x3  }
0x37: {  	[smem:$0x3FBA] =	sst s10  }
0x38: {  	s10 =	sld [smem:$0x3FBB]  }
0x39: {  	_ = 	snop;
	(pc) =	sbr.ind lr, $3  }
0x3a: {  	_ = 	snop  }
0x3b: {  	_ = 	snop  }
0x3c: {  	p2 =	seq.s32 s10, $0x1;
	s10 =	sld [smem:$0x3FBA]  }
0x3d: {  	_ =	shalt  }
0x3e: {  	_ =	shalt  }
0x3f: {  	_ =	shalt  }
0x40: {  	_ =	shalt  }
0x41: {  	_ =	shalt  }
0x42: {  	_ =	shalt  }
0x43: {  	_ =	shalt  }
0x44: {  	_ =	shalt  }
0x45: {  	_ =	shalt  }
0x46: {  	_ =	shalt  }
0x47: {  	_ =	shalt  }
0x48: {  	_ =	shalt  }
0x49: {  	_ =	shalt  }
0x4a: {  	_ =	shalt  }
0x4b: {  	_ =	shalt  }
0x4c: {  	_ =	shalt  }
0x4d: {  	_ =	shalt  }
0x4e: {  	_ =	shalt  }
0x4f: {  	_ =	shalt  }
0x50: {  	_ =	shalt  }
0x51: {  	_ =	shalt  }
0x52: {  	_ =	shalt  }
0x53: {  	_ =	shalt  }
0x54: {  	_ =	shalt  }
0x55: {  	_ =	shalt  }
0x56: {  	_ =	shalt  }
0x57: {  	_ =	shalt  }
0x58: {  	_ =	shalt  }
0x59: {  	_ =	shalt  }
0x5a: {  	_ =	shalt  }
0x5b: {  	_ =	shalt  }
0x5c: {  	_ =	shalt  }
0x5d: {  	_ =	shalt  }
0x5e: {  	_ =	shalt  }
0x5f: {  	_ =	shalt  }
0x60: {  	_ =	shalt  }
0x61: {  	_ =	shalt  }
0x62: {  	_ =	shalt  }
0x63: {  	_ =	shalt  }
0x64: {  	_ =	shalt  }
0x65: {  	_ =	shalt  }
0x66: {  	_ =	shalt  }
0x67: {  	_ =	shalt  }
0x68: {  	_ =	shalt  }
0x69: {  	_ =	shalt  }
0x6a: {  	_ =	shalt  }
0x6b: {  	_ =	shalt  }
0x6c: {  	_ =	shalt  }
0x6d: {  	_ =	shalt  }
0x6e: {  	_ =	shalt  }
0x6f: {  	_ =	shalt  }
0x70: {  	_ =	shalt  }
0x71: {  	_ =	shalt  }
0x72: {  	_ =	shalt  }
0x73: {  	_ =	shalt  }
0x74: {  	_ =	shalt  }
0x75: {  	_ =	shalt  }
0x76: {  	_ =	shalt  }
0x77: {  	_ =	shalt  }
0x78: {  	_ =	shalt  }
0x79: {  	_ =	shalt  }
0x7a: {  	_ =	shalt  }
0x7b: {  	_ =	shalt  }
0x7c: {  	_ =	shalt  }
0x7d: {  	_ =	shalt  }
0x7e: {  	_ =	shalt  }
0x7f: {  	_ =	shalt  }
0x80: {  	_ =	shalt  }
0x81: {  	_ =	shalt  }
0x82: {  	_ =	shalt  }
0x83: {  	_ =	shalt  }
0x84: {  	_ =	shalt  }
0x85: {  	_ =	shalt  }
0x86: {  	_ =	shalt  }
0x87: {  	_ =	shalt  }
.Lfunc_end0:
.L_simem_size_0:
called_computation.2_lowered:
.L_overlay_start_0:
0x88: {  	s2 =	sld [smem:$0x3FD9]  }
0x89: {  	s3 =	sld [smem:$0x3FFE];
	_ =	sdelay $0x1  }
0x8a: {  	s1 =	srdreg.scid  }
0x8b: {  	s0 =	sand.u32 $0x1, s1  }
0x8c: {  	s16 =	sshll.u32 s0, $0xA;
	s2 =	sadd.s32 s3, s2  }
0x8d: {  	s2 =	sadd.s32 s2, s16  }
0x8e: {  	[smem:$0x3FC6] =	sst s2  }
0x8f: {  	_ = 	snop  }
0x90: {  	(tm) =	ssettm $0x1  }
0x91: {  	s17 =	sld [smem:$0x3FFB];
	_ =	sdelay $0x3  }
0x92: {  	_ =	strace s17  }
0x93: {  	s2 =	sld [smem:$0x3FFC];
	_ =	sdelay $0x3  }
0x94: {  	_ =	strace s2  }
0x95: {  	s2 =	sld [smem:$0x3FFD];
	_ =	sdelay $0x3  }
0x96: {  	_ =	strace s2  }
0x97: {  	_ =	strace $0x8FFFFFFF  }
0x98: {  	s18 =	sld [smem:$0x3FDB];
	_ =	sdelay $0x1  }
0x99: {  	s19 =	simm.s32 $_scs_section_size  }
0x9a: {  	s4 =	simm.s32 $_size__tile_overlayer_lowered;
	s5 =	simm.s32 $_tile_overlayer_lowered  }
0x9b: {  	s22 =	simm.s32 $0x1BFF;
	s21 =	sshll.u32 s5, $0x1;
	s2 =	sadd.s32 s19, s18  }
0x9c: {  	s6 =	simm.s32 $0x0;
	s20 =	sshll.u32 s4, $0x1;
	s4 =	sadd.s32 s21, s2  }
0x9d: {  	[timem:s6], [sflag:s22] =	dma.local [hbm:s4], s20  }
0x9e: {  	_ =	swait.ge [sflag:s22], s20  }
0x9f: {  	s3 =	ssub.s32 $0x0, s20;
	[sflag:s22] =	ssyncset.done $0x0  }
0xa0: {  	[sflag:s22] =	ssyncadd.s32 s3;
	_ =	sdelay $0x1  }
0xa1: {  	s23 =	simm.s32 $0x1B8B  }
0xa2: {  	_ =	swait.ge [sflag:s23], $0x1  }
0xa3: {  	[sflag:s23] =	ssyncset.done $0x0  }
0xa4: {  	s25 =	simm.s32 $0x1B8E;
	s24 =	sld [smem:$0x3FFE];
	[sflag:s23] =	ssyncadd.s32 $0xFFFFFFFF  }
0xa5: {  	s26 =	simm.s32 $execute0_lowered;
	[smem:$0x3FD2] =	sst s25  }
0xa6: {  	s4 =	sshll.u32 s26, $0x1;
	_ =	strace $0x8000004C;
	[dreg:$0x1] =	wrdreg $0xFFFFFFFF  }
0xa7: {  	s28 =	simm.s32 $_size_execute0_lowered;
	s2 =	sadd.s32 s2, s4;
	[dreg:$0x0] =	wrdreg $0x0  }
0xa8: {  	s4 =	sshll.u32 s28, $0x1;
	[dreg:$0x2] =	wrdreg s2  }
0xa9: {  	[dreg:$0x3] =	wrdreg s4  }
0xaa: {  	[dreg:$0x4] =	wrdreg $0xC0  }
0xab: {  	_ =	task [dreg:s6], $0x5FFFF  }
0xac: {  	[dreg:$0x1] =	wrdreg $0xFFFFFFFF  }
0xad: {  	[dreg:$0x0] =	wrdreg $0x60  }
0xae: {  	[dreg:$0x2] =	wrdreg s24  }
0xaf: {  	[dreg:$0x3] =	wrdreg $0x9  }
0xb0: {  	_ =	task.clear_ibuf [dreg:s6], $0x4FFFF;
	_ =	strace $0x9000004C  }
0xb1: {  	s29 =	simm.s32 $0x9;
	_ =	strace $0x8000004E  }
0xb2: {  	_ =	swait.ge [sflag:s29], $0x1  }
0xb3: {  	[sflag:s29] =	ssyncadd.s32 $0xFFFFFFFF  }
0xb4: {  	_ =	strace $0x9000004E  }
0xb5: {  	_ =	sfence  }
0xb6: {  	s30 =	sld [smem:$0x0];
	_ =	sdelay $0x2  }
0xb7: {  	s31 =	sshll.u32 s1, $0xD;
	s1 =	sshrl.u32 s1, $0x2  }
0xb8: {  	s3 =	sand.u32 $0x4000, s31;
	s1 =	sadd.s32 s1, s30  }
0xb9: {  	s0 =	sor.u32 s3, s0;
	s1 =	sshll.u32 s1, $0x11  }
0xba: {  	s0 =	sor.u32 s1, s0  }
0xbb: {  	s0 =	sadd.s32 $0x8F2B, s0  }
0xbc: {  	[sflag:s0] =	ssyncadd.remote.s32 $0x1  }
0xbd: {  	_ =	sfence.sel $0xFFFF  }
0xbe: {  	[dreg:$0x0] =	wrdreg $0xFFFFFFFF;
	(pc) =	sbr.abs _section_cstart, $3  }
0xbf: {  	[dreg:$0x1] =	wrdreg $0xFFFFFFFF  }
0xc0: {  	_ =	task.clear_ibuf [dreg:s6], $0x2FFFF;
	_ =	strace $0x9FFFFFFF  }
0xc1: {  	(tm) =	ssettm $0x7FFFFFFF  }
tec
execute0_lowered:
.L_overlay_start_1:
0x0: {  	(tag) =	ssettag $0x1  }
0x1: {  	s0 =	rddreg [dreg:$0x0]  }
0x2: {  	s1 =	simm.s32 $0x0;
	s2 =	srdreg.scid;
	s5 =	stileid.u32  }
0x3: {  	s14 =	simm.s32 $0x1;
	s16 =	simm.s32 $0x880;
	s17 =	simm.s32 $0x1080  }
0x4: {  	s18 =	simm.s32 $0x1880;
	s19 =	simm.s32 $0x2080;
	s20 =	simm.s32 $0x2880  }
0x5: {  	s21 =	simm.s32 $0x3080;
	s28 =	simm.s32 $0x6080;
	s29 =	simm.s32 $0x6880  }
0x6: {  	s30 =	simm.s32 $0x7080;
	s31 =	simm.s32 $0x7880;
	s9 =	simm.s32 $0x9880  }
0x7: {  	s10 =	simm.s32 $0xA080;
	s11 =	simm.s32 $0xA880;
	s12 =	simm.s32 $0xB080  }
0x8: {  	s13 =	simm.s32 $0xB880;
	[smem:$0x7FF] =	sst s1;
	s3 =	sadd.s32 $0x4000, s0  }
0x9: {  	s2 =	sand.u32 $0x1, s2;
	s5 =	sshll.u32 s5, $0x9;
	s6 =	sadd.s32 $0x2C000, s0  }
0xa: {  	s22 =	sadd.s32 $0x14C400, s0;
	s4 =	ssub.s32 $0x2, s2;
	s2 =	sshll.u32 s2, $0x8  }
0xb: {  	_ =	strace $0x8000004D;
	s7 =	sshrl.u32 s4, $0x1;
	s2 =	sor.u32 s2, s5  }
0xc: {  	s7 =	ssub.s32 s4, s7;
	s23 =	sshrl.u32 s2, $0x3;
	s8 =	sshll.u32 s2, $0x6  }
0xd: {  	s2 =	sor.u32 $0x80, s2;
	s4 =	sadd.s32 s6, s23;
	s24 =	sadd.s32 s22, s8  }
0xe: {  	s25 =	sshrl.u32 s2, $0x3;
	s2 =	sshll.u32 s2, $0x6;
	s5 =	smax.u32 s7, $0x1  }
0xf: {  	s23 =	simm.s32 $0x4080;
	s8 =	simm.s32 $0x9080;
	[dreg:$0x2] =	wrdreg s4  }
0x10: {  	s7 =	simm.s32 $0xC080;
	[dreg:$0x3] =	wrdreg s24;
	s6 =	sadd.s32 s6, s25  }
0x11: {  	v2 =	vlaneseq.u32;
	s4 =	sadd.s32 $0x4100, s0;
	s26 =	sadd.s32 s22, s2;
	s22 =	simm.s32 $0x3880  }
0x12: {  	vm0 =	vmmov $0xffff;
	v1 =	vshrl.u32 v2, $0x3;
	s24 =	simm.s32 $0x4880;
	s25 =	simm.s32 $0x5080;
	[dreg:$0x4] =	wrdreg s6  }
0x13: {  	v0 =	vand.u32 $0x7, v2;
	v2 =	vor.u32 $0x8, v2;
	v1 =	vmul.u32 $0x8, v1;
	[dreg:$0x5] =	wrdreg s26;
	s6 =	simm.s32 $0x2;
	s26 =	simm.s32 $0x5880  }
.LBB2_1:
0x14: {  	s15 =	rddreg [dreg:$0x2]  }
0x15: {  	[tilespmem:s1], [sflag:$0x2] =	stream.linear.gather [hbm4b:s15+s1], $0x80, $0x38;
	[tilespmem:$0x10080] =	vst v63  }
0x16: {  	_ =	swait.ge [sflag:s6], $0x80  }
0x17: {  	[sflag:s6] =	ssyncset.done $0x0  }
0x18: {  	[sflag:s6] =	ssyncadd.s32 $0xFFFFFF80  }
0x19: {  	v3 =	vld [tilespmem:$0x0];
	_ =	sdelay $0x4  }
0x1a: {  	v4 =	vshll.u32 v3, $0x2  }
0x1b: {  	v3 =	vand.u32 $0x7, v3;
	v4 =	vand.u32 $0xFFFFFFE0, v4  }
0x1c: {  	v3 =	vor.u32 v3, v4  }
0x1d: {  	v4 =	vperm.xlane v3, v0;
	_ =	sdelay $0x1  }
0x1e: {  	v4 =	vadd.s32 v1, v4;
	_ =	sdelay $0x1  }
0x1f: {  	v3 =	vperm.xlane v3, v2;
	_ =	sdelay $0x1  }
0x20: {  	s0 =	simm.s32 $0x80;
	v3 =	vadd.s32 v1, v3  }
0x21: {  	[tilespmem:s0], [sflag:$0x1] =	stream.indirect_vreg.gather [hbm4b:s3+s1], $0x80, v4, vm0, $0xb8;
	[tilespmem:$0x10080] =	vst v63  }
0x22: {  	_ = 	snop  }
0x23: {  	[tilespmem:s16], [sflag:$0x1] =	stream.indirect_vreg.gather [hbm4b:s4+s1], $0x80, v4, vm0, $0xb8;
	[tilespmem:$0x10080] =	vst v63  }
0x24: {  	_ = 	snop  }
0x25: {  	[tilespmem:s17], [sflag:$0x1] =	stream.indirect_vreg.gather [hbm4b:s3+s1], $0x80, v3, vm0, $0xb8;
	[tilespmem:$0x10080] =	vst v63  }
0x26: {  	_ = 	snop  }
0x27: {  	[tilespmem:s18], [sflag:$0x1] =	stream.indirect_vreg.gather [hbm4b:s4+s1], $0x80, v3, vm0, $0xb8;
	[tilespmem:$0x10080] =	vst v63  }
0x28: {  	v3 =	vld [tilespmem:$0x10];
	_ =	sdelay $0x4  }
0x29: {  	v49 =	vshll.u32 v3, $0x2  }
0x2a: {  	v3 =	vand.u32 $0x7, v3;
	v4 =	vand.u32 $0xFFFFFFE0, v49  }
0x2b: {  	v3 =	vor.u32 v3, v4  }
0x2c: {  	v4 =	vperm.xlane v3, v0;
	_ =	sdelay $0x1  }
0x2d: {  	v4 =	vadd.s32 v1, v4;
	_ =	sdelay $0x1  }
0x2e: {  	v3 =	vperm.xlane v3, v2;
	_ =	sdelay $0x1  }
0x2f: {  	v3 =	vadd.s32 v1, v3  }
0x30: {  	[tilespmem:s19], [sflag:$0x1] =	stream.indirect_vreg.gather [hbm4b:s3+s1], $0x80, v4, vm0, $0xb8;
	[tilespmem:$0x10080] =	vst v63  }
0x31: {  	_ = 	snop  }
0x32: {  	[tilespmem:s20], [sflag:$0x1] =	stream.indirect_vreg.gather [hbm4b:s4+s1], $0x80, v4, vm0, $0xb8;
	[tilespmem:$0x10080] =	vst v63  }
0x33: {  	_ = 	snop  }
0x34: {  	[tilespmem:s21], [sflag:$0x1] =	stream.indirect_vreg.gather [hbm4b:s3+s1], $0x80, v3, vm0, $0xb8;
	[tilespmem:$0x10080] =	vst v63  }
0x35: {  	_ = 	snop  }
0x36: {  	[tilespmem:s22], [sflag:$0x1] =	stream.indirect_vreg.gather [hbm4b:s4+s1], $0x80, v3, vm0, $0xb8;
	[tilespmem:$0x10080] =	vst v63  }
0x37: {  	v3 =	vld [tilespmem:$0x20];
	_ =	sdelay $0x4  }
0x38: {  	v50 =	vshll.u32 v3, $0x2  }
0x39: {  	v3 =	vand.u32 $0x7, v3;
	v4 =	vand.u32 $0xFFFFFFE0, v50  }
0x3a: {  	v3 =	vor.u32 v3, v4  }
0x3b: {  	v4 =	vperm.xlane v3, v0;
	_ =	sdelay $0x1  }
0x3c: {  	v4 =	vadd.s32 v1, v4;
	_ =	sdelay $0x1  }
0x3d: {  	v3 =	vperm.xlane v3, v2;
	_ =	sdelay $0x1  }
0x3e: {  	v3 =	vadd.s32 v1, v3  }
0x3f: {  	[tilespmem:s23], [sflag:$0x1] =	stream.indirect_vreg.gather [hbm4b:s3+s1], $0x80, v4, vm0, $0xb8;
	[tilespmem:$0x10080] =	vst v63  }
0x40: {  	_ = 	snop  }
0x41: {  	[tilespmem:s24], [sflag:$0x1] =	stream.indirect_vreg.gather [hbm4b:s4+s1], $0x80, v4, vm0, $0xb8;
	[tilespmem:$0x10080] =	vst v63  }
0x42: {  	_ = 	snop  }
0x43: {  	[tilespmem:s25], [sflag:$0x1] =	stream.indirect_vreg.gather [hbm4b:s3+s1], $0x80, v3, vm0, $0xb8;
	[tilespmem:$0x10080] =	vst v63  }
0x44: {  	_ = 	snop  }
0x45: {  	[tilespmem:s26], [sflag:$0x1] =	stream.indirect_vreg.gather [hbm4b:s4+s1], $0x80, v3, vm0, $0xb8;
	[tilespmem:$0x10080] =	vst v63  }
0x46: {  	v3 =	vld [tilespmem:$0x30];
	_ =	sdelay $0x4  }
0x47: {  	v51 =	vshll.u32 v3, $0x2  }
0x48: {  	v3 =	vand.u32 $0x7, v3;
	v4 =	vand.u32 $0xFFFFFFE0, v51  }
0x49: {  	v3 =	vor.u32 v3, v4  }
0x4a: {  	v4 =	vperm.xlane v3, v0;
	_ =	sdelay $0x1  }
0x4b: {  	v4 =	vadd.s32 v1, v4;
	_ =	sdelay $0x1  }
0x4c: {  	v3 =	vperm.xlane v3, v2;
	_ =	sdelay $0x1  }
0x4d: {  	v3 =	vadd.s32 v1, v3  }
0x4e: {  	[tilespmem:s28], [sflag:$0x1] =	stream.indirect_vreg.gather [hbm4b:s3+s1], $0x80, v4, vm0, $0xb8;
	[tilespmem:$0x10080] =	vst v63  }
0x4f: {  	_ = 	snop  }
0x50: {  	[tilespmem:s29], [sflag:$0x1] =	stream.indirect_vreg.gather [hbm4b:s4+s1], $0x80, v4, vm0, $0xb8;
	[tilespmem:$0x10080] =	vst v63  }
0x51: {  	_ = 	snop  }
0x52: {  	[tilespmem:s30], [sflag:$0x1] =	stream.indirect_vreg.gather [hbm4b:s3+s1], $0x80, v3, vm0, $0xb8;
	[tilespmem:$0x10080] =	vst v63  }
0x53: {  	_ = 	snop  }
0x54: {  	[tilespmem:s31], [sflag:$0x1] =	stream.indirect_vreg.gather [hbm4b:s4+s1], $0x80, v3, vm0, $0xb8;
	[tilespmem:$0x10080] =	vst v63  }
0x55: {  	v3 =	vld [tilespmem:$0x40];
	_ =	sdelay $0x4  }
0x56: {  	v52 =	vshll.u32 v3, $0x2  }
0x57: {  	v3 =	vand.u32 $0x7, v3;
	v4 =	vand.u32 $0xFFFFFFE0, v52  }
0x58: {  	v3 =	vor.u32 v3, v4  }
0x59: {  	v4 =	vperm.xlane v3, v0;
	_ =	sdelay $0x1  }
0x5a: {  	v4 =	vadd.s32 v1, v4;
	_ =	sdelay $0x1  }
0x5b: {  	v3 =	vperm.xlane v3, v2;
	_ =	sdelay $0x1  }
0x5c: {  	s2 =	simm.s32 $0x8080;
	v3 =	vadd.s32 v1, v3  }
0x5d: {  	[tilespmem:s2], [sflag:$0x1] =	stream.indirect_vreg.gather [hbm4b:s3+s1], $0x80, v4, vm0, $0xb8;
	[tilespmem:$0x10080] =	vst v63  }
0x5e: {  	s2 =	simm.s32 $0x8880  }
0x5f: {  	[tilespmem:s2], [sflag:$0x1] =	stream.indirect_vreg.gather [hbm4b:s4+s1], $0x80, v4, vm0, $0xb8;
	[tilespmem:$0x10080] =	vst v63  }
0x60: {  	_ = 	snop  }
0x61: {  	[tilespmem:s8], [sflag:$0x1] =	stream.indirect_vreg.gather [hbm4b:s3+s1], $0x80, v3, vm0, $0xb8;
	[tilespmem:$0x10080] =	vst v63  }
0x62: {  	_ = 	snop  }
0x63: {  	[tilespmem:s9], [sflag:$0x1] =	stream.indirect_vreg.gather [hbm4b:s4+s1], $0x80, v3, vm0, $0xb8;
	[tilespmem:$0x10080] =	vst v63  }
0x64: {  	v3 =	vld [tilespmem:$0x50];
	_ =	sdelay $0x4  }
0x65: {  	v53 =	vshll.u32 v3, $0x2  }
0x66: {  	v3 =	vand.u32 $0x7, v3;
	v4 =	vand.u32 $0xFFFFFFE0, v53  }
0x67: {  	v3 =	vor.u32 v3, v4  }
0x68: {  	v4 =	vperm.xlane v3, v0;
	_ =	sdelay $0x1  }
0x69: {  	v4 =	vadd.s32 v1, v4;
	_ =	sdelay $0x1  }
0x6a: {  	v3 =	vperm.xlane v3, v2;
	_ =	sdelay $0x1  }
0x6b: {  	v3 =	vadd.s32 v1, v3  }
0x6c: {  	[tilespmem:s10], [sflag:$0x1] =	stream.indirect_vreg.gather [hbm4b:s3+s1], $0x80, v4, vm0, $0xb8;
	[tilespmem:$0x10080] =	vst v63  }
0x6d: {  	_ = 	snop  }
0x6e: {  	[tilespmem:s11], [sflag:$0x1] =	stream.indirect_vreg.gather [hbm4b:s4+s1], $0x80, v4, vm0, $0xb8;
	[tilespmem:$0x10080] =	vst v63  }
0x6f: {  	_ = 	snop  }
0x70: {  	[tilespmem:s12], [sflag:$0x1] =	stream.indirect_vreg.gather [hbm4b:s3+s1], $0x80, v3, vm0, $0xb8;
	[tilespmem:$0x10080] =	vst v63  }
0x71: {  	_ = 	snop  }
0x72: {  	[tilespmem:s13], [sflag:$0x1] =	stream.indirect_vreg.gather [hbm4b:s4+s1], $0x80, v3, vm0, $0xb8;
	[tilespmem:$0x10080] =	vst v63  }
0x73: {  	v3 =	vld [tilespmem:$0x60];
	_ =	sdelay $0x4  }
0x74: {  	v54 =	vshll.u32 v3, $0x2  }
0x75: {  	v3 =	vand.u32 $0x7, v3;
	v4 =	vand.u32 $0xFFFFFFE0, v54  }
0x76: {  	v3 =	vor.u32 v3, v4  }
0x77: {  	v4 =	vperm.xlane v3, v0;
	_ =	sdelay $0x1  }
0x78: {  	v4 =	vadd.s32 v1, v4;
	_ =	sdelay $0x1  }
0x79: {  	v3 =	vperm.xlane v3, v2;
	_ =	sdelay $0x1  }
0x7a: {  	v3 =	vadd.s32 v1, v3  }
0x7b: {  	[tilespmem:s7], [sflag:$0x1] =	stream.indirect_vreg.gather [hbm4b:s3+s1], $0x80, v4, vm0, $0xb8;
	[tilespmem:$0x10080] =	vst v63  }
0x7c: {  	s15 =	simm.s32 $0xC880  }
0x7d: {  	[tilespmem:s15], [sflag:$0x1] =	stream.indirect_vreg.gather [hbm4b:s4+s1], $0x80, v4, vm0, $0xb8;
	[tilespmem:$0x10080] =	vst v63  }
0x7e: {  	s15 =	simm.s32 $0xD080  }
0x7f: {  	[tilespmem:s15], [sflag:$0x1] =	stream.indirect_vreg.gather [hbm4b:s3+s1], $0x80, v3, vm0, $0xb8;
	[tilespmem:$0x10080] =	vst v63  }
0x80: {  	s15 =	simm.s32 $0xD880  }
0x81: {  	[tilespmem:s15], [sflag:$0x1] =	stream.indirect_vreg.gather [hbm4b:s4+s1], $0x80, v3, vm0, $0xb8;
	[tilespmem:$0x10080] =	vst v63  }
0x82: {  	v3 =	vld [tilespmem:$0x70];
	_ =	sdelay $0x4  }
0x83: {  	v55 =	vshll.u32 v3, $0x2  }
0x84: {  	v3 =	vand.u32 $0x7, v3;
	v4 =	vand.u32 $0xFFFFFFE0, v55  }
0x85: {  	v3 =	vor.u32 v3, v4  }
0x86: {  	v4 =	vperm.xlane v3, v0;
	_ =	sdelay $0x1  }
0x87: {  	v4 =	vadd.s32 v1, v4;
	_ =	sdelay $0x1  }
0x88: {  	v3 =	vperm.xlane v3, v2;
	_ =	sdelay $0x1  }
0x89: {  	s15 =	simm.s32 $0xE080;
	v3 =	vadd.s32 v1, v3  }
0x8a: {  	[tilespmem:s15], [sflag:$0x1] =	stream.indirect_vreg.gather [hbm4b:s3+s1], $0x80, v4, vm0, $0xb8;
	[tilespmem:$0x10080] =	vst v63  }
0x8b: {  	s15 =	simm.s32 $0xE880  }
0x8c: {  	[tilespmem:s15], [sflag:$0x1] =	stream.indirect_vreg.gather [hbm4b:s4+s1], $0x80, v4, vm0, $0xb8;
	[tilespmem:$0x10080] =	vst v63  }
0x8d: {  	s15 =	simm.s32 $0xF080  }
0x8e: {  	[tilespmem:s15], [sflag:$0x1] =	stream.indirect_vreg.gather [hbm4b:s3+s1], $0x80, v3, vm0, $0xb8;
	[tilespmem:$0x10080] =	vst v63  }
0x8f: {  	s15 =	simm.s32 $0xF880  }
0x90: {  	[tilespmem:s15], [sflag:$0x1] =	stream.indirect_vreg.gather [hbm4b:s4+s1], $0x80, v3, vm0, $0xb8;
	[tilespmem:$0x10080] =	vst v63  }
0x91: {  	_ =	swait.ge [sflag:s14], $0x10000  }
0x92: {  	[sflag:s14] =	ssyncset.done $0x0  }
0x93: {  	s0 =	simm.s32 $0x80;
	s15 =	rddreg [dreg:$0x3];
	[sflag:s14] =	ssyncadd.s32 $0xFFFF0000  }
0x94: {  	[hbm4b:s15+s1] =	stream.linear.scatter [tilespmem:s0], [sflag:$0x2], $0x10000, $0x38;
	[tilespmem:$0x10080] =	vst v63  }
0x95: {  	_ =	swait.ge [sflag:s6], $0x10000  }
0x96: {  	[sflag:s6] =	ssyncset.done $0x0  }
0x97: {  	s15 =	rddreg [dreg:$0x4];
	[sflag:s6] =	ssyncadd.s32 $0xFFFF0000  }
0x98: {  	[tilespmem:s1], [sflag:$0x2] =	stream.linear.gather [hbm4b:s15+s1], $0x80, $0x38;
	[tilespmem:$0x10080] =	vst v63  }
0x99: {  	_ =	swait.ge [sflag:s6], $0x80  }
0x9a: {  	[sflag:s6] =	ssyncset.done $0x0  }
0x9b: {  	[sflag:s6] =	ssyncadd.s32 $0xFFFFFF80  }
0x9c: {  	v3 =	vld [tilespmem:$0x0];
	_ =	sdelay $0x4  }
0x9d: {  	v56 =	vshll.u32 v3, $0x2  }
0x9e: {  	v3 =	vand.u32 $0x7, v3;
	v4 =	vand.u32 $0xFFFFFFE0, v56  }
0x9f: {  	v3 =	vor.u32 v3, v4  }
0xa0: {  	v4 =	vperm.xlane v3, v0;
	_ =	sdelay $0x1  }
0xa1: {  	v4 =	vadd.s32 v1, v4;
	_ =	sdelay $0x1  }
0xa2: {  	v3 =	vperm.xlane v3, v2;
	_ =	sdelay $0x1  }
0xa3: {  	v3 =	vadd.s32 v1, v3  }
0xa4: {  	[tilespmem:s0], [sflag:$0x1] =	stream.indirect_vreg.gather [hbm4b:s3+s1], $0x80, v4, vm0, $0xb8;
	[tilespmem:$0x10080] =	vst v63  }
0xa5: {  	_ = 	snop  }
0xa6: {  	[tilespmem:s16], [sflag:$0x1] =	stream.indirect_vreg.gather [hbm4b:s4+s1], $0x80, v4, vm0, $0xb8;
	[tilespmem:$0x10080] =	vst v63  }
0xa7: {  	_ = 	snop  }
0xa8: {  	[tilespmem:s17], [sflag:$0x1] =	stream.indirect_vreg.gather [hbm4b:s3+s1], $0x80, v3, vm0, $0xb8;
	[tilespmem:$0x10080] =	vst v63  }
0xa9: {  	_ = 	snop  }
0xaa: {  	[tilespmem:s18], [sflag:$0x1] =	stream.indirect_vreg.gather [hbm4b:s4+s1], $0x80, v3, vm0, $0xb8;
	[tilespmem:$0x10080] =	vst v63  }
0xab: {  	v3 =	vld [tilespmem:$0x10];
	_ =	sdelay $0x4  }
0xac: {  	v57 =	vshll.u32 v3, $0x2  }
0xad: {  	v3 =	vand.u32 $0x7, v3;
	v4 =	vand.u32 $0xFFFFFFE0, v57  }
0xae: {  	v3 =	vor.u32 v3, v4  }
0xaf: {  	v4 =	vperm.xlane v3, v0;
	_ =	sdelay $0x1  }
0xb0: {  	v4 =	vadd.s32 v1, v4;
	_ =	sdelay $0x1  }
0xb1: {  	v3 =	vperm.xlane v3, v2;
	_ =	sdelay $0x1  }
0xb2: {  	v3 =	vadd.s32 v1, v3  }
0xb3: {  	[tilespmem:s19], [sflag:$0x1] =	stream.indirect_vreg.gather [hbm4b:s3+s1], $0x80, v4, vm0, $0xb8;
	[tilespmem:$0x10080] =	vst v63  }
0xb4: {  	_ = 	snop  }
0xb5: {  	[tilespmem:s20], [sflag:$0x1] =	stream.indirect_vreg.gather [hbm4b:s4+s1], $0x80, v4, vm0, $0xb8;
	[tilespmem:$0x10080] =	vst v63  }
0xb6: {  	_ = 	snop  }
0xb7: {  	[tilespmem:s21], [sflag:$0x1] =	stream.indirect_vreg.gather [hbm4b:s3+s1], $0x80, v3, vm0, $0xb8;
	[tilespmem:$0x10080] =	vst v63  }
0xb8: {  	_ = 	snop  }
0xb9: {  	[tilespmem:s22], [sflag:$0x1] =	stream.indirect_vreg.gather [hbm4b:s4+s1], $0x80, v3, vm0, $0xb8;
	[tilespmem:$0x10080] =	vst v63  }
0xba: {  	v3 =	vld [tilespmem:$0x20];
	_ =	sdelay $0x4  }
0xbb: {  	v58 =	vshll.u32 v3, $0x2  }
0xbc: {  	v3 =	vand.u32 $0x7, v3;
	v4 =	vand.u32 $0xFFFFFFE0, v58  }
0xbd: {  	v3 =	vor.u32 v3, v4  }
0xbe: {  	v4 =	vperm.xlane v3, v0;
	_ =	sdelay $0x1  }
0xbf: {  	v4 =	vadd.s32 v1, v4;
	_ =	sdelay $0x1  }
0xc0: {  	v3 =	vperm.xlane v3, v2;
	_ =	sdelay $0x1  }
0xc1: {  	v3 =	vadd.s32 v1, v3  }
0xc2: {  	[tilespmem:s23], [sflag:$0x1] =	stream.indirect_vreg.gather [hbm4b:s3+s1], $0x80, v4, vm0, $0xb8;
	[tilespmem:$0x10080] =	vst v63  }
0xc3: {  	_ = 	snop  }
0xc4: {  	[tilespmem:s24], [sflag:$0x1] =	stream.indirect_vreg.gather [hbm4b:s4+s1], $0x80, v4, vm0, $0xb8;
	[tilespmem:$0x10080] =	vst v63  }
0xc5: {  	_ = 	snop  }
0xc6: {  	[tilespmem:s25], [sflag:$0x1] =	stream.indirect_vreg.gather [hbm4b:s3+s1], $0x80, v3, vm0, $0xb8;
	[tilespmem:$0x10080] =	vst v63  }
0xc7: {  	_ = 	snop  }
0xc8: {  	[tilespmem:s26], [sflag:$0x1] =	stream.indirect_vreg.gather [hbm4b:s4+s1], $0x80, v3, vm0, $0xb8;
	[tilespmem:$0x10080] =	vst v63  }
0xc9: {  	v3 =	vld [tilespmem:$0x30];
	_ =	sdelay $0x4  }
0xca: {  	v59 =	vshll.u32 v3, $0x2  }
0xcb: {  	v3 =	vand.u32 $0x7, v3;
	v4 =	vand.u32 $0xFFFFFFE0, v59  }
0xcc: {  	v3 =	vor.u32 v3, v4  }
0xcd: {  	v4 =	vperm.xlane v3, v0;
	_ =	sdelay $0x1  }
0xce: {  	v4 =	vadd.s32 v1, v4;
	_ =	sdelay $0x1  }
0xcf: {  	v3 =	vperm.xlane v3, v2;
	_ =	sdelay $0x1  }
0xd0: {  	v3 =	vadd.s32 v1, v3  }
0xd1: {  	[tilespmem:s28], [sflag:$0x1] =	stream.indirect_vreg.gather [hbm4b:s3+s1], $0x80, v4, vm0, $0xb8;
	[tilespmem:$0x10080] =	vst v63  }
0xd2: {  	_ = 	snop  }
0xd3: {  	[tilespmem:s29], [sflag:$0x1] =	stream.indirect_vreg.gather [hbm4b:s4+s1], $0x80, v4, vm0, $0xb8;
	[tilespmem:$0x10080] =	vst v63  }
0xd4: {  	_ = 	snop  }
0xd5: {  	[tilespmem:s30], [sflag:$0x1] =	stream.indirect_vreg.gather [hbm4b:s3+s1], $0x80, v3, vm0, $0xb8;
	[tilespmem:$0x10080] =	vst v63  }
0xd6: {  	_ = 	snop  }
0xd7: {  	[tilespmem:s31], [sflag:$0x1] =	stream.indirect_vreg.gather [hbm4b:s4+s1], $0x80, v3, vm0, $0xb8;
	[tilespmem:$0x10080] =	vst v63  }
0xd8: {  	v3 =	vld [tilespmem:$0x40];
	_ =	sdelay $0x4  }
0xd9: {  	v60 =	vshll.u32 v3, $0x2  }
0xda: {  	v3 =	vand.u32 $0x7, v3;
	v4 =	vand.u32 $0xFFFFFFE0, v60  }
0xdb: {  	v3 =	vor.u32 v3, v4  }
0xdc: {  	v4 =	vperm.xlane v3, v0;
	_ =	sdelay $0x1  }
0xdd: {  	v4 =	vadd.s32 v1, v4;
	_ =	sdelay $0x1  }
0xde: {  	v3 =	vperm.xlane v3, v2;
	_ =	sdelay $0x1  }
0xdf: {  	s15 =	simm.s32 $0x8080;
	v3 =	vadd.s32 v1, v3  }
0xe0: {  	[tilespmem:s15], [sflag:$0x1] =	stream.indirect_vreg.gather [hbm4b:s3+s1], $0x80, v4, vm0, $0xb8;
	[tilespmem:$0x10080] =	vst v63  }
0xe1: {  	_ = 	snop  }
0xe2: {  	[tilespmem:s2], [sflag:$0x1] =	stream.indirect_vreg.gather [hbm4b:s4+s1], $0x80, v4, vm0, $0xb8;
	[tilespmem:$0x10080] =	vst v63  }
0xe3: {  	_ = 	snop  }
0xe4: {  	[tilespmem:s8], [sflag:$0x1] =	stream.indirect_vreg.gather [hbm4b:s3+s1], $0x80, v3, vm0, $0xb8;
	[tilespmem:$0x10080] =	vst v63  }
0xe5: {  	_ = 	snop  }
0xe6: {  	[tilespmem:s9], [sflag:$0x1] =	stream.indirect_vreg.gather [hbm4b:s4+s1], $0x80, v3, vm0, $0xb8;
	[tilespmem:$0x10080] =	vst v63  }
0xe7: {  	v3 =	vld [tilespmem:$0x50];
	_ =	sdelay $0x4  }
0xe8: {  	v61 =	vshll.u32 v3, $0x2  }
0xe9: {  	v3 =	vand.u32 $0x7, v3;
	v4 =	vand.u32 $0xFFFFFFE0, v61  }
0xea: {  	v3 =	vor.u32 v3, v4  }
0xeb: {  	v4 =	vperm.xlane v3, v0;
	_ =	sdelay $0x1  }
0xec: {  	v4 =	vadd.s32 v1, v4;
	_ =	sdelay $0x1  }
0xed: {  	v3 =	vperm.xlane v3, v2;
	_ =	sdelay $0x1  }
0xee: {  	v3 =	vadd.s32 v1, v3  }
0xef: {  	[tilespmem:s10], [sflag:$0x1] =	stream.indirect_vreg.gather [hbm4b:s3+s1], $0x80, v4, vm0, $0xb8;
	[tilespmem:$0x10080] =	vst v63  }
0xf0: {  	_ = 	snop  }
0xf1: {  	[tilespmem:s11], [sflag:$0x1] =	stream.indirect_vreg.gather [hbm4b:s4+s1], $0x80, v4, vm0, $0xb8;
	[tilespmem:$0x10080] =	vst v63  }
0xf2: {  	_ = 	snop  }
0xf3: {  	[tilespmem:s12], [sflag:$0x1] =	stream.indirect_vreg.gather [hbm4b:s3+s1], $0x80, v3, vm0, $0xb8;
	[tilespmem:$0x10080] =	vst v63  }
0xf4: {  	_ = 	snop  }
0xf5: {  	[tilespmem:s13], [sflag:$0x1] =	stream.indirect_vreg.gather [hbm4b:s4+s1], $0x80, v3, vm0, $0xb8;
	[tilespmem:$0x10080] =	vst v63  }
0xf6: {  	v3 =	vld [tilespmem:$0x60];
	_ =	sdelay $0x4  }
0xf7: {  	v62 =	vshll.u32 v3, $0x2  }
0xf8: {  	v3 =	vand.u32 $0x7, v3;
	v4 =	vand.u32 $0xFFFFFFE0, v62  }
0xf9: {  	v3 =	vor.u32 v3, v4  }
0xfa: {  	v4 =	vperm.xlane v3, v0;
	_ =	sdelay $0x1  }
0xfb: {  	v4 =	vadd.s32 v1, v4;
	_ =	sdelay $0x1  }
0xfc: {  	v3 =	vperm.xlane v3, v2;
	_ =	sdelay $0x1  }
0xfd: {  	v3 =	vadd.s32 v1, v3  }
0xfe: {  	[tilespmem:s7], [sflag:$0x1] =	stream.indirect_vreg.gather [hbm4b:s3+s1], $0x80, v4, vm0, $0xb8;
	[tilespmem:$0x10080] =	vst v63  }
0xff: {  	s15 =	simm.s32 $0xC880  }
0x100: {  	[tilespmem:s15], [sflag:$0x1] =	stream.indirect_vreg.gather [hbm4b:s4+s1], $0x80, v4, vm0, $0xb8;
	[tilespmem:$0x10080] =	vst v63  }
0x101: {  	s15 =	simm.s32 $0xD080  }
0x102: {  	[tilespmem:s15], [sflag:$0x1] =	stream.indirect_vreg.gather [hbm4b:s3+s1], $0x80, v3, vm0, $0xb8;
	[tilespmem:$0x10080] =	vst v63  }
0x103: {  	s15 =	simm.s32 $0xD880  }
0x104: {  	[tilespmem:s15], [sflag:$0x1] =	stream.indirect_vreg.gather [hbm4b:s4+s1], $0x80, v3, vm0, $0xb8;
	[tilespmem:$0x10080] =	vst v63  }
0x105: {  	v3 =	vld [tilespmem:$0x70];
	_ =	sdelay $0x4  }
0x106: {  	v63 =	vshll.u32 v3, $0x2  }
0x107: {  	v3 =	vand.u32 $0x7, v3;
	v4 =	vand.u32 $0xFFFFFFE0, v63  }
0x108: {  	v3 =	vor.u32 v3, v4  }
0x109: {  	v4 =	vperm.xlane v3, v0;
	_ =	sdelay $0x1  }
0x10a: {  	v4 =	vadd.s32 v1, v4;
	_ =	sdelay $0x1  }
0x10b: {  	v3 =	vperm.xlane v3, v2;
	_ =	sdelay $0x1  }
0x10c: {  	s15 =	simm.s32 $0xE080;
	v3 =	vadd.s32 v1, v3  }
0x10d: {  	[tilespmem:s15], [sflag:$0x1] =	stream.indirect_vreg.gather [hbm4b:s3+s1], $0x80, v4, vm0, $0xb8;
	[tilespmem:$0x10080] =	vst v63  }
0x10e: {  	s15 =	simm.s32 $0xE880  }
0x10f: {  	[tilespmem:s15], [sflag:$0x1] =	stream.indirect_vreg.gather [hbm4b:s4+s1], $0x80, v4, vm0, $0xb8;
	[tilespmem:$0x10080] =	vst v63  }
0x110: {  	s15 =	simm.s32 $0xF080  }
0x111: {  	[tilespmem:s15], [sflag:$0x1] =	stream.indirect_vreg.gather [hbm4b:s3+s1], $0x80, v3, vm0, $0xb8;
	[tilespmem:$0x10080] =	vst v63  }
0x112: {  	s15 =	simm.s32 $0xF880  }
0x113: {  	[tilespmem:s15], [sflag:$0x1] =	stream.indirect_vreg.gather [hbm4b:s4+s1], $0x80, v3, vm0, $0xb8;
	[tilespmem:$0x10080] =	vst v63  }
0x114: {  	_ =	swait.ge [sflag:s14], $0x10000  }
0x115: {  	p0 =	sne.s32 s5, $0x1;
	s0 =	simm.s32 $0x80;
	[sflag:s14] =	ssyncset.done $0x0  }
.Ltmp0:
0x116: {  	s2 =	rddreg [dreg:$0x5];
	[sflag:s14] =	ssyncadd.s32 $0xFFFF0000;
	(pc) =	sbr.rel @p0 .LBB2_1-.Ltmp0, $4  }
0x117: {  	[hbm4b:s2+s1] =	stream.linear.scatter [tilespmem:s0], [sflag:$0x2], $0x10000, $0x38;
	[tilespmem:$0x10080] =	vst v63  }
0x118: {  	_ =	swait.ge [sflag:s6], $0x10000  }
0x119: {  	[sflag:s6] =	ssyncset.done $0x0  }
0x11a: {  	s5 =	sadd.s32 $0xFFFFFFFF, s5;
	[sflag:s6] =	ssyncadd.s32 $0xFFFF0000  }
0x11b: {  	_ =	sfence.sel $0x180000  }
0x11c: {  	[bflag:$0x0] =	sbarrier.arrive $0xFFFF  }
0x11d: {  	_ =	strace $0x9000004D  }
0x11e: {  	s0 =	stileid.u32;
	[bflag:$0x2] =	sbarrier.arrive $0xFFFF  }
0x11f: {  	p0 =	sne.s32 s0, $0x0;
	s0 =	rddreg [dreg:$0x1]  }
0x120: {  	s0 =	sadd.s32 @!p0 $0x100000, s0  }
0x121: {  	[sflag:s0] =	ssyncadd.tile.s32 @!p0 $0x1;
	_ =	shalt  }
.Lfunc_end2:
_tile_overlayer_lowered:
.L_overlay_start_2:
0x122: {  	(tag) =	ssettag $0x2  }
0x123: {  	s0 =	rddreg [dreg:$0x0];
	s2 =	stileid.u32  }
0x124: {  	s1 =	rddreg [dreg:$0x1];
	p0 =	sne.s32 s2, $0x0  }
0x125: {  	s3 =	rddreg [dreg:$0x2];
	[bflag:$0x3] =	sbarrier.arrive $0xFFFF;
	s2 =	simm.s32 @!p0 $0x1C02  }
0x126: {  	[timem:s3], [sflag:s2] =	dma.local @!p0 [hbm:s0], s1  }
0x127: {  	s0 =	simm.s32 @!p0 $0x2  }
0x128: {  	_ =	swait.ge @!p0 [sflag:s0], s1  }
0x129: {  	s1 =	ssub.s32 @!p0 $0x0, s1;
	[sflag:s0] =	ssyncset.done @!p0 $0x0  }
0x12a: {  	[sflag:s0] =	ssyncadd.s32 @!p0 s1  }
0x12b: {  	[bflag:$0x3] =	sbarrier.arrive $0xFFFF  }
0x12c: {  	_ =	shalt  }

// kernel: kernel.21.cloned.1.call-start
scs
__scs_entry_jumppad:
0x0: {  	(pc) =	sbr.rel $0x88, $3  }
0x1: {  	(tag) =	ssettag $0x0;
	lr =	simm.s32 $0x1  }
0x2: {  	[smem:$0x3F9F] =	sst lr;
	_ =	strace $0xD0000000  }
0x3: {  	_ = 	snop  }
0x4: {  	_ = 	snop  }
0x5: {  	_ = 	snop  }
0x6: {  	_ = 	snop  }
0x7: {  	_ = 	snop  }
__scs_overlays_trampoline_lowered:
0x8: {  	[smem:$0x3FAE] =	sst s0  }
0x9: {  	[smem:$0x3FAF] =	sst s1  }
0xa: {  	[smem:$0x3FB0] =	sst s2  }
0xb: {  	[smem:$0x3FB1] =	sst s3  }
0xc: {  	[smem:$0x3FB2] =	sst s4  }
0xd: {  	[smem:$0x3FB3] =	sst s5  }
0xe: {  	[smem:$0x3FB4] =	sst s6  }
0xf: {  	[smem:$0x3FB5] =	sst s7  }
0x10: {  	[smem:$0x3FB6] =	sst s8  }
0x11: {  	[smem:$0x3FB7] =	sst s9;
	s0 =	simm.s32 @!p0 $0x0  }
0x12: {  	s1 =	sld [smem:$0x3F9D];
	s0 =	simm.s32 @p0 $0x1  }
0x13: {  	[smem:$0x3FB8] =	sst s0;
	s0 =	simm.s32 @!p1 $0x0  }
0x14: {  	s2 =	sld [smem:$0x3F9C];
	s0 =	simm.s32 @p1 $0x1  }
0x15: {  	[smem:$0x3FB9] =	sst s0;
	s0 =	simm.s32 @!p2 $0x0  }
0x16: {  	s3 =	sld [smem:$0x3FDB];
	s0 =	simm.s32 @p2 $0x1  }
0x17: {  	s4 =	simm.s32 $0x1BF5;
	[smem:$0x3FBB] =	sst s0  }
0x18: {  	s0 =	sld [smem:$0x3F9E];
	_ =	swait.ge [sflag:s4], $0x0  }
0x19: {  	s7 =	sld [smem:$0x3F9F]  }
0x1a: {  	s8 =	sadd.s32 $0xFFFFE003, lr  }
0x1b: {  	s9 =	sadd.s32 $0xFFFFFEF7, lr;
	s5 =	simm.s32 $0xFFFFFFFF;
	p2 =	slt.u32 s8, $0xFFFFF086  }
0x1c: {  	p1 =	slt.u32 s9, $0xF7A;
	s5 =	simm.s32 @!p2 $0x0  }
0x1d: {  	s5 =	simm.s32 @p1 $0x1;
	p0 =	seq.s32 s7, s2  }
0x1e: {  	s7 =	smul.u32 @!p0 $0xF7A, s2;
	p2 =	seq.s32 @!p0 s5, $0x0  }
0x1f: {  	s9 =	smul.u32 $0xF7A, s1;
	s8 =	simm.s32 @!p0 $0x1BF5;
	p2 =	por !p2, p0  }
0x20: {  	[sflag:s8] =	ssyncset.s32 @!p0 $0xFFFFF086;
	s6 =	sadd.s32 @!p0 s3, s7;
	s7 =	simm.s32 @!p0 $0x108  }
0x21: {  	s3 =	sadd.s32 s3, s9;
	s6 =	sadd.s32 @!p0 $0x88, s6;
	s7 =	simm.s32 @p2 $0x1082  }
0x22: {  	[simem:s7], [sflag:s8] =	dma.local @!p0 [hbm:s6], $0xF7A  }
0x23: {  	s9 =	sor.u32 $0xD0000000, s2;
	s6 =	simm.s32 $0x108;
	_ =	swait.ge @!p0 [sflag:s8], $0x0  }
0x24: {  	s3 =	sadd.s32 $0x88, s3;
	s6 =	simm.s32 @!p1 $0x1082;
	[sflag:s4] =	ssyncset.s32 $0xFFFFF086  }
0x25: {  	[simem:s6], [sflag:s4] =	dma.local [hbm:s3], $0xF7A  }
0x26: {  	[smem:$0x3F9F] =	sst s1;
	(tag) =	ssettag s2;
	_ =	strace s9  }
0x27: {  	s1 =	sld [smem:$0x3FAF]  }
0x28: {  	s2 =	sld [smem:$0x3FB0]  }
0x29: {  	s4 =	sld [smem:$0x3FB2]  }
0x2a: {  	p0 =	seq.s32 s5, $0x0;
	s5 =	sld [smem:$0x3FB3]  }
0x2b: {  	s6 =	sld [smem:$0x3FB4]  }
0x2c: {  	s7 =	sld [smem:$0x3FB5]  }
0x2d: {  	s3 =	simm.s32 $0x108;
	s8 =	sld [smem:$0x3FB6]  }
0x2e: {  	s3 =	simm.s32 @!p0 $0x1082;
	s9 =	sld [smem:$0x3FB7]  }
0x2f: {  	lr =	sadd.s32 s0, s3;
	s0 =	sld [smem:$0x3FAE]  }
0x30: {  	s3 =	sld [smem:$0x3FB1]  }
0x31: {  	[smem:$0x3FBA] =	sst s10  }
0x32: {  	s10 =	sld [smem:$0x3FB8];
	_ =	sdelay $0x3  }
0x33: {  	p0 =	seq.s32 s10, $0x1;
	s10 =	sld [smem:$0x3FBA];
	_ =	sdelay $0x3  }
0x34: {  	[smem:$0x3FBA] =	sst s10  }
0x35: {  	s10 =	sld [smem:$0x3FB9];
	_ =	sdelay $0x3  }
0x36: {  	p1 =	seq.s32 s10, $0x1;
	s10 =	sld [smem:$0x3FBA];
	_ =	sdelay $0x3  }
0x37: {  	[smem:$0x3FBA] =	sst s10  }
0x38: {  	s10 =	sld [smem:$0x3FBB]  }
0x39: {  	_ = 	snop;
	(pc) =	sbr.ind lr, $3  }
0x3a: {  	_ = 	snop  }
0x3b: {  	_ = 	snop  }
0x3c: {  	p2 =	seq.s32 s10, $0x1;
	s10 =	sld [smem:$0x3FBA]  }
0x3d: {  	_ =	shalt  }
0x3e: {  	_ =	shalt  }
0x3f: {  	_ =	shalt  }
0x40: {  	_ =	shalt  }
0x41: {  	_ =	shalt  }
0x42: {  	_ =	shalt  }
0x43: {  	_ =	shalt  }
0x44: {  	_ =	shalt  }
0x45: {  	_ =	shalt  }
0x46: {  	_ =	shalt  }
0x47: {  	_ =	shalt  }
0x48: {  	_ =	shalt  }
0x49: {  	_ =	shalt  }
0x4a: {  	_ =	shalt  }
0x4b: {  	_ =	shalt  }
0x4c: {  	_ =	shalt  }
0x4d: {  	_ =	shalt  }
0x4e: {  	_ =	shalt  }
0x4f: {  	_ =	shalt  }
0x50: {  	_ =	shalt  }
0x51: {  	_ =	shalt  }
0x52: {  	_ =	shalt  }
0x53: {  	_ =	shalt  }
0x54: {  	_ =	shalt  }
0x55: {  	_ =	shalt  }
0x56: {  	_ =	shalt  }
0x57: {  	_ =	shalt  }
0x58: {  	_ =	shalt  }
0x59: {  	_ =	shalt  }
0x5a: {  	_ =	shalt  }
0x5b: {  	_ =	shalt  }
0x5c: {  	_ =	shalt  }
0x5d: {  	_ =	shalt  }
0x5e: {  	_ =	shalt  }
0x5f: {  	_ =	shalt  }
0x60: {  	_ =	shalt  }
0x61: {  	_ =	shalt  }
0x62: {  	_ =	shalt  }
0x63: {  	_ =	shalt  }
0x64: {  	_ =	shalt  }
0x65: {  	_ =	shalt  }
0x66: {  	_ =	shalt  }
0x67: {  	_ =	shalt  }
0x68: {  	_ =	shalt  }
0x69: {  	_ =	shalt  }
0x6a: {  	_ =	shalt  }
0x6b: {  	_ =	shalt  }
0x6c: {  	_ =	shalt  }
0x6d: {  	_ =	shalt  }
0x6e: {  	_ =	shalt  }
0x6f: {  	_ =	shalt  }
0x70: {  	_ =	shalt  }
0x71: {  	_ =	shalt  }
0x72: {  	_ =	shalt  }
0x73: {  	_ =	shalt  }
0x74: {  	_ =	shalt  }
0x75: {  	_ =	shalt  }
0x76: {  	_ =	shalt  }
0x77: {  	_ =	shalt  }
0x78: {  	_ =	shalt  }
0x79: {  	_ =	shalt  }
0x7a: {  	_ =	shalt  }
0x7b: {  	_ =	shalt  }
0x7c: {  	_ =	shalt  }
0x7d: {  	_ =	shalt  }
0x7e: {  	_ =	shalt  }
0x7f: {  	_ =	shalt  }
0x80: {  	_ =	shalt  }
0x81: {  	_ =	shalt  }
0x82: {  	_ =	shalt  }
0x83: {  	_ =	shalt  }
0x84: {  	_ =	shalt  }
0x85: {  	_ =	shalt  }
0x86: {  	_ =	shalt  }
0x87: {  	_ =	shalt  }
.Lfunc_end0:
.L_simem_size_0:
called_computation.3_lowered:
.L_overlay_start_0:
0x88: {  	s2 =	sld [smem:$0x3FD9]  }
0x89: {  	s3 =	sld [smem:$0x3FFE];
	_ =	sdelay $0x1  }
0x8a: {  	s1 =	srdreg.scid  }
0x8b: {  	s0 =	sand.u32 $0x1, s1  }
0x8c: {  	s16 =	sshll.u32 s0, $0xA;
	s2 =	sadd.s32 s3, s2  }
0x8d: {  	s2 =	sadd.s32 s2, s16  }
0x8e: {  	[smem:$0x3FC6] =	sst s2  }
0x8f: {  	_ = 	snop  }
0x90: {  	(tm) =	ssettm $0x1  }
0x91: {  	s17 =	sld [smem:$0x3FFB];
	_ =	sdelay $0x3  }
0x92: {  	_ =	strace s17  }
0x93: {  	s2 =	sld [smem:$0x3FFC];
	_ =	sdelay $0x3  }
0x94: {  	_ =	strace s2  }
0x95: {  	s2 =	sld [smem:$0x3FFD];
	_ =	sdelay $0x3  }
0x96: {  	_ =	strace s2  }
0x97: {  	_ =	strace $0x8FFFFFFF  }
0x98: {  	s18 =	sld [smem:$0x3FDB];
	_ =	sdelay $0x1  }
0x99: {  	s19 =	simm.s32 $_scs_section_size  }
0x9a: {  	s4 =	simm.s32 $_size__tile_overlayer_lowered;
	s5 =	simm.s32 $_tile_overlayer_lowered  }
0x9b: {  	s22 =	simm.s32 $0x1BFF;
	s21 =	sshll.u32 s5, $0x1;
	s2 =	sadd.s32 s19, s18  }
0x9c: {  	s6 =	simm.s32 $0x0;
	s20 =	sshll.u32 s4, $0x1;
	s4 =	sadd.s32 s21, s2  }
0x9d: {  	[timem:s6], [sflag:s22] =	dma.local [hbm:s4], s20  }
0x9e: {  	_ =	swait.ge [sflag:s22], s20  }
0x9f: {  	s3 =	ssub.s32 $0x0, s20;
	[sflag:s22] =	ssyncset.done $0x0  }
0xa0: {  	[sflag:s22] =	ssyncadd.s32 s3;
	_ =	sdelay $0x1  }
0xa1: {  	s23 =	simm.s32 $0x1B8B  }
0xa2: {  	_ =	swait.ge [sflag:s23], $0x1  }
0xa3: {  	[sflag:s23] =	ssyncset.done $0x0  }
0xa4: {  	s25 =	simm.s32 $0x1B8E;
	s24 =	sld [smem:$0x3FFE];
	[sflag:s23] =	ssyncadd.s32 $0xFFFFFFFF  }
0xa5: {  	s26 =	simm.s32 $execute0_lowered;
	[smem:$0x3FD2] =	sst s25  }
0xa6: {  	s4 =	sshll.u32 s26, $0x1;
	_ =	strace $0x8000004F;
	[dreg:$0x1] =	wrdreg $0xFFFFFFFF  }
0xa7: {  	s28 =	simm.s32 $_size_execute0_lowered;
	s2 =	sadd.s32 s2, s4;
	[dreg:$0x0] =	wrdreg $0x0  }
0xa8: {  	s4 =	sshll.u32 s28, $0x1;
	[dreg:$0x2] =	wrdreg s2  }
0xa9: {  	[dreg:$0x3] =	wrdreg s4  }
0xaa: {  	[dreg:$0x4] =	wrdreg $0xC0  }
0xab: {  	_ =	task [dreg:s6], $0x5FFFF  }
0xac: {  	[dreg:$0x1] =	wrdreg $0xFFFFFFFF  }
0xad: {  	[dreg:$0x0] =	wrdreg $0x60  }
0xae: {  	[dreg:$0x2] =	wrdreg s24  }
0xaf: {  	[dreg:$0x3] =	wrdreg $0x9  }
0xb0: {  	_ =	task.clear_ibuf [dreg:s6], $0x4FFFF;
	_ =	strace $0x9000004F  }
0xb1: {  	s29 =	simm.s32 $0x9;
	_ =	strace $0x80000051  }
0xb2: {  	_ =	swait.ge [sflag:s29], $0x1  }
0xb3: {  	[sflag:s29] =	ssyncadd.s32 $0xFFFFFFFF  }
0xb4: {  	_ =	strace $0x90000051  }
0xb5: {  	_ =	sfence  }
0xb6: {  	s30 =	sld [smem:$0x0];
	_ =	sdelay $0x2  }
0xb7: {  	s31 =	sshll.u32 s1, $0xD;
	s1 =	sshrl.u32 s1, $0x2  }
0xb8: {  	s3 =	sand.u32 $0x4000, s31;
	s1 =	sadd.s32 s1, s30  }
0xb9: {  	s0 =	sor.u32 s3, s0;
	s1 =	sshll.u32 s1, $0x11  }
0xba: {  	s0 =	sor.u32 s1, s0  }
0xbb: {  	s0 =	sadd.s32 $0x8F2B, s0  }
0xbc: {  	[sflag:s0] =	ssyncadd.remote.s32 $0x1  }
0xbd: {  	_ =	sfence.sel $0xFFFF  }
0xbe: {  	[dreg:$0x0] =	wrdreg $0xFFFFFFFF;
	(pc) =	sbr.abs _section_cstart, $3  }
0xbf: {  	[dreg:$0x1] =	wrdreg $0xFFFFFFFF  }
0xc0: {  	_ =	task.clear_ibuf [dreg:s6], $0x2FFFF;
	_ =	strace $0x9FFFFFFF  }
0xc1: {  	(tm) =	ssettm $0x7FFFFFFF  }
tec
execute0_lowered:
.L_overlay_start_1:
0x0: {  	(tag) =	ssettag $0x1  }
0x1: {  	s0 =	rddreg [dreg:$0x0]  }
0x2: {  	s1 =	simm.s32 $0x0;
	s2 =	srdreg.scid;
	s5 =	stileid.u32  }
0x3: {  	s14 =	simm.s32 $0x1;
	s16 =	simm.s32 $0x880;
	s17 =	simm.s32 $0x1080  }
0x4: {  	s18 =	simm.s32 $0x1880;
	s19 =	simm.s32 $0x2080;
	s20 =	simm.s32 $0x2880  }
0x5: {  	s21 =	simm.s32 $0x3080;
	s28 =	simm.s32 $0x6080;
	s29 =	simm.s32 $0x6880  }
0x6: {  	s30 =	simm.s32 $0x7080;
	s31 =	simm.s32 $0x7880;
	s9 =	simm.s32 $0x9880  }
0x7: {  	s10 =	simm.s32 $0xA080;
	s11 =	simm.s32 $0xA880;
	s12 =	simm.s32 $0xB080  }
0x8: {  	s13 =	simm.s32 $0xB880;
	[smem:$0x7FF] =	sst s1;
	s3 =	sadd.s32 $0x4000, s0  }
0x9: {  	s2 =	sand.u32 $0x1, s2;
	s5 =	sshll.u32 s5, $0x9;
	s6 =	sadd.s32 $0x2C000, s0  }
0xa: {  	s22 =	sadd.s32 $0x1EC400, s0;
	s4 =	ssub.s32 $0x2, s2;
	s2 =	sshll.u32 s2, $0x8  }
0xb: {  	_ =	strace $0x80000050;
	s7 =	sshrl.u32 s4, $0x1;
	s2 =	sor.u32 s2, s5  }
0xc: {  	s7 =	ssub.s32 s4, s7;
	s23 =	sshrl.u32 s2, $0x3;
	s8 =	sshll.u32 s2, $0x6  }
0xd: {  	s2 =	sor.u32 $0x80, s2;
	s4 =	sadd.s32 s6, s23;
	s24 =	sadd.s32 s22, s8  }
0xe: {  	s25 =	sshrl.u32 s2, $0x3;
	s2 =	sshll.u32 s2, $0x6;
	s5 =	smax.u32 s7, $0x1  }
0xf: {  	s23 =	simm.s32 $0x4080;
	s8 =	simm.s32 $0x9080;
	[dreg:$0x2] =	wrdreg s4  }
0x10: {  	s7 =	simm.s32 $0xC080;
	[dreg:$0x3] =	wrdreg s24;
	s6 =	sadd.s32 s6, s25  }
0x11: {  	v2 =	vlaneseq.u32;
	s4 =	sadd.s32 $0x4100, s0;
	s26 =	sadd.s32 s22, s2;
	s22 =	simm.s32 $0x3880  }
0x12: {  	vm0 =	vmmov $0xffff;
	v1 =	vshrl.u32 v2, $0x3;
	s24 =	simm.s32 $0x4880;
	s25 =	simm.s32 $0x5080;
	[dreg:$0x4] =	wrdreg s6  }
0x13: {  	v0 =	vand.u32 $0x7, v2;
	v2 =	vor.u32 $0x8, v2;
	v1 =	vmul.u32 $0x8, v1;
	[dreg:$0x5] =	wrdreg s26;
	s6 =	simm.s32 $0x2;
	s26 =	simm.s32 $0x5880  }
.LBB2_1:
0x14: {  	s15 =	rddreg [dreg:$0x2]  }
0x15: {  	[tilespmem:s1], [sflag:$0x2] =	stream.linear.gather [hbm4b:s15+s1], $0x80, $0x38;
	[tilespmem:$0x10080] =	vst v63  }
0x16: {  	_ =	swait.ge [sflag:s6], $0x80  }
0x17: {  	[sflag:s6] =	ssyncset.done $0x0  }
0x18: {  	[sflag:s6] =	ssyncadd.s32 $0xFFFFFF80  }
0x19: {  	v3 =	vld [tilespmem:$0x0];
	_ =	sdelay $0x4  }
0x1a: {  	v4 =	vshll.u32 v3, $0x2  }
0x1b: {  	v3 =	vand.u32 $0x7, v3;
	v4 =	vand.u32 $0xFFFFFFE0, v4  }
0x1c: {  	v3 =	vor.u32 v3, v4  }
0x1d: {  	v4 =	vperm.xlane v3, v0;
	_ =	sdelay $0x1  }
0x1e: {  	v4 =	vadd.s32 v1, v4;
	_ =	sdelay $0x1  }
0x1f: {  	v3 =	vperm.xlane v3, v2;
	_ =	sdelay $0x1  }
0x20: {  	s0 =	simm.s32 $0x80;
	v3 =	vadd.s32 v1, v3  }
0x21: {  	[tilespmem:s0], [sflag:$0x1] =	stream.indirect_vreg.gather [hbm4b:s3+s1], $0x80, v4, vm0, $0xb8;
	[tilespmem:$0x10080] =	vst v63  }
0x22: {  	_ = 	snop  }
0x23: {  	[tilespmem:s16], [sflag:$0x1] =	stream.indirect_vreg.gather [hbm4b:s4+s1], $0x80, v4, vm0, $0xb8;
	[tilespmem:$0x10080] =	vst v63  }
0x24: {  	_ = 	snop  }
0x25: {  	[tilespmem:s17], [sflag:$0x1] =	stream.indirect_vreg.gather [hbm4b:s3+s1], $0x80, v3, vm0, $0xb8;
	[tilespmem:$0x10080] =	vst v63  }
0x26: {  	_ = 	snop  }
0x27: {  	[tilespmem:s18], [sflag:$0x1] =	stream.indirect_vreg.gather [hbm4b:s4+s1], $0x80, v3, vm0, $0xb8;
	[tilespmem:$0x10080] =	vst v63  }
0x28: {  	v3 =	vld [tilespmem:$0x10];
	_ =	sdelay $0x4  }
0x29: {  	v49 =	vshll.u32 v3, $0x2  }
0x2a: {  	v3 =	vand.u32 $0x7, v3;
	v4 =	vand.u32 $0xFFFFFFE0, v49  }
0x2b: {  	v3 =	vor.u32 v3, v4  }
0x2c: {  	v4 =	vperm.xlane v3, v0;
	_ =	sdelay $0x1  }
0x2d: {  	v4 =	vadd.s32 v1, v4;
	_ =	sdelay $0x1  }
0x2e: {  	v3 =	vperm.xlane v3, v2;
	_ =	sdelay $0x1  }
0x2f: {  	v3 =	vadd.s32 v1, v3  }
0x30: {  	[tilespmem:s19], [sflag:$0x1] =	stream.indirect_vreg.gather [hbm4b:s3+s1], $0x80, v4, vm0, $0xb8;
	[tilespmem:$0x10080] =	vst v63  }
0x31: {  	_ = 	snop  }
0x32: {  	[tilespmem:s20], [sflag:$0x1] =	stream.indirect_vreg.gather [hbm4b:s4+s1], $0x80, v4, vm0, $0xb8;
	[tilespmem:$0x10080] =	vst v63  }
0x33: {  	_ = 	snop  }
0x34: {  	[tilespmem:s21], [sflag:$0x1] =	stream.indirect_vreg.gather [hbm4b:s3+s1], $0x80, v3, vm0, $0xb8;
	[tilespmem:$0x10080] =	vst v63  }
0x35: {  	_ = 	snop  }
0x36: {  	[tilespmem:s22], [sflag:$0x1] =	stream.indirect_vreg.gather [hbm4b:s4+s1], $0x80, v3, vm0, $0xb8;
	[tilespmem:$0x10080] =	vst v63  }
0x37: {  	v3 =	vld [tilespmem:$0x20];
	_ =	sdelay $0x4  }
0x38: {  	v50 =	vshll.u32 v3, $0x2  }
0x39: {  	v3 =	vand.u32 $0x7, v3;
	v4 =	vand.u32 $0xFFFFFFE0, v50  }
0x3a: {  	v3 =	vor.u32 v3, v4  }
0x3b: {  	v4 =	vperm.xlane v3, v0;
	_ =	sdelay $0x1  }
0x3c: {  	v4 =	vadd.s32 v1, v4;
	_ =	sdelay $0x1  }
0x3d: {  	v3 =	vperm.xlane v3, v2;
	_ =	sdelay $0x1  }
0x3e: {  	v3 =	vadd.s32 v1, v3  }
0x3f: {  	[tilespmem:s23], [sflag:$0x1] =	stream.indirect_vreg.gather [hbm4b:s3+s1], $0x80, v4, vm0, $0xb8;
	[tilespmem:$0x10080] =	vst v63  }
0x40: {  	_ = 	snop  }
0x41: {  	[tilespmem:s24], [sflag:$0x1] =	stream.indirect_vreg.gather [hbm4b:s4+s1], $0x80, v4, vm0, $0xb8;
	[tilespmem:$0x10080] =	vst v63  }
0x42: {  	_ = 	snop  }
0x43: {  	[tilespmem:s25], [sflag:$0x1] =	stream.indirect_vreg.gather [hbm4b:s3+s1], $0x80, v3, vm0, $0xb8;
	[tilespmem:$0x10080] =	vst v63  }
0x44: {  	_ = 	snop  }
0x45: {  	[tilespmem:s26], [sflag:$0x1] =	stream.indirect_vreg.gather [hbm4b:s4+s1], $0x80, v3, vm0, $0xb8;
	[tilespmem:$0x10080] =	vst v63  }
0x46: {  	v3 =	vld [tilespmem:$0x30];
	_ =	sdelay $0x4  }
0x47: {  	v51 =	vshll.u32 v3, $0x2  }
0x48: {  	v3 =	vand.u32 $0x7, v3;
	v4 =	vand.u32 $0xFFFFFFE0, v51  }
0x49: {  	v3 =	vor.u32 v3, v4  }
0x4a: {  	v4 =	vperm.xlane v3, v0;
	_ =	sdelay $0x1  }
0x4b: {  	v4 =	vadd.s32 v1, v4;
	_ =	sdelay $0x1  }
0x4c: {  	v3 =	vperm.xlane v3, v2;
	_ =	sdelay $0x1  }
0x4d: {  	v3 =	vadd.s32 v1, v3  }
0x4e: {  	[tilespmem:s28], [sflag:$0x1] =	stream.indirect_vreg.gather [hbm4b:s3+s1], $0x80, v4, vm0, $0xb8;
	[tilespmem:$0x10080] =	vst v63  }
0x4f: {  	_ = 	snop  }
0x50: {  	[tilespmem:s29], [sflag:$0x1] =	stream.indirect_vreg.gather [hbm4b:s4+s1], $0x80, v4, vm0, $0xb8;
	[tilespmem:$0x10080] =	vst v63  }
0x51: {  	_ = 	snop  }
0x52: {  	[tilespmem:s30], [sflag:$0x1] =	stream.indirect_vreg.gather [hbm4b:s3+s1], $0x80, v3, vm0, $0xb8;
	[tilespmem:$0x10080] =	vst v63  }
0x53: {  	_ = 	snop  }
0x54: {  	[tilespmem:s31], [sflag:$0x1] =	stream.indirect_vreg.gather [hbm4b:s4+s1], $0x80, v3, vm0, $0xb8;
	[tilespmem:$0x10080] =	vst v63  }
0x55: {  	v3 =	vld [tilespmem:$0x40];
	_ =	sdelay $0x4  }
0x56: {  	v52 =	vshll.u32 v3, $0x2  }
0x57: {  	v3 =	vand.u32 $0x7, v3;
	v4 =	vand.u32 $0xFFFFFFE0, v52  }
0x58: {  	v3 =	vor.u32 v3, v4  }
0x59: {  	v4 =	vperm.xlane v3, v0;
	_ =	sdelay $0x1  }
0x5a: {  	v4 =	vadd.s32 v1, v4;
	_ =	sdelay $0x1  }
0x5b: {  	v3 =	vperm.xlane v3, v2;
	_ =	sdelay $0x1  }
0x5c: {  	s2 =	simm.s32 $0x8080;
	v3 =	vadd.s32 v1, v3  }
0x5d: {  	[tilespmem:s2], [sflag:$0x1] =	stream.indirect_vreg.gather [hbm4b:s3+s1], $0x80, v4, vm0, $0xb8;
	[tilespmem:$0x10080] =	vst v63  }
0x5e: {  	s2 =	simm.s32 $0x8880  }
0x5f: {  	[tilespmem:s2], [sflag:$0x1] =	stream.indirect_vreg.gather [hbm4b:s4+s1], $0x80, v4, vm0, $0xb8;
	[tilespmem:$0x10080] =	vst v63  }
0x60: {  	_ = 	snop  }
0x61: {  	[tilespmem:s8], [sflag:$0x1] =	stream.indirect_vreg.gather [hbm4b:s3+s1], $0x80, v3, vm0, $0xb8;
	[tilespmem:$0x10080] =	vst v63  }
0x62: {  	_ = 	snop  }
0x63: {  	[tilespmem:s9], [sflag:$0x1] =	stream.indirect_vreg.gather [hbm4b:s4+s1], $0x80, v3, vm0, $0xb8;
	[tilespmem:$0x10080] =	vst v63  }
0x64: {  	v3 =	vld [tilespmem:$0x50];
	_ =	sdelay $0x4  }
0x65: {  	v53 =	vshll.u32 v3, $0x2  }
0x66: {  	v3 =	vand.u32 $0x7, v3;
	v4 =	vand.u32 $0xFFFFFFE0, v53  }
0x67: {  	v3 =	vor.u32 v3, v4  }
0x68: {  	v4 =	vperm.xlane v3, v0;
	_ =	sdelay $0x1  }
0x69: {  	v4 =	vadd.s32 v1, v4;
	_ =	sdelay $0x1  }
0x6a: {  	v3 =	vperm.xlane v3, v2;
	_ =	sdelay $0x1  }
0x6b: {  	v3 =	vadd.s32 v1, v3  }
0x6c: {  	[tilespmem:s10], [sflag:$0x1] =	stream.indirect_vreg.gather [hbm4b:s3+s1], $0x80, v4, vm0, $0xb8;
	[tilespmem:$0x10080] =	vst v63  }
0x6d: {  	_ = 	snop  }
0x6e: {  	[tilespmem:s11], [sflag:$0x1] =	stream.indirect_vreg.gather [hbm4b:s4+s1], $0x80, v4, vm0, $0xb8;
	[tilespmem:$0x10080] =	vst v63  }
0x6f: {  	_ = 	snop  }
0x70: {  	[tilespmem:s12], [sflag:$0x1] =	stream.indirect_vreg.gather [hbm4b:s3+s1], $0x80, v3, vm0, $0xb8;
	[tilespmem:$0x10080] =	vst v63  }
0x71: {  	_ = 	snop  }
0x72: {  	[tilespmem:s13], [sflag:$0x1] =	stream.indirect_vreg.gather [hbm4b:s4+s1], $0x80, v3, vm0, $0xb8;
	[tilespmem:$0x10080] =	vst v63  }
0x73: {  	v3 =	vld [tilespmem:$0x60];
	_ =	sdelay $0x4  }
0x74: {  	v54 =	vshll.u32 v3, $0x2  }
0x75: {  	v3 =	vand.u32 $0x7, v3;
	v4 =	vand.u32 $0xFFFFFFE0, v54  }
0x76: {  	v3 =	vor.u32 v3, v4  }
0x77: {  	v4 =	vperm.xlane v3, v0;
	_ =	sdelay $0x1  }
0x78: {  	v4 =	vadd.s32 v1, v4;
	_ =	sdelay $0x1  }
0x79: {  	v3 =	vperm.xlane v3, v2;
	_ =	sdelay $0x1  }
0x7a: {  	v3 =	vadd.s32 v1, v3  }
0x7b: {  	[tilespmem:s7], [sflag:$0x1] =	stream.indirect_vreg.gather [hbm4b:s3+s1], $0x80, v4, vm0, $0xb8;
	[tilespmem:$0x10080] =	vst v63  }
0x7c: {  	s15 =	simm.s32 $0xC880  }
0x7d: {  	[tilespmem:s15], [sflag:$0x1] =	stream.indirect_vreg.gather [hbm4b:s4+s1], $0x80, v4, vm0, $0xb8;
	[tilespmem:$0x10080] =	vst v63  }
0x7e: {  	s15 =	simm.s32 $0xD080  }
0x7f: {  	[tilespmem:s15], [sflag:$0x1] =	stream.indirect_vreg.gather [hbm4b:s3+s1], $0x80, v3, vm0, $0xb8;
	[tilespmem:$0x10080] =	vst v63  }
0x80: {  	s15 =	simm.s32 $0xD880  }
0x81: {  	[tilespmem:s15], [sflag:$0x1] =	stream.indirect_vreg.gather [hbm4b:s4+s1], $0x80, v3, vm0, $0xb8;
	[tilespmem:$0x10080] =	vst v63  }
0x82: {  	v3 =	vld [tilespmem:$0x70];
	_ =	sdelay $0x4  }
0x83: {  	v55 =	vshll.u32 v3, $0x2  }
0x84: {  	v3 =	vand.u32 $0x7, v3;
	v4 =	vand.u32 $0xFFFFFFE0, v55  }
0x85: {  	v3 =	vor.u32 v3, v4  }
0x86: {  	v4 =	vperm.xlane v3, v0;
	_ =	sdelay $0x1  }
0x87: {  	v4 =	vadd.s32 v1, v4;
	_ =	sdelay $0x1  }
0x88: {  	v3 =	vperm.xlane v3, v2;
	_ =	sdelay $0x1  }
0x89: {  	s15 =	simm.s32 $0xE080;
	v3 =	vadd.s32 v1, v3  }
0x8a: {  	[tilespmem:s15], [sflag:$0x1] =	stream.indirect_vreg.gather [hbm4b:s3+s1], $0x80, v4, vm0, $0xb8;
	[tilespmem:$0x10080] =	vst v63  }
0x8b: {  	s15 =	simm.s32 $0xE880  }
0x8c: {  	[tilespmem:s15], [sflag:$0x1] =	stream.indirect_vreg.gather [hbm4b:s4+s1], $0x80, v4, vm0, $0xb8;
	[tilespmem:$0x10080] =	vst v63  }
0x8d: {  	s15 =	simm.s32 $0xF080  }
0x8e: {  	[tilespmem:s15], [sflag:$0x1] =	stream.indirect_vreg.gather [hbm4b:s3+s1], $0x80, v3, vm0, $0xb8;
	[tilespmem:$0x10080] =	vst v63  }
0x8f: {  	s15 =	simm.s32 $0xF880  }
0x90: {  	[tilespmem:s15], [sflag:$0x1] =	stream.indirect_vreg.gather [hbm4b:s4+s1], $0x80, v3, vm0, $0xb8;
	[tilespmem:$0x10080] =	vst v63  }
0x91: {  	_ =	swait.ge [sflag:s14], $0x10000  }
0x92: {  	[sflag:s14] =	ssyncset.done $0x0  }
0x93: {  	s0 =	simm.s32 $0x80;
	s15 =	rddreg [dreg:$0x3];
	[sflag:s14] =	ssyncadd.s32 $0xFFFF0000  }
0x94: {  	[hbm4b:s15+s1] =	stream.linear.scatter [tilespmem:s0], [sflag:$0x2], $0x10000, $0x38;
	[tilespmem:$0x10080] =	vst v63  }
0x95: {  	_ =	swait.ge [sflag:s6], $0x10000  }
0x96: {  	[sflag:s6] =	ssyncset.done $0x0  }
0x97: {  	s15 =	rddreg [dreg:$0x4];
	[sflag:s6] =	ssyncadd.s32 $0xFFFF0000  }
0x98: {  	[tilespmem:s1], [sflag:$0x2] =	stream.linear.gather [hbm4b:s15+s1], $0x80, $0x38;
	[tilespmem:$0x10080] =	vst v63  }
0x99: {  	_ =	swait.ge [sflag:s6], $0x80  }
0x9a: {  	[sflag:s6] =	ssyncset.done $0x0  }
0x9b: {  	[sflag:s6] =	ssyncadd.s32 $0xFFFFFF80  }
0x9c: {  	v3 =	vld [tilespmem:$0x0];
	_ =	sdelay $0x4  }
0x9d: {  	v56 =	vshll.u32 v3, $0x2  }
0x9e: {  	v3 =	vand.u32 $0x7, v3;
	v4 =	vand.u32 $0xFFFFFFE0, v56  }
0x9f: {  	v3 =	vor.u32 v3, v4  }
0xa0: {  	v4 =	vperm.xlane v3, v0;
	_ =	sdelay $0x1  }
0xa1: {  	v4 =	vadd.s32 v1, v4;
	_ =	sdelay $0x1  }
0xa2: {  	v3 =	vperm.xlane v3, v2;
	_ =	sdelay $0x1  }
0xa3: {  	v3 =	vadd.s32 v1, v3  }
0xa4: {  	[tilespmem:s0], [sflag:$0x1] =	stream.indirect_vreg.gather [hbm4b:s3+s1], $0x80, v4, vm0, $0xb8;
	[tilespmem:$0x10080] =	vst v63  }
0xa5: {  	_ = 	snop  }
0xa6: {  	[tilespmem:s16], [sflag:$0x1] =	stream.indirect_vreg.gather [hbm4b:s4+s1], $0x80, v4, vm0, $0xb8;
	[tilespmem:$0x10080] =	vst v63  }
0xa7: {  	_ = 	snop  }
0xa8: {  	[tilespmem:s17], [sflag:$0x1] =	stream.indirect_vreg.gather [hbm4b:s3+s1], $0x80, v3, vm0, $0xb8;
	[tilespmem:$0x10080] =	vst v63  }
0xa9: {  	_ = 	snop  }
0xaa: {  	[tilespmem:s18], [sflag:$0x1] =	stream.indirect_vreg.gather [hbm4b:s4+s1], $0x80, v3, vm0, $0xb8;
	[tilespmem:$0x10080] =	vst v63  }
0xab: {  	v3 =	vld [tilespmem:$0x10];
	_ =	sdelay $0x4  }
0xac: {  	v57 =	vshll.u32 v3, $0x2  }
0xad: {  	v3 =	vand.u32 $0x7, v3;
	v4 =	vand.u32 $0xFFFFFFE0, v57  }
0xae: {  	v3 =	vor.u32 v3, v4  }
0xaf: {  	v4 =	vperm.xlane v3, v0;
	_ =	sdelay $0x1  }
0xb0: {  	v4 =	vadd.s32 v1, v4;
	_ =	sdelay $0x1  }
0xb1: {  	v3 =	vperm.xlane v3, v2;
	_ =	sdelay $0x1  }
0xb2: {  	v3 =	vadd.s32 v1, v3  }
0xb3: {  	[tilespmem:s19], [sflag:$0x1] =	stream.indirect_vreg.gather [hbm4b:s3+s1], $0x80, v4, vm0, $0xb8;
	[tilespmem:$0x10080] =	vst v63  }
0xb4: {  	_ = 	snop  }
0xb5: {  	[tilespmem:s20], [sflag:$0x1] =	stream.indirect_vreg.gather [hbm4b:s4+s1], $0x80, v4, vm0, $0xb8;
	[tilespmem:$0x10080] =	vst v63  }
0xb6: {  	_ = 	snop  }
0xb7: {  	[tilespmem:s21], [sflag:$0x1] =	stream.indirect_vreg.gather [hbm4b:s3+s1], $0x80, v3, vm0, $0xb8;
	[tilespmem:$0x10080] =	vst v63  }
0xb8: {  	_ = 	snop  }
0xb9: {  	[tilespmem:s22], [sflag:$0x1] =	stream.indirect_vreg.gather [hbm4b:s4+s1], $0x80, v3, vm0, $0xb8;
	[tilespmem:$0x10080] =	vst v63  }
0xba: {  	v3 =	vld [tilespmem:$0x20];
	_ =	sdelay $0x4  }
0xbb: {  	v58 =	vshll.u32 v3, $0x2  }
0xbc: {  	v3 =	vand.u32 $0x7, v3;
	v4 =	vand.u32 $0xFFFFFFE0, v58  }
0xbd: {  	v3 =	vor.u32 v3, v4  }
0xbe: {  	v4 =	vperm.xlane v3, v0;
	_ =	sdelay $0x1  }
0xbf: {  	v4 =	vadd.s32 v1, v4;
	_ =	sdelay $0x1  }
0xc0: {  	v3 =	vperm.xlane v3, v2;
	_ =	sdelay $0x1  }
0xc1: {  	v3 =	vadd.s32 v1, v3  }
0xc2: {  	[tilespmem:s23], [sflag:$0x1] =	stream.indirect_vreg.gather [hbm4b:s3+s1], $0x80, v4, vm0, $0xb8;
	[tilespmem:$0x10080] =	vst v63  }
0xc3: {  	_ = 	snop  }
0xc4: {  	[tilespmem:s24], [sflag:$0x1] =	stream.indirect_vreg.gather [hbm4b:s4+s1], $0x80, v4, vm0, $0xb8;
	[tilespmem:$0x10080] =	vst v63  }
0xc5: {  	_ = 	snop  }
0xc6: {  	[tilespmem:s25], [sflag:$0x1] =	stream.indirect_vreg.gather [hbm4b:s3+s1], $0x80, v3, vm0, $0xb8;
	[tilespmem:$0x10080] =	vst v63  }
0xc7: {  	_ = 	snop  }
0xc8: {  	[tilespmem:s26], [sflag:$0x1] =	stream.indirect_vreg.gather [hbm4b:s4+s1], $0x80, v3, vm0, $0xb8;
	[tilespmem:$0x10080] =	vst v63  }
0xc9: {  	v3 =	vld [tilespmem:$0x30];
	_ =	sdelay $0x4  }
0xca: {  	v59 =	vshll.u32 v3, $0x2  }
0xcb: {  	v3 =	vand.u32 $0x7, v3;
	v4 =	vand.u32 $0xFFFFFFE0, v59  }
0xcc: {  	v3 =	vor.u32 v3, v4  }
0xcd: {  	v4 =	vperm.xlane v3, v0;
	_ =	sdelay $0x1  }
0xce: {  	v4 =	vadd.s32 v1, v4;
	_ =	sdelay $0x1  }
0xcf: {  	v3 =	vperm.xlane v3, v2;
	_ =	sdelay $0x1  }
0xd0: {  	v3 =	vadd.s32 v1, v3  }
0xd1: {  	[tilespmem:s28], [sflag:$0x1] =	stream.indirect_vreg.gather [hbm4b:s3+s1], $0x80, v4, vm0, $0xb8;
	[tilespmem:$0x10080] =	vst v63  }
0xd2: {  	_ = 	snop  }
0xd3: {  	[tilespmem:s29], [sflag:$0x1] =	stream.indirect_vreg.gather [hbm4b:s4+s1], $0x80, v4, vm0, $0xb8;
	[tilespmem:$0x10080] =	vst v63  }
0xd4: {  	_ = 	snop  }
0xd5: {  	[tilespmem:s30], [sflag:$0x1] =	stream.indirect_vreg.gather [hbm4b:s3+s1], $0x80, v3, vm0, $0xb8;
	[tilespmem:$0x10080] =	vst v63  }
0xd6: {  	_ = 	snop  }
0xd7: {  	[tilespmem:s31], [sflag:$0x1] =	stream.indirect_vreg.gather [hbm4b:s4+s1], $0x80, v3, vm0, $0xb8;
	[tilespmem:$0x10080] =	vst v63  }
0xd8: {  	v3 =	vld [tilespmem:$0x40];
	_ =	sdelay $0x4  }
0xd9: {  	v60 =	vshll.u32 v3, $0x2  }
0xda: {  	v3 =	vand.u32 $0x7, v3;
	v4 =	vand.u32 $0xFFFFFFE0, v60  }
0xdb: {  	v3 =	vor.u32 v3, v4  }
0xdc: {  	v4 =	vperm.xlane v3, v0;
	_ =	sdelay $0x1  }
0xdd: {  	v4 =	vadd.s32 v1, v4;
	_ =	sdelay $0x1  }
0xde: {  	v3 =	vperm.xlane v3, v2;
	_ =	sdelay $0x1  }
0xdf: {  	s15 =	simm.s32 $0x8080;
	v3 =	vadd.s32 v1, v3  }
0xe0: {  	[tilespmem:s15], [sflag:$0x1] =	stream.indirect_vreg.gather [hbm4b:s3+s1], $0x80, v4, vm0, $0xb8;
	[tilespmem:$0x10080] =	vst v63  }
0xe1: {  	_ = 	snop  }
0xe2: {  	[tilespmem:s2], [sflag:$0x1] =	stream.indirect_vreg.gather [hbm4b:s4+s1], $0x80, v4, vm0, $0xb8;
	[tilespmem:$0x10080] =	vst v63  }
0xe3: {  	_ = 	snop  }
0xe4: {  	[tilespmem:s8], [sflag:$0x1] =	stream.indirect_vreg.gather [hbm4b:s3+s1], $0x80, v3, vm0, $0xb8;
	[tilespmem:$0x10080] =	vst v63  }
0xe5: {  	_ = 	snop  }
0xe6: {  	[tilespmem:s9], [sflag:$0x1] =	stream.indirect_vreg.gather [hbm4b:s4+s1], $0x80, v3, vm0, $0xb8;
	[tilespmem:$0x10080] =	vst v63  }
0xe7: {  	v3 =	vld [tilespmem:$0x50];
	_ =	sdelay $0x4  }
0xe8: {  	v61 =	vshll.u32 v3, $0x2  }
0xe9: {  	v3 =	vand.u32 $0x7, v3;
	v4 =	vand.u32 $0xFFFFFFE0, v61  }
0xea: {  	v3 =	vor.u32 v3, v4  }
0xeb: {  	v4 =	vperm.xlane v3, v0;
	_ =	sdelay $0x1  }
0xec: {  	v4 =	vadd.s32 v1, v4;
	_ =	sdelay $0x1  }
0xed: {  	v3 =	vperm.xlane v3, v2;
	_ =	sdelay $0x1  }
0xee: {  	v3 =	vadd.s32 v1, v3  }
0xef: {  	[tilespmem:s10], [sflag:$0x1] =	stream.indirect_vreg.gather [hbm4b:s3+s1], $0x80, v4, vm0, $0xb8;
	[tilespmem:$0x10080] =	vst v63  }
0xf0: {  	_ = 	snop  }
0xf1: {  	[tilespmem:s11], [sflag:$0x1] =	stream.indirect_vreg.gather [hbm4b:s4+s1], $0x80, v4, vm0, $0xb8;
	[tilespmem:$0x10080] =	vst v63  }
0xf2: {  	_ = 	snop  }
0xf3: {  	[tilespmem:s12], [sflag:$0x1] =	stream.indirect_vreg.gather [hbm4b:s3+s1], $0x80, v3, vm0, $0xb8;
	[tilespmem:$0x10080] =	vst v63  }
0xf4: {  	_ = 	snop  }
0xf5: {  	[tilespmem:s13], [sflag:$0x1] =	stream.indirect_vreg.gather [hbm4b:s4+s1], $0x80, v3, vm0, $0xb8;
	[tilespmem:$0x10080] =	vst v63  }
0xf6: {  	v3 =	vld [tilespmem:$0x60];
	_ =	sdelay $0x4  }
0xf7: {  	v62 =	vshll.u32 v3, $0x2  }
0xf8: {  	v3 =	vand.u32 $0x7, v3;
	v4 =	vand.u32 $0xFFFFFFE0, v62  }
0xf9: {  	v3 =	vor.u32 v3, v4  }
0xfa: {  	v4 =	vperm.xlane v3, v0;
	_ =	sdelay $0x1  }
0xfb: {  	v4 =	vadd.s32 v1, v4;
	_ =	sdelay $0x1  }
0xfc: {  	v3 =	vperm.xlane v3, v2;
	_ =	sdelay $0x1  }
0xfd: {  	v3 =	vadd.s32 v1, v3  }
0xfe: {  	[tilespmem:s7], [sflag:$0x1] =	stream.indirect_vreg.gather [hbm4b:s3+s1], $0x80, v4, vm0, $0xb8;
	[tilespmem:$0x10080] =	vst v63  }
0xff: {  	s15 =	simm.s32 $0xC880  }
0x100: {  	[tilespmem:s15], [sflag:$0x1] =	stream.indirect_vreg.gather [hbm4b:s4+s1], $0x80, v4, vm0, $0xb8;
	[tilespmem:$0x10080] =	vst v63  }
0x101: {  	s15 =	simm.s32 $0xD080  }
0x102: {  	[tilespmem:s15], [sflag:$0x1] =	stream.indirect_vreg.gather [hbm4b:s3+s1], $0x80, v3, vm0, $0xb8;
	[tilespmem:$0x10080] =	vst v63  }
0x103: {  	s15 =	simm.s32 $0xD880  }
0x104: {  	[tilespmem:s15], [sflag:$0x1] =	stream.indirect_vreg.gather [hbm4b:s4+s1], $0x80, v3, vm0, $0xb8;
	[tilespmem:$0x10080] =	vst v63  }
0x105: {  	v3 =	vld [tilespmem:$0x70];
	_ =	sdelay $0x4  }
0x106: {  	v63 =	vshll.u32 v3, $0x2  }
0x107: {  	v3 =	vand.u32 $0x7, v3;
	v4 =	vand.u32 $0xFFFFFFE0, v63  }
0x108: {  	v3 =	vor.u32 v3, v4  }
0x109: {  	v4 =	vperm.xlane v3, v0;
	_ =	sdelay $0x1  }
0x10a: {  	v4 =	vadd.s32 v1, v4;
	_ =	sdelay $0x1  }
0x10b: {  	v3 =	vperm.xlane v3, v2;
	_ =	sdelay $0x1  }
0x10c: {  	s15 =	simm.s32 $0xE080;
	v3 =	vadd.s32 v1, v3  }
0x10d: {  	[tilespmem:s15], [sflag:$0x1] =	stream.indirect_vreg.gather [hbm4b:s3+s1], $0x80, v4, vm0, $0xb8;
	[tilespmem:$0x10080] =	vst v63  }
0x10e: {  	s15 =	simm.s32 $0xE880  }
0x10f: {  	[tilespmem:s15], [sflag:$0x1] =	stream.indirect_vreg.gather [hbm4b:s4+s1], $0x80, v4, vm0, $0xb8;
	[tilespmem:$0x10080] =	vst v63  }
0x110: {  	s15 =	simm.s32 $0xF080  }
0x111: {  	[tilespmem:s15], [sflag:$0x1] =	stream.indirect_vreg.gather [hbm4b:s3+s1], $0x80, v3, vm0, $0xb8;
	[tilespmem:$0x10080] =	vst v63  }
0x112: {  	s15 =	simm.s32 $0xF880  }
0x113: {  	[tilespmem:s15], [sflag:$0x1] =	stream.indirect_vreg.gather [hbm4b:s4+s1], $0x80, v3, vm0, $0xb8;
	[tilespmem:$0x10080] =	vst v63  }
0x114: {  	_ =	swait.ge [sflag:s14], $0x10000  }
0x115: {  	p0 =	sne.s32 s5, $0x1;
	s0 =	simm.s32 $0x80;
	[sflag:s14] =	ssyncset.done $0x0  }
.Ltmp0:
0x116: {  	s2 =	rddreg [dreg:$0x5];
	[sflag:s14] =	ssyncadd.s32 $0xFFFF0000;
	(pc) =	sbr.rel @p0 .LBB2_1-.Ltmp0, $4  }
0x117: {  	[hbm4b:s2+s1] =	stream.linear.scatter [tilespmem:s0], [sflag:$0x2], $0x10000, $0x38;
	[tilespmem:$0x10080] =	vst v63  }
0x118: {  	_ =	swait.ge [sflag:s6], $0x10000  }
0x119: {  	[sflag:s6] =	ssyncset.done $0x0  }
0x11a: {  	s5 =	sadd.s32 $0xFFFFFFFF, s5;
	[sflag:s6] =	ssyncadd.s32 $0xFFFF0000  }
0x11b: {  	_ =	sfence.sel $0x180000  }
0x11c: {  	[bflag:$0x0] =	sbarrier.arrive $0xFFFF  }
0x11d: {  	_ =	strace $0x90000050  }
0x11e: {  	s0 =	stileid.u32;
	[bflag:$0x2] =	sbarrier.arrive $0xFFFF  }
0x11f: {  	p0 =	sne.s32 s0, $0x0;
	s0 =	rddreg [dreg:$0x1]  }
0x120: {  	s0 =	sadd.s32 @!p0 $0x100000, s0  }
0x121: {  	[sflag:s0] =	ssyncadd.tile.s32 @!p0 $0x1;
	_ =	shalt  }
.Lfunc_end2:
_tile_overlayer_lowered:
.L_overlay_start_2:
0x122: {  	(tag) =	ssettag $0x2  }
0x123: {  	s0 =	rddreg [dreg:$0x0];
	s2 =	stileid.u32  }
0x124: {  	s1 =	rddreg [dreg:$0x1];
	p0 =	sne.s32 s2, $0x0  }
0x125: {  	s3 =	rddreg [dreg:$0x2];
	[bflag:$0x3] =	sbarrier.arrive $0xFFFF;
	s2 =	simm.s32 @!p0 $0x1C02  }
0x126: {  	[timem:s3], [sflag:s2] =	dma.local @!p0 [hbm:s0], s1  }
0x127: {  	s0 =	simm.s32 @!p0 $0x2  }
0x128: {  	_ =	swait.ge @!p0 [sflag:s0], s1  }
0x129: {  	s1 =	ssub.s32 @!p0 $0x0, s1;
	[sflag:s0] =	ssyncset.done @!p0 $0x0  }
0x12a: {  	[sflag:s0] =	ssyncadd.s32 @!p0 s1  }
0x12b: {  	[bflag:$0x3] =	sbarrier.arrive $0xFFFF  }
0x12c: {  	_ =	shalt  }

</sc_bundles>
